<compile_context>
chip_gen: v7x
topology: tpu7x:2x2x1
jax: 0.10.2.dev20260603
libtpu: 0.0.44.dev20260713+nightly
codegen_flags: <defaults>
</compile_context>

<pallas_src>
import jax
import jax.numpy as jnp
import numpy as np
from jax import lax
from jax.experimental import pallas as pl
from jax.experimental.pallas import tpu as pltpu
from jax.experimental.pallas import tpu_sc as plsc

N = 10000
E = 320000
V = 10000
D = 128
H = 2
C = 128
HC = H * C

CH = 32
EPT = E // 16
NCH = EPT // CH
NPAIR = (NCH - 1) // 2
ROWS_PT = 624
TAIL = N - 16 * ROWS_PT
DROWS = 80
PRE_CH = 24
INV_SQRT_C = float(1.0 / np.sqrt(C))


def _table_body(emb_ref, wq_ref, bq_ref, wk_ref, bk_ref, wv_ref, bv_ref,
                we_ref, wsk_ref, bsk_ref, q_ref, kv_ref, e_ref, s_ref):
    x = emb_ref[...]
    q_ref[0] = jnp.dot(x, wq_ref[...], preferred_element_type=jnp.float32) + bq_ref[...]
    k = jnp.dot(x, wk_ref[...], preferred_element_type=jnp.float32) + bk_ref[...]
    v = jnp.dot(x, wv_ref[...], preferred_element_type=jnp.float32) + bv_ref[...]
    kv_ref[0] = jnp.concatenate([k, v], axis=1)
    e_ref[0] = jnp.dot(x, we_ref[...], preferred_element_type=jnp.float32)
    s_ref[...] = jnp.dot(x, wsk_ref[...], preferred_element_type=jnp.float32) + bsk_ref[...]


def _make_tables(emb, Wq, bq, Wk, bk, Wv, bv, We, Wskip, bskip):
    BV = 2000
    grid = (V // BV, H)
    wspec = pl.BlockSpec((D, C), lambda i, h: (0, h))
    bspec = pl.BlockSpec((1, C), lambda i, h: (0, h))
    return pl.pallas_call(
        _table_body,
        grid=grid,
        in_specs=[
            pl.BlockSpec((BV, D), lambda i, h: (i, 0)),
            wspec, bspec, wspec, bspec, wspec, bspec, wspec,
            pl.BlockSpec((D, HC), lambda i, h: (0, 0)),
            pl.BlockSpec((1, HC), lambda i, h: (0, 0)),
        ],
        out_specs=[
            pl.BlockSpec((1, BV, C), lambda i, h: (h, i, 0)),
            pl.BlockSpec((1, BV, 2 * C), lambda i, h: (h, i, 0)),
            pl.BlockSpec((1, BV, C), lambda i, h: (h, i, 0)),
            pl.BlockSpec((BV, HC), lambda i, h: (i, 0)),
        ],
        out_shape=[
            jax.ShapeDtypeStruct((H, V, C), jnp.float32),
            jax.ShapeDtypeStruct((H, V, 2 * C), jnp.float32),
            jax.ShapeDtypeStruct((H, V, C), jnp.float32),
            jax.ShapeDtypeStruct((V, HC), jnp.float32),
        ],
    )(emb, Wq, bq.reshape(1, HC), Wk, bk.reshape(1, HC),
      Wv, bv.reshape(1, HC), We, Wskip, bskip.reshape(1, HC))


def _edge_body(src_hbm, dst_hbm, et_hbm, xt_hbm, qcat, kvcat, ecat, st_hbm,
               zeros_hbm, acc_out, skipx_out, qn_out, kvn_out,
               srcv0, dstv0, etv0, srcv1, dstv1, etv1,
               qidx0, kidx0, eidx0, qidx1, kidx1, eidx1, sidx0, sidx1,
               iota80, qrows0, qrows1, kvrows0, kvrows1, erows,
               den_ts, denb, aggbuf, acc_sp, denp,
               semg0, semg1, seme, sems0, sems1, semi):
    h = lax.axis_index("c")
    s = lax.axis_index("s")
    lanes = lax.iota(jnp.int32, 16)

    pltpu.sync_copy(zeros_hbm.at[pl.ds(0, ROWS_PT)],
                    acc_sp.at[pl.ds(s * ROWS_PT, ROWS_PT)])

    @pl.when(s == 15)
    def _ztail():
        pltpu.sync_copy(zeros_hbm.at[pl.ds(0, TAIL)],
                        acc_sp.at[pl.ds(16 * ROWS_PT, TAIL)])

    @pl.when(s < 11)
    def _zdenp():
        pltpu.sync_copy(zeros_hbm.at[pl.ds(0, 8)], denp.at[pl.ds(s * 8, 8)])

    pltpu.sync_copy(zeros_hbm.at[pl.ds(0, DROWS)], den_ts)
    for j in range(5):
        iota80[pl.ds(j * 16, 16)] = lanes + j * 16

    hN = h * N
    hV = h * V
    nb0 = s * ROWS_PT

    def pre_rows(b, nrows):
        xb = srcv0.at[pl.ds(0, nrows)]
        pltpu.sync_copy(xt_hbm.at[pl.ds(b, nrows)], xb)
        qidx0[pl.ds(0, 16)] = srcv0[pl.ds(0, 16)] + hV
        qidx0[pl.ds(nrows - 16, 16)] = srcv0[pl.ds(nrows - 16, 16)] + hV
        qb = qidx0.at[pl.ds(0, nrows)]
        cq = pltpu.async_copy(qcat.at[qb], qrows0.at[pl.ds(0, nrows)], semg0)
        ckv = pltpu.async_copy(kvcat.at[qb], kvrows0.at[pl.ds(0, nrows)],
                               semg1)
        cs = pltpu.async_copy(st_hbm.at[xb], kvrows1.at[pl.ds(0, nrows)],
                              seme)
        cq.wait()
        ckv.wait()
        cs.wait()
        pltpu.sync_copy(qrows0.at[pl.ds(0, nrows)],
                        qn_out.at[pl.ds(hN + b, nrows)])
        pltpu.sync_copy(kvrows0.at[pl.ds(0, nrows)],
                        kvn_out.at[pl.ds(hN + b, nrows)])

        @pl.when(h == 0)
        def _skip():
            pltpu.sync_copy(kvrows1.at[pl.ds(0, nrows)],
                            skipx_out.at[pl.ds(b, nrows)])

    def pre_chunk(c, carry):
        pre_rows(nb0 + c * PRE_CH, PRE_CH)
        return carry
    lax.fori_loop(0, ROWS_PT // PRE_CH, pre_chunk, 0)

    @pl.when(s == 15)
    def _pretail():
        pre_rows(16 * ROWS_PT, TAIL)

    plsc.subcore_barrier()

    ebase = s * EPT
    bufs = (
        (srcv0, dstv0, etv0, qidx0, kidx0, eidx0, sidx0, qrows0, kvrows0,
         semg0, sems0),
        (srcv1, dstv1, etv1, qidx1, kidx1, eidx1, sidx1, qrows1, kvrows1,
         semg1, sems1),
    )

    def load_and_bias(ci, p):
        srcv, dstv, etv, qidx, kidx, eidx = bufs[p][:6]
        base = ebase + ci * CH
        i1 = pltpu.async_copy(src_hbm.at[pl.ds(base, CH)], srcv, semi)
        i2 = pltpu.async_copy(dst_hbm.at[pl.ds(base, CH)], dstv, semi)
        i3 = pltpu.async_copy(et_hbm.at[pl.ds(base, CH)], etv, semi)
        i1.wait()
        i2.wait()
        i3.wait()
        for g in range(CH // 16):
            sl = pl.ds(g * 16, 16)
            kidx[sl] = srcv[sl] + hN
            qidx[sl] = dstv[sl] + hN
            eidx[sl] = etv[sl] + hV

    def issue_gathers(p):
        qidx, kidx = bufs[p][3], bufs[p][4]
        qrows, kvrows, semg = bufs[p][7], bufs[p][8], bufs[p][9]
        pltpu.async_copy(qn_out.at[qidx], qrows, semg)
        pltpu.async_copy(kvn_out.at[kidx], kvrows, semg)

    def wait_gathers(p):
        qidx, kidx = bufs[p][3], bufs[p][4]
        qrows, kvrows, semg = bufs[p][7], bufs[p][8], bufs[p][9]
        pltpu.make_async_copy(qn_out.at[qidx], qrows, semg).wait()
        pltpu.make_async_copy(kvn_out.at[kidx], kvrows, semg).wait()

    def compute_chunk(p):
        dstv, qrows, kvrows = bufs[p][1], bufs[p][7], bufs[p][8]

        def group_body(g, c2_):
            def logit_body(r, lv):
                i = g * 16 + r
                acc = jnp.zeros((16,), jnp.float32)
                for jj in range(8):
                    qv = qrows[i, pl.ds(jj * 16, 16)]
                    kv = kvrows[i, pl.ds(jj * 16, 16)]
                    ev = erows[i, pl.ds(jj * 16, 16)]
                    acc = acc + qv * (kv + ev)
                return jnp.where(lanes == r, jnp.sum(acc), lv)
            lv = lax.fori_loop(0, 16, logit_body,
                               jnp.zeros((16,), jnp.float32))
            av = jnp.exp(lv * INV_SQRT_C)
            dv16 = dstv[pl.ds(g * 16, 16)]
            drow = lax.shift_right_logical(dv16, 7)
            dlane = lax.bitwise_and(dv16, 127)

            def msg_body(r, c3_):
                plsc.addupdate_scatter(den_ts, [drow, dlane], av,
                                       mask=lanes == r)
                i = g * 16 + r
                ab = av[jnp.full((16,), r, jnp.int32)]
                for jj in range(8):
                    vv = kvrows[i, pl.ds(128 + jj * 16, 16)]
                    ev = erows[i, pl.ds(jj * 16, 16)]
                    qrows[i, pl.ds(jj * 16, 16)] = (vv + ev) * ab
                return c3_
            lax.fori_loop(0, 16, msg_body, 0)
            return c2_
        lax.fori_loop(0, CH // 16, group_body, 0)

    def issue_scatter(p):
        dstv, sidx, qrows, sems = (bufs[p][1], bufs[p][6], bufs[p][7],
                                   bufs[p][10])
        sidx[pl.ds(0, 16)] = dstv[pl.ds(0, 16)]
        sidx[pl.ds(16, 16)] = dstv[pl.ds(16, 16)]
        pltpu.async_copy(qrows, acc_sp.at[sidx], sems, add=True)

    def drain_scatter(p):
        sidx, qrows, sems = bufs[p][6], bufs[p][7], bufs[p][10]
        pltpu.make_async_copy(qrows, acc_sp.at[sidx], sems).wait()

    def halfstep(cur, ci_next, guard_t=None):
        nxt = 1 - cur
        eidx_c = bufs[cur][5]
        ce = pltpu.async_copy(ecat.at[eidx_c], erows, seme)
        if guard_t is None:
            drain_scatter(nxt)
        else:
            @pl.when(guard_t > 0)
            def _():
                drain_scatter(nxt)
        load_and_bias(ci_next, nxt)
        issue_gathers(nxt)
        wait_gathers(cur)
        ce.wait()
        compute_chunk(cur)
        issue_scatter(cur)

    load_and_bias(0, 0)
    issue_gathers(0)

    def pair_body(t, carry):
        halfstep(0, 2 * t + 1, guard_t=t)
        halfstep(1, 2 * t + 2)
        return carry
    lax.fori_loop(0, NPAIR, pair_body, 0)

    ce = pltpu.async_copy(ecat.at[eidx0], erows, seme)
    drain_scatter(1)
    wait_gathers(0)
    ce.wait()
    compute_chunk(0)
    issue_scatter(0)
    drain_scatter(0)

    pltpu.sync_copy(den_ts, denp.at[iota80], add=True)
    plsc.subcore_barrier()

    r0 = nb0 // 128
    ra = pl.multiple_of(r0 - lax.rem(r0, 8), 8)
    pltpu.sync_copy(denp.at[pl.ds(ra, 16)], denb)
    ngroups = jnp.where(s == 15, (ROWS_PT + TAIL) // 16, ROWS_PT // 16)

    def egroup(jg, carry):
        f = nb0 + jg * 16
        off = f - ra * 128
        row = lax.shift_right_logical(off, 7)
        lane0 = pl.multiple_of(lax.bitwise_and(off, 127), 16)
        dvec = denb[row, pl.ds(lane0, 16)]
        rec = 1.0 / (dvec + 1e-16)
        pltpu.sync_copy(acc_sp.at[pl.ds(f, 16)], aggbuf)

        def row_body(r, c3_):
            rb = rec[jnp.full((16,), r, jnp.int32)]
            for jj in range(8):
                aggbuf[r, pl.ds(jj * 16, 16)] = (
                    aggbuf[r, pl.ds(jj * 16, 16)] * rb)
            return c3_
        lax.fori_loop(0, 16, row_body, 0)
        pltpu.sync_copy(aggbuf, acc_out.at[pl.ds(h * N + f, 16)])
        return carry
    lax.fori_loop(0, ngroups, egroup, 0)


def _edge_pass(src, dst, et, xt, qcat, kvcat, ecat, st, zeros):
    mesh = plsc.VectorSubcoreMesh(core_axis_name="c", subcore_axis_name="s",
                                  num_cores=2, num_subcores=16)
    call = pl.kernel(
        _edge_body,
        out_type=[
            jax.ShapeDtypeStruct((H * N, C), jnp.float32),
            jax.ShapeDtypeStruct((N, HC), jnp.float32),
            jax.ShapeDtypeStruct((H * N, C), jnp.float32),
            jax.ShapeDtypeStruct((H * N, 2 * C), jnp.float32),
        ],
        mesh=mesh,
        scratch_types=[
            pltpu.VMEM((CH,), jnp.int32),
            pltpu.VMEM((CH,), jnp.int32),
            pltpu.VMEM((CH,), jnp.int32),
            pltpu.VMEM((CH,), jnp.int32),
            pltpu.VMEM((CH,), jnp.int32),
            pltpu.VMEM((CH,), jnp.int32),
            pltpu.VMEM((CH,), jnp.int32),
            pltpu.VMEM((CH,), jnp.int32),
            pltpu.VMEM((CH,), jnp.int32),
            pltpu.VMEM((CH,), jnp.int32),
            pltpu.VMEM((CH,), jnp.int32),
            pltpu.VMEM((CH,), jnp.int32),
            pltpu.VMEM((CH,), jnp.int32),
            pltpu.VMEM((CH,), jnp.int32),
            pltpu.VMEM((DROWS,), jnp.int32),
            pltpu.VMEM((CH, C), jnp.float32),
            pltpu.VMEM((CH, C), jnp.float32),
            pltpu.VMEM((CH, 2 * C), jnp.float32),
            pltpu.VMEM((CH, 2 * C), jnp.float32),
            pltpu.VMEM((CH, C), jnp.float32),
            pltpu.VMEM((DROWS, 128), jnp.float32),
            pltpu.VMEM((16, 128), jnp.float32),
            pltpu.VMEM((16, C), jnp.float32),
            pltpu.VMEM_SHARED((N, C), jnp.float32),
            pltpu.VMEM_SHARED((DROWS + 8, 128), jnp.float32),
            pltpu.SemaphoreType.DMA,
            pltpu.SemaphoreType.DMA,
            pltpu.SemaphoreType.DMA,
            pltpu.SemaphoreType.DMA,
            pltpu.SemaphoreType.DMA,
            pltpu.SemaphoreType.DMA,
        ],
        compiler_params=pltpu.CompilerParams(needs_layout_passes=False),
    )
    return call(src, dst, et, xt, qcat, kvcat, ecat, st, zeros)


def _final_body(acc_ref, skip_ref, w1_ref, b1_ref, y_ref):
    out = jnp.concatenate([acc_ref[0], acc_ref[1]], axis=1) + skip_ref[...]
    hfeat = jnp.maximum(out, 0.0)
    y = jnp.dot(hfeat, w1_ref[...], preferred_element_type=jnp.float32)
    y_ref[...] = jnp.maximum(y + b1_ref[...], 0.0)


def _finish(acc3, skipx, W1, b1):
    BN = 1000
    return pl.pallas_call(
        _final_body,
        grid=(N // BN,),
        in_specs=[
            pl.BlockSpec((H, BN, C), lambda i: (0, i, 0)),
            pl.BlockSpec((BN, HC), lambda i: (i, 0)),
            pl.BlockSpec((HC, D), lambda i: (0, 0)),
            pl.BlockSpec((1, D), lambda i: (0, 0)),
        ],
        out_specs=pl.BlockSpec((BN, D), lambda i: (i, 0)),
        out_shape=jax.ShapeDtypeStruct((N, D), jnp.float32),
    )(acc3, skipx, W1, b1.reshape(1, D))


def kernel(x_tokens, edge_index, edge_attr_tokens, emb, Wq, bq, Wk, bk,
           Wv, bv, We, Wskip, bskip, W1, b1):
    xt = x_tokens.astype(jnp.int32)
    src = edge_index[0].astype(jnp.int32)
    dst = edge_index[1].astype(jnp.int32)
    et = edge_attr_tokens.astype(jnp.int32)

    qt, kvt, et_tab, st = _make_tables(emb, Wq, bq, Wk, bk, Wv, bv, We,
                                       Wskip, bskip)
    zeros = jnp.zeros((ROWS_PT, C), jnp.float32)
    agg, skipx, _, _ = _edge_pass(src, dst, et, xt,
                                  qt.reshape(H * V, C),
                                  kvt.reshape(H * V, 2 * C),
                                  et_tab.reshape(H * V, C), st, zeros)
    return _finish(agg.reshape(H, N, C), skipx, W1, b1)

# --- scband reference (transcript-rebuilt; emitter-appended) ---
"""Pipeline reference for scband-test-nn-26431228739616 (READ-ONLY COPY).

The authoritative reference and input builder live on the scoring server;
editing this copy changes nothing except your own understanding.
"""

import jax, jax.numpy as jnp
import numpy as np

N = 10000   # nodes
E = 320000  # edges
V = 10000   # token vocab (num_token_embeddings)
D = 128     # token_embedding_dim (in/out channels, edge_dim)
H = 2       # conv_heads
C = 128     # out_channels per head
PAD = 0     # padding_idx


def setup_inputs(seed: int = 0) -> dict:
    key = jax.random.key(seed)
    ks = jax.random.split(key, 16)
    s = 1.0 / np.sqrt(D)
    emb = jax.random.normal(ks[0], (V, D), jnp.float32) * 0.02
    emb = emb.at[PAD].set(0.0)
    Wq = jax.random.normal(ks[1], (D, H * C), jnp.float32) * s
    bq = jnp.zeros((H * C,), jnp.float32)
    Wk = jax.random.normal(ks[2], (D, H * C), jnp.float32) * s
    bk = jnp.zeros((H * C,), jnp.float32)
    Wv = jax.random.normal(ks[3], (D, H * C), jnp.float32) * s
    bv = jnp.zeros((H * C,), jnp.float32)
    We = jax.random.normal(ks[4], (D, H * C), jnp.float32) * s   # lin_edge, no bias
    Wskip = jax.random.normal(ks[5], (D, H * C), jnp.float32) * s  # root weight
    bskip = jnp.zeros((H * C,), jnp.float32)
    W1 = jax.random.normal(ks[6], (H * C, D), jnp.float32) / np.sqrt(H * C)  # contract_conv1
    b1 = jnp.zeros((D,), jnp.float32)
    x_tokens = jax.random.randint(ks[8], (N,), 0, V, jnp.int64 if jax.config.jax_enable_x64 else jnp.int32)
    edge_index = jax.random.randint(ks[9], (2, E), 0, N, jnp.int64 if jax.config.jax_enable_x64 else jnp.int32)
    edge_attr_tokens = jax.random.randint(ks[10], (E,), 0, V, jnp.int64 if jax.config.jax_enable_x64 else jnp.int32)
    return {
        'x_tokens': x_tokens,
        'edge_index': edge_index,
        'edge_attr_tokens': edge_attr_tokens,
        'emb': emb,
        'Wq': Wq, 'bq': bq, 'Wk': Wk, 'bk': bk, 'Wv': Wv, 'bv': bv,
        'We': We, 'Wskip': Wskip, 'bskip': bskip, 'W1': W1, 'b1': b1,
    }


def reference(x_tokens, edge_index, edge_attr_tokens, emb, Wq, bq, Wk, bk, Wv, bv, We, Wskip, bskip, W1, b1):
    # token embedding lookups (gather)
    x = jnp.take(emb, x_tokens, axis=0)              # [N, D]
    e = jnp.take(emb, edge_attr_tokens, axis=0)      # [E, D]
    # TransformerConv projections
    q = (x @ Wq + bq).reshape(N, H, C)
    k = (x @ Wk + bk).reshape(N, H, C)
    v = (x @ Wv + bv).reshape(N, H, C)
    ee = (e @ We).reshape(E, H, C)
    src = edge_index[0]
    dst = edge_index[1]
    kj = jnp.take(k, src, axis=0) + ee               # [E, H, C]
    qi = jnp.take(q, dst, axis=0)                    # [E, H, C]
    logits = jnp.sum(qi * kj, axis=-1) / np.sqrt(C)  # [E, H]
    # softmax over incoming edges per destination node
    m = jax.ops.segment_max(logits, dst, num_segments=N)
    m = jnp.where(jnp.isfinite(m), m, 0.0)
    a = jnp.exp(logits - jnp.take(m, dst, axis=0))
    denom = jax.ops.segment_sum(a, dst, num_segments=N)
    alpha = a / (jnp.take(denom, dst, axis=0) + 1e-16)  # [E, H]
    msg = (jnp.take(v, src, axis=0) + ee) * alpha[:, :, None]
    agg = jax.ops.segment_sum(msg, dst, num_segments=N).reshape(N, H * C)
    out = agg + x @ Wskip + bskip                     # root/skip connection
    h = jax.nn.relu(out)
    y = jax.nn.relu(h @ W1 + b1)                      # contract_conv1
    return y                                          # [N, D]

if __name__ == "__main__":
    import jax
    _d = setup_inputs()
    print(jax.jit(kernel)(*tuple(_d.values())))

</pallas_src>

<mosaic_0001>
#map = affine_map<(d0, d1) -> (0)>
#map1 = affine_map<(d0, d1) -> (0, 0)>
module attributes {stable_mosaic.version = 14 : i64} {
  func.func @_edge_body(%arg0: i32, %arg1: i32, %arg2: memref<320000xi32, #tpu.memory_space<hbm>>, %arg3: memref<320000xi32, #tpu.memory_space<hbm>>, %arg4: memref<320000xi32, #tpu.memory_space<hbm>>, %arg5: memref<10000xi32, #tpu.memory_space<hbm>>, %arg6: memref<20000x128xf32, #tpu.memory_space<hbm>>, %arg7: memref<20000x256xf32, #tpu.memory_space<hbm>>, %arg8: memref<20000x128xf32, #tpu.memory_space<hbm>>, %arg9: memref<10000x256xf32, #tpu.memory_space<hbm>>, %arg10: memref<624x128xf32, #tpu.memory_space<hbm>>, %arg11: memref<20000x128xf32, #tpu.memory_space<hbm>>, %arg12: memref<10000x256xf32, #tpu.memory_space<hbm>>, %arg13: memref<20000x128xf32, #tpu.memory_space<hbm>>, %arg14: memref<20000x256xf32, #tpu.memory_space<hbm>>, %arg15: memref<32xi32, #tpu.memory_space<vmem>>, %arg16: memref<32xi32, #tpu.memory_space<vmem>>, %arg17: memref<32xi32, #tpu.memory_space<vmem>>, %arg18: memref<32xi32, #tpu.memory_space<vmem>>, %arg19: memref<32xi32, #tpu.memory_space<vmem>>, %arg20: memref<32xi32, #tpu.memory_space<vmem>>, %arg21: memref<32xi32, #tpu.memory_space<vmem>>, %arg22: memref<32xi32, #tpu.memory_space<vmem>>, %arg23: memref<32xi32, #tpu.memory_space<vmem>>, %arg24: memref<32xi32, #tpu.memory_space<vmem>>, %arg25: memref<32xi32, #tpu.memory_space<vmem>>, %arg26: memref<32xi32, #tpu.memory_space<vmem>>, %arg27: memref<32xi32, #tpu.memory_space<vmem>>, %arg28: memref<32xi32, #tpu.memory_space<vmem>>, %arg29: memref<80xi32, #tpu.memory_space<vmem>>, %arg30: memref<32x128xf32, #tpu.memory_space<vmem>>, %arg31: memref<32x128xf32, #tpu.memory_space<vmem>>, %arg32: memref<32x256xf32, #tpu.memory_space<vmem>>, %arg33: memref<32x256xf32, #tpu.memory_space<vmem>>, %arg34: memref<32x128xf32, #tpu.memory_space<vmem>>, %arg35: memref<80x128xf32, #tpu.memory_space<vmem>>, %arg36: memref<16x128xf32, #tpu.memory_space<vmem>>, %arg37: memref<16x128xf32, #tpu.memory_space<vmem>>, %arg38: memref<10000x128xf32, #tpu.memory_space<vmem_shared>>, %arg39: memref<88x128xf32, #tpu.memory_space<vmem_shared>>, %arg40: memref<!tpu.dma_semaphore, #tpu.memory_space<semaphore_mem>>, %arg41: memref<!tpu.dma_semaphore, #tpu.memory_space<semaphore_mem>>, %arg42: memref<!tpu.dma_semaphore, #tpu.memory_space<semaphore_mem>>, %arg43: memref<!tpu.dma_semaphore, #tpu.memory_space<semaphore_mem>>, %arg44: memref<!tpu.dma_semaphore, #tpu.memory_space<semaphore_mem>>, %arg45: memref<!tpu.dma_semaphore, #tpu.memory_space<semaphore_mem>>) attributes {dimension_semantics = [#tpu.dimension_semantics<core_parallel>, #tpu.dimension_semantics<subcore_parallel>], iteration_bounds = array<i64: 2, 16>, scalar_prefetch = 0 : i64, scratch_operands = 31 : i64, tpu.core_type = #tpu.core_type<sc_vector_subcore>, window_params = [{transform_indices = #map}, {transform_indices = #map}, {transform_indices = #map}, {transform_indices = #map}, {transform_indices = #map1}, {transform_indices = #map1}, {transform_indices = #map1}, {transform_indices = #map1}, {transform_indices = #map1}, {transform_indices = #map1}, {transform_indices = #map1}, {transform_indices = #map1}, {transform_indices = #map1}]} {
    %iota3A = tpu.iota {dimensions = array<i32: 0>} : vector<16xi32>
    %mul3A = arith.constant 624 : i32
    %mul3A_0 = arith.muli %arg1, %mul3A : i32
    "tpu.region"() ({
      %run_scoped3A = tpu.sem_alloc : memref<!tpu.dma_semaphore, #tpu.memory_space<semaphore_mem>>
      %dma_start3A_176 = arith.constant 0 : i32
      %dma_start3A_177 = tpu.memref_slice %arg38[%mul3A_0, %dma_start3A_176] : memref<10000x128xf32, #tpu.memory_space<vmem_shared>> -> memref<624x128xf32, #tpu.memory_space<vmem_shared>>
      %dma_start3A_178 = arith.constant 0 : i32
      %dma_start3A_179 = arith.constant 0 : i32
      %dma_start3A_180 = tpu.memref_slice %arg10[%dma_start3A_178, %dma_start3A_179] : memref<624x128xf32, #tpu.memory_space<hbm>> -> memref<624x128xf32, #tpu.memory_space<hbm>>
      tpu.enqueue_dma source(%dma_start3A_180 : memref<624x128xf32, #tpu.memory_space<hbm>>) target(%dma_start3A_177 : memref<624x128xf32, #tpu.memory_space<vmem_shared>>) target_semaphore(%run_scoped3A : memref<!tpu.dma_semaphore, #tpu.memory_space<semaphore_mem>>)
      %dma_wait3A_181 = arith.constant 0 : i32
      %dma_wait3A_182 = tpu.memref_slice %arg38[%mul3A_0, %dma_wait3A_181] : memref<10000x128xf32, #tpu.memory_space<vmem_shared>> -> memref<624x128xf32, #tpu.memory_space<vmem_shared>>
      %dma_wait3A_183 = arith.constant 0 : i32
      %dma_wait3A_184 = arith.constant 0 : i32
      %dma_wait3A_185 = tpu.memref_slice %arg10[%dma_wait3A_183, %dma_wait3A_184] : memref<624x128xf32, #tpu.memory_space<hbm>> -> memref<624x128xf32, #tpu.memory_space<hbm>>
      tpu.wait_dma2 semaphore(%run_scoped3A : memref<!tpu.dma_semaphore, #tpu.memory_space<semaphore_mem>>) src(%dma_wait3A_185 : memref<624x128xf32, #tpu.memory_space<hbm>>) dst(%dma_wait3A_182 : memref<624x128xf32, #tpu.memory_space<vmem_shared>>)
      tpu.yield
    }) : () -> ()
    %eq3A = arith.constant 15 : i32
    %eq3A_1 = arith.cmpi eq, %arg1, %eq3A : i32
    %convert_element_type3A = arith.extui %eq3A_1 : i1 to i32
    %cond3A = arith.constant 0 : i32
    %cond3A_2 = arith.cmpi ne, %convert_element_type3A, %cond3A : i32
    scf.if %cond3A_2 {
      "tpu.region"() ({
        %run_scoped3A = tpu.sem_alloc : memref<!tpu.dma_semaphore, #tpu.memory_space<semaphore_mem>>
        %dma_start3A_176 = arith.constant 9984 : i32
        %dma_start3A_177 = arith.constant 0 : i32
        %dma_start3A_178 = tpu.memref_slice %arg38[%dma_start3A_176, %dma_start3A_177] : memref<10000x128xf32, #tpu.memory_space<vmem_shared>> -> memref<16x128xf32, #tpu.memory_space<vmem_shared>>
        %dma_start3A_179 = arith.constant 0 : i32
        %dma_start3A_180 = arith.constant 0 : i32
        %dma_start3A_181 = tpu.memref_slice %arg10[%dma_start3A_179, %dma_start3A_180] : memref<624x128xf32, #tpu.memory_space<hbm>> -> memref<16x128xf32, #tpu.memory_space<hbm>>
        tpu.enqueue_dma source(%dma_start3A_181 : memref<16x128xf32, #tpu.memory_space<hbm>>) target(%dma_start3A_178 : memref<16x128xf32, #tpu.memory_space<vmem_shared>>) target_semaphore(%run_scoped3A : memref<!tpu.dma_semaphore, #tpu.memory_space<semaphore_mem>>)
        %dma_wait3A_182 = arith.constant 9984 : i32
        %dma_wait3A_183 = arith.constant 0 : i32
        %dma_wait3A_184 = tpu.memref_slice %arg38[%dma_wait3A_182, %dma_wait3A_183] : memref<10000x128xf32, #tpu.memory_space<vmem_shared>> -> memref<16x128xf32, #tpu.memory_space<vmem_shared>>
        %dma_wait3A_185 = arith.constant 0 : i32
        %dma_wait3A_186 = arith.constant 0 : i32
        %dma_wait3A_187 = tpu.memref_slice %arg10[%dma_wait3A_185, %dma_wait3A_186] : memref<624x128xf32, #tpu.memory_space<hbm>> -> memref<16x128xf32, #tpu.memory_space<hbm>>
        tpu.wait_dma2 semaphore(%run_scoped3A : memref<!tpu.dma_semaphore, #tpu.memory_space<semaphore_mem>>) src(%dma_wait3A_187 : memref<16x128xf32, #tpu.memory_space<hbm>>) dst(%dma_wait3A_184 : memref<16x128xf32, #tpu.memory_space<vmem_shared>>)
        tpu.yield
      }) : () -> ()
    } else {
    }
    %lt3A = arith.constant 11 : i32
    %lt3A_3 = arith.cmpi slt, %arg1, %lt3A : i32
    %convert_element_type3A_4 = arith.extui %lt3A_3 : i1 to i32
    %cond3A_5 = arith.constant 0 : i32
    %cond3A_6 = arith.cmpi ne, %convert_element_type3A_4, %cond3A_5 : i32
    scf.if %cond3A_6 {
      %mul3A_176 = arith.constant 8 : i32
      %mul3A_177 = arith.muli %arg1, %mul3A_176 : i32
      "tpu.region"() ({
        %run_scoped3A = tpu.sem_alloc : memref<!tpu.dma_semaphore, #tpu.memory_space<semaphore_mem>>
        %dma_start3A_178 = arith.constant 0 : i32
        %dma_start3A_179 = tpu.memref_slice %arg39[%mul3A_177, %dma_start3A_178] : memref<88x128xf32, #tpu.memory_space<vmem_shared>> -> memref<8x128xf32, #tpu.memory_space<vmem_shared>>
        %dma_start3A_180 = arith.constant 0 : i32
        %dma_start3A_181 = arith.constant 0 : i32
        %dma_start3A_182 = tpu.memref_slice %arg10[%dma_start3A_180, %dma_start3A_181] : memref<624x128xf32, #tpu.memory_space<hbm>> -> memref<8x128xf32, #tpu.memory_space<hbm>>
        tpu.enqueue_dma source(%dma_start3A_182 : memref<8x128xf32, #tpu.memory_space<hbm>>) target(%dma_start3A_179 : memref<8x128xf32, #tpu.memory_space<vmem_shared>>) target_semaphore(%run_scoped3A : memref<!tpu.dma_semaphore, #tpu.memory_space<semaphore_mem>>)
        %dma_wait3A_183 = arith.constant 0 : i32
        %dma_wait3A_184 = tpu.memref_slice %arg39[%mul3A_177, %dma_wait3A_183] : memref<88x128xf32, #tpu.memory_space<vmem_shared>> -> memref<8x128xf32, #tpu.memory_space<vmem_shared>>
        %dma_wait3A_185 = arith.constant 0 : i32
        %dma_wait3A_186 = arith.constant 0 : i32
        %dma_wait3A_187 = tpu.memref_slice %arg10[%dma_wait3A_185, %dma_wait3A_186] : memref<624x128xf32, #tpu.memory_space<hbm>> -> memref<8x128xf32, #tpu.memory_space<hbm>>
        tpu.wait_dma2 semaphore(%run_scoped3A : memref<!tpu.dma_semaphore, #tpu.memory_space<semaphore_mem>>) src(%dma_wait3A_187 : memref<8x128xf32, #tpu.memory_space<hbm>>) dst(%dma_wait3A_184 : memref<8x128xf32, #tpu.memory_space<vmem_shared>>)
        tpu.yield
      }) : () -> ()
    } else {
    }
    "tpu.region"() ({
      %run_scoped3A = tpu.sem_alloc : memref<!tpu.dma_semaphore, #tpu.memory_space<semaphore_mem>>
      %dma_start3A_176 = arith.constant 0 : i32
      %dma_start3A_177 = arith.constant 0 : i32
      %dma_start3A_178 = tpu.memref_slice %arg10[%dma_start3A_176, %dma_start3A_177] : memref<624x128xf32, #tpu.memory_space<hbm>> -> memref<80x128xf32, #tpu.memory_space<hbm>>
      %dma_start3A_179 = arith.constant 0 : i32
      %dma_start3A_180 = arith.constant 0 : i32
      %dma_start3A_181 = tpu.memref_slice %arg10[%dma_start3A_179, %dma_start3A_180] : memref<624x128xf32, #tpu.memory_space<hbm>> -> memref<80x128xf32, #tpu.memory_space<hbm>>
      tpu.enqueue_dma source(%dma_start3A_181 : memref<80x128xf32, #tpu.memory_space<hbm>>) target(%arg35 : memref<80x128xf32, #tpu.memory_space<vmem>>) target_semaphore(%run_scoped3A : memref<!tpu.dma_semaphore, #tpu.memory_space<semaphore_mem>>)
      %dma_wait3A_182 = arith.constant 0 : i32
      %dma_wait3A_183 = arith.constant 0 : i32
      %dma_wait3A_184 = tpu.memref_slice %arg10[%dma_wait3A_182, %dma_wait3A_183] : memref<624x128xf32, #tpu.memory_space<hbm>> -> memref<80x128xf32, #tpu.memory_space<hbm>>
      %dma_wait3A_185 = arith.constant 0 : i32
      %dma_wait3A_186 = arith.constant 0 : i32
      %dma_wait3A_187 = tpu.memref_slice %arg10[%dma_wait3A_185, %dma_wait3A_186] : memref<624x128xf32, #tpu.memory_space<hbm>> -> memref<80x128xf32, #tpu.memory_space<hbm>>
      tpu.wait_dma2 semaphore(%run_scoped3A : memref<!tpu.dma_semaphore, #tpu.memory_space<semaphore_mem>>) src(%dma_wait3A_187 : memref<80x128xf32, #tpu.memory_space<hbm>>) dst(%arg35 : memref<80x128xf32, #tpu.memory_space<vmem>>)
      tpu.yield
    }) : () -> ()
    %add3A = arith.constant 0 : i32
    %add3A_7 = vector.broadcast %add3A : i32 to vector<16xi32>
    %add3A_8 = arith.addi %iota3A, %add3A_7 : vector<16xi32>
    %swap3A = arith.constant 0 : index
    %swap3A_9 = tpu.vector_load %arg29[%swap3A] {strides = array<i32>} : memref<80xi32, #tpu.memory_space<vmem>>, vector<16xi32>,
    tpu.vector_store %arg29[%swap3A], %add3A_8 {strides = array<i32>} : memref<80xi32, #tpu.memory_space<vmem>>, vector<16xi32>,
    %add3A_10 = arith.constant 16 : i32
    %add3A_11 = vector.broadcast %add3A_10 : i32 to vector<16xi32>
    %add3A_12 = arith.addi %iota3A, %add3A_11 : vector<16xi32>
    %swap3A_13 = arith.constant 16 : index
    %swap3A_14 = tpu.vector_load %arg29[%swap3A_13] {strides = array<i32>} : memref<80xi32, #tpu.memory_space<vmem>>, vector<16xi32>,
    tpu.vector_store %arg29[%swap3A_13], %add3A_12 {strides = array<i32>} : memref<80xi32, #tpu.memory_space<vmem>>, vector<16xi32>,
    %add3A_15 = arith.constant 32 : i32
    %add3A_16 = vector.broadcast %add3A_15 : i32 to vector<16xi32>
    %add3A_17 = arith.addi %iota3A, %add3A_16 : vector<16xi32>
    %swap3A_18 = arith.constant 32 : index
    %swap3A_19 = tpu.vector_load %arg29[%swap3A_18] {strides = array<i32>} : memref<80xi32, #tpu.memory_space<vmem>>, vector<16xi32>,
    tpu.vector_store %arg29[%swap3A_18], %add3A_17 {strides = array<i32>} : memref<80xi32, #tpu.memory_space<vmem>>, vector<16xi32>,
    %add3A_20 = arith.constant 48 : i32
    %add3A_21 = vector.broadcast %add3A_20 : i32 to vector<16xi32>
    %add3A_22 = arith.addi %iota3A, %add3A_21 : vector<16xi32>
    %swap3A_23 = arith.constant 48 : index
    %swap3A_24 = tpu.vector_load %arg29[%swap3A_23] {strides = array<i32>} : memref<80xi32, #tpu.memory_space<vmem>>, vector<16xi32>,
    tpu.vector_store %arg29[%swap3A_23], %add3A_22 {strides = array<i32>} : memref<80xi32, #tpu.memory_space<vmem>>, vector<16xi32>,
    %add3A_25 = arith.constant 64 : i32
    %add3A_26 = vector.broadcast %add3A_25 : i32 to vector<16xi32>
    %add3A_27 = arith.addi %iota3A, %add3A_26 : vector<16xi32>
    %swap3A_28 = arith.constant 64 : index
    %swap3A_29 = tpu.vector_load %arg29[%swap3A_28] {strides = array<i32>} : memref<80xi32, #tpu.memory_space<vmem>>, vector<16xi32>,
    tpu.vector_store %arg29[%swap3A_28], %add3A_27 {strides = array<i32>} : memref<80xi32, #tpu.memory_space<vmem>>, vector<16xi32>,
    %mul3A_30 = arith.constant 10000 : i32
    %mul3A_31 = arith.muli %arg0, %mul3A_30 : i32
    %mul3A_32 = arith.constant 10000 : i32
    %mul3A_33 = arith.muli %arg0, %mul3A_32 : i32
    %mul3A_34 = arith.constant 624 : i32
    %mul3A_35 = arith.muli %arg1, %mul3A_34 : i32
    %scan3A = arith.constant 0 : i32
    %scan3A_36 = arith.constant 0 : i32
    %scan3A_37 = arith.constant 26 : i32
    %scan3A_38 = arith.addi %scan3A_36, %scan3A_37 : i32
    %scan3A_39 = arith.constant 1 : i32
    scf.for %scan3A_176 = %scan3A_36 to %scan3A_38 step %scan3A_39  : i32 {
      %mul3A_177 = arith.constant 24 : i32
      %mul3A_178 = arith.muli %scan3A_176, %mul3A_177 : i32
      %add3A_179 = arith.addi %mul3A_35, %mul3A_178 : i32
      "tpu.region"() ({
        %run_scoped3A = tpu.sem_alloc : memref<!tpu.dma_semaphore, #tpu.memory_space<semaphore_mem>>
        %dma_start3A_247 = arith.constant 0 : i32
        %dma_start3A_248 = tpu.memref_slice %arg15[%dma_start3A_247] : memref<32xi32, #tpu.memory_space<vmem>> -> memref<24xi32, #tpu.memory_space<vmem>>
        %dma_start3A_249 = tpu.memref_slice %arg5[%add3A_179] : memref<10000xi32, #tpu.memory_space<hbm>> -> memref<24xi32, #tpu.memory_space<hbm>>
        %dma_start3A_250 = arith.constant 0 : i32
        %dma_start3A_251 = tpu.memref_slice %arg15[%dma_start3A_250] : memref<32xi32, #tpu.memory_space<vmem>> -> memref<24xi32, #tpu.memory_space<vmem>>
        %dma_start3A_252 = tpu.memref_slice %arg5[%add3A_179] : memref<10000xi32, #tpu.memory_space<hbm>> -> memref<24xi32, #tpu.memory_space<hbm>>
        tpu.enqueue_dma source(%dma_start3A_252 : memref<24xi32, #tpu.memory_space<hbm>>) target(%dma_start3A_251 : memref<24xi32, #tpu.memory_space<vmem>>) target_semaphore(%run_scoped3A : memref<!tpu.dma_semaphore, #tpu.memory_space<semaphore_mem>>)
        %dma_wait3A_253 = arith.constant 0 : i32
        %dma_wait3A_254 = tpu.memref_slice %arg15[%dma_wait3A_253] : memref<32xi32, #tpu.memory_space<vmem>> -> memref<24xi32, #tpu.memory_space<vmem>>
        %dma_wait3A_255 = tpu.memref_slice %arg5[%add3A_179] : memref<10000xi32, #tpu.memory_space<hbm>> -> memref<24xi32, #tpu.memory_space<hbm>>
        %dma_wait3A_256 = arith.constant 0 : i32
        %dma_wait3A_257 = tpu.memref_slice %arg15[%dma_wait3A_256] : memref<32xi32, #tpu.memory_space<vmem>> -> memref<24xi32, #tpu.memory_space<vmem>>
        %dma_wait3A_258 = tpu.memref_slice %arg5[%add3A_179] : memref<10000xi32, #tpu.memory_space<hbm>> -> memref<24xi32, #tpu.memory_space<hbm>>
        tpu.wait_dma2 semaphore(%run_scoped3A : memref<!tpu.dma_semaphore, #tpu.memory_space<semaphore_mem>>) src(%dma_wait3A_258 : memref<24xi32, #tpu.memory_space<hbm>>) dst(%dma_wait3A_257 : memref<24xi32, #tpu.memory_space<vmem>>)
        tpu.yield
      }) : () -> ()
      %get3A_180 = arith.constant 0 : index
      %get3A_181 = tpu.vector_load %arg15[%get3A_180] {strides = array<i32>} : memref<32xi32, #tpu.memory_space<vmem>>, vector<16xi32>,
      %add3A_182 = vector.broadcast %mul3A_33 : i32 to vector<16xi32>
      %add3A_183 = arith.addi %get3A_181, %add3A_182 : vector<16xi32>
      %swap3A_184 = arith.constant 0 : index
      %swap3A_185 = tpu.vector_load %arg21[%swap3A_184] {strides = array<i32>} : memref<32xi32, #tpu.memory_space<vmem>>, vector<16xi32>,
      tpu.vector_store %arg21[%swap3A_184], %add3A_183 {strides = array<i32>} : memref<32xi32, #tpu.memory_space<vmem>>, vector<16xi32>,
      %get3A_186 = arith.constant 8 : index
      %get3A_187 = tpu.vector_load %arg15[%get3A_186] {strides = array<i32>} : memref<32xi32, #tpu.memory_space<vmem>>, vector<16xi32>,
      %add3A_188 = vector.broadcast %mul3A_33 : i32 to vector<16xi32>
      %add3A_189 = arith.addi %get3A_187, %add3A_188 : vector<16xi32>
      %swap3A_190 = arith.constant 8 : index
      %swap3A_191 = tpu.vector_load %arg21[%swap3A_190] {strides = array<i32>} : memref<32xi32, #tpu.memory_space<vmem>>, vector<16xi32>,
      tpu.vector_store %arg21[%swap3A_190], %add3A_189 {strides = array<i32>} : memref<32xi32, #tpu.memory_space<vmem>>, vector<16xi32>,
      %dma_start3A_192 = arith.constant 0 : i32
      %dma_start3A_193 = arith.constant 0 : i32
      %dma_start3A_194 = tpu.memref_slice %arg30[%dma_start3A_192, %dma_start3A_193] : memref<32x128xf32, #tpu.memory_space<vmem>> -> memref<24x128xf32, #tpu.memory_space<vmem>>
      %dma_start3A_195 = arith.constant 0 : i32
      %dma_start3A_196 = tpu.memref_slice %arg21[%dma_start3A_195] : memref<32xi32, #tpu.memory_space<vmem>> -> memref<24xi32, #tpu.memory_space<vmem>>
      %dma_start3A_197 = arith.constant 0 : i32
      %dma_start3A_198 = arith.constant 0 : i32
      %dma_start3A_199 = tpu.memref_slice %arg6[%dma_start3A_197, %dma_start3A_198] : memref<20000x128xf32, #tpu.memory_space<hbm>> -> memref<20000x128xf32, #tpu.memory_space<hbm>>
      tpu.enqueue_indirect_dma source(%dma_start3A_199 : memref<20000x128xf32, #tpu.memory_space<hbm>>) target(%dma_start3A_194 : memref<24x128xf32, #tpu.memory_space<vmem>>) offsets(%dma_start3A_196 : memref<24xi32, #tpu.memory_space<vmem>>) semaphore(%arg40 : memref<!tpu.dma_semaphore, #tpu.memory_space<semaphore_mem>>)
      %dma_start3A_200 = arith.constant 0 : i32
      %dma_start3A_201 = arith.constant 0 : i32
      %dma_start3A_202 = tpu.memref_slice %arg32[%dma_start3A_200, %dma_start3A_201] : memref<32x256xf32, #tpu.memory_space<vmem>> -> memref<24x256xf32, #tpu.memory_space<vmem>>
      %dma_start3A_203 = arith.constant 0 : i32
      %dma_start3A_204 = tpu.memref_slice %arg21[%dma_start3A_203] : memref<32xi32, #tpu.memory_space<vmem>> -> memref<24xi32, #tpu.memory_space<vmem>>
      %dma_start3A_205 = arith.constant 0 : i32
      %dma_start3A_206 = arith.constant 0 : i32
      %dma_start3A_207 = tpu.memref_slice %arg7[%dma_start3A_205, %dma_start3A_206] : memref<20000x256xf32, #tpu.memory_space<hbm>> -> memref<20000x256xf32, #tpu.memory_space<hbm>>
      tpu.enqueue_indirect_dma source(%dma_start3A_207 : memref<20000x256xf32, #tpu.memory_space<hbm>>) target(%dma_start3A_202 : memref<24x256xf32, #tpu.memory_space<vmem>>) offsets(%dma_start3A_204 : memref<24xi32, #tpu.memory_space<vmem>>) semaphore(%arg41 : memref<!tpu.dma_semaphore, #tpu.memory_space<semaphore_mem>>)
      %dma_start3A_208 = arith.constant 0 : i32
      %dma_start3A_209 = arith.constant 0 : i32
      %dma_start3A_210 = tpu.memref_slice %arg33[%dma_start3A_208, %dma_start3A_209] : memref<32x256xf32, #tpu.memory_space<vmem>> -> memref<24x256xf32, #tpu.memory_space<vmem>>
      %dma_start3A_211 = arith.constant 0 : i32
      %dma_start3A_212 = tpu.memref_slice %arg15[%dma_start3A_211] : memref<32xi32, #tpu.memory_space<vmem>> -> memref<24xi32, #tpu.memory_space<vmem>>
      %dma_start3A_213 = arith.constant 0 : i32
      %dma_start3A_214 = arith.constant 0 : i32
      %dma_start3A_215 = tpu.memref_slice %arg9[%dma_start3A_213, %dma_start3A_214] : memref<10000x256xf32, #tpu.memory_space<hbm>> -> memref<10000x256xf32, #tpu.memory_space<hbm>>
      tpu.enqueue_indirect_dma source(%dma_start3A_215 : memref<10000x256xf32, #tpu.memory_space<hbm>>) target(%dma_start3A_210 : memref<24x256xf32, #tpu.memory_space<vmem>>) offsets(%dma_start3A_212 : memref<24xi32, #tpu.memory_space<vmem>>) semaphore(%arg42 : memref<!tpu.dma_semaphore, #tpu.memory_space<semaphore_mem>>)
      %dma_wait3A_216 = arith.constant 0 : i32
      %dma_wait3A_217 = arith.constant 0 : i32
      %dma_wait3A_218 = tpu.memref_slice %arg30[%dma_wait3A_216, %dma_wait3A_217] : memref<32x128xf32, #tpu.memory_space<vmem>> -> memref<24x128xf32, #tpu.memory_space<vmem>>
      %dma_wait3A_219 = arith.constant 0 : i32
      %dma_wait3A_220 = tpu.memref_slice %arg21[%dma_wait3A_219] : memref<32xi32, #tpu.memory_space<vmem>> -> memref<24xi32, #tpu.memory_space<vmem>>
      %dma_wait3A_221 = arith.constant 0 : i32
      %dma_wait3A_222 = arith.constant 0 : i32
      %dma_wait3A_223 = tpu.memref_slice %arg6[%dma_wait3A_221, %dma_wait3A_222] : memref<20000x128xf32, #tpu.memory_space<hbm>> -> memref<20000x128xf32, #tpu.memory_space<hbm>>
      tpu.wait_indirect_dma semaphore(%arg40 : memref<!tpu.dma_semaphore, #tpu.memory_space<semaphore_mem>>) src(%dma_wait3A_223 : memref<20000x128xf32, #tpu.memory_space<hbm>>) dst(%dma_wait3A_218 : memref<24x128xf32, #tpu.memory_space<vmem>>)
      %dma_wait3A_224 = arith.constant 0 : i32
      %dma_wait3A_225 = arith.constant 0 : i32
      %dma_wait3A_226 = tpu.memref_slice %arg32[%dma_wait3A_224, %dma_wait3A_225] : memref<32x256xf32, #tpu.memory_space<vmem>> -> memref<24x256xf32, #tpu.memory_space<vmem>>
      %dma_wait3A_227 = arith.constant 0 : i32
      %dma_wait3A_228 = tpu.memref_slice %arg21[%dma_wait3A_227] : memref<32xi32, #tpu.memory_space<vmem>> -> memref<24xi32, #tpu.memory_space<vmem>>
      %dma_wait3A_229 = arith.constant 0 : i32
      %dma_wait3A_230 = arith.constant 0 : i32
      %dma_wait3A_231 = tpu.memref_slice %arg7[%dma_wait3A_229, %dma_wait3A_230] : memref<20000x256xf32, #tpu.memory_space<hbm>> -> memref<20000x256xf32, #tpu.memory_space<hbm>>
      tpu.wait_indirect_dma semaphore(%arg41 : memref<!tpu.dma_semaphore, #tpu.memory_space<semaphore_mem>>) src(%dma_wait3A_231 : memref<20000x256xf32, #tpu.memory_space<hbm>>) dst(%dma_wait3A_226 : memref<24x256xf32, #tpu.memory_space<vmem>>)
      %dma_wait3A_232 = arith.constant 0 : i32
      %dma_wait3A_233 = arith.constant 0 : i32
      %dma_wait3A_234 = tpu.memref_slice %arg33[%dma_wait3A_232, %dma_wait3A_233] : memref<32x256xf32, #tpu.memory_space<vmem>> -> memref<24x256xf32, #tpu.memory_space<vmem>>
      %dma_wait3A_235 = arith.constant 0 : i32
      %dma_wait3A_236 = tpu.memref_slice %arg15[%dma_wait3A_235] : memref<32xi32, #tpu.memory_space<vmem>> -> memref<24xi32, #tpu.memory_space<vmem>>
      %dma_wait3A_237 = arith.constant 0 : i32
      %dma_wait3A_238 = arith.constant 0 : i32
      %dma_wait3A_239 = tpu.memref_slice %arg9[%dma_wait3A_237, %dma_wait3A_238] : memref<10000x256xf32, #tpu.memory_space<hbm>> -> memref<10000x256xf32, #tpu.memory_space<hbm>>
      tpu.wait_indirect_dma semaphore(%arg42 : memref<!tpu.dma_semaphore, #tpu.memory_space<semaphore_mem>>) src(%dma_wait3A_239 : memref<10000x256xf32, #tpu.memory_space<hbm>>) dst(%dma_wait3A_234 : memref<24x256xf32, #tpu.memory_space<vmem>>)
      %add3A_240 = arith.addi %mul3A_31, %add3A_179 : i32
      "tpu.region"() ({
        %run_scoped3A = tpu.sem_alloc : memref<!tpu.dma_semaphore, #tpu.memory_space<semaphore_mem>>
        %dma_start3A_247 = arith.constant 0 : i32
        %dma_start3A_248 = arith.constant 0 : i32
        %dma_start3A_249 = tpu.memref_slice %arg30[%dma_start3A_247, %dma_start3A_248] : memref<32x128xf32, #tpu.memory_space<vmem>> -> memref<24x128xf32, #tpu.memory_space<vmem>>
        %dma_start3A_250 = arith.constant 0 : i32
        %dma_start3A_251 = tpu.memref_slice %arg13[%add3A_240, %dma_start3A_250] : memref<20000x128xf32, #tpu.memory_space<hbm>> -> memref<24x128xf32, #tpu.memory_space<hbm>>
        %dma_start3A_252 = arith.constant 0 : i32
        %dma_start3A_253 = tpu.memref_slice %arg13[%add3A_240, %dma_start3A_252] : memref<20000x128xf32, #tpu.memory_space<hbm>> -> memref<24x128xf32, #tpu.memory_space<hbm>>
        %dma_start3A_254 = arith.constant 0 : i32
        %dma_start3A_255 = arith.constant 0 : i32
        %dma_start3A_256 = tpu.memref_slice %arg30[%dma_start3A_254, %dma_start3A_255] : memref<32x128xf32, #tpu.memory_space<vmem>> -> memref<24x128xf32, #tpu.memory_space<vmem>>
        tpu.enqueue_dma source(%dma_start3A_256 : memref<24x128xf32, #tpu.memory_space<vmem>>) target(%dma_start3A_253 : memref<24x128xf32, #tpu.memory_space<hbm>>) target_semaphore(%run_scoped3A : memref<!tpu.dma_semaphore, #tpu.memory_space<semaphore_mem>>)
        %dma_wait3A_257 = arith.constant 0 : i32
        %dma_wait3A_258 = arith.constant 0 : i32
        %dma_wait3A_259 = tpu.memref_slice %arg30[%dma_wait3A_257, %dma_wait3A_258] : memref<32x128xf32, #tpu.memory_space<vmem>> -> memref<24x128xf32, #tpu.memory_space<vmem>>
        %dma_wait3A_260 = arith.constant 0 : i32
        %dma_wait3A_261 = tpu.memref_slice %arg13[%add3A_240, %dma_wait3A_260] : memref<20000x128xf32, #tpu.memory_space<hbm>> -> memref<24x128xf32, #tpu.memory_space<hbm>>
        %dma_wait3A_262 = arith.constant 0 : i32
        %dma_wait3A_263 = tpu.memref_slice %arg13[%add3A_240, %dma_wait3A_262] : memref<20000x128xf32, #tpu.memory_space<hbm>> -> memref<24x128xf32, #tpu.memory_space<hbm>>
        %dma_wait3A_264 = arith.constant 0 : i32
        %dma_wait3A_265 = arith.constant 0 : i32
        %dma_wait3A_266 = tpu.memref_slice %arg30[%dma_wait3A_264, %dma_wait3A_265] : memref<32x128xf32, #tpu.memory_space<vmem>> -> memref<24x128xf32, #tpu.memory_space<vmem>>
        tpu.wait_dma2 semaphore(%run_scoped3A : memref<!tpu.dma_semaphore, #tpu.memory_space<semaphore_mem>>) src(%dma_wait3A_266 : memref<24x128xf32, #tpu.memory_space<vmem>>) dst(%dma_wait3A_263 : memref<24x128xf32, #tpu.memory_space<hbm>>)
        tpu.yield
      }) : () -> ()
      %add3A_241 = arith.addi %mul3A_31, %add3A_179 : i32
      "tpu.region"() ({
        %run_scoped3A = tpu.sem_alloc : memref<!tpu.dma_semaphore, #tpu.memory_space<semaphore_mem>>
        %dma_start3A_247 = arith.constant 0 : i32
        %dma_start3A_248 = arith.constant 0 : i32
        %dma_start3A_249 = tpu.memref_slice %arg32[%dma_start3A_247, %dma_start3A_248] : memref<32x256xf32, #tpu.memory_space<vmem>> -> memref<24x256xf32, #tpu.memory_space<vmem>>
        %dma_start3A_250 = arith.constant 0 : i32
        %dma_start3A_251 = tpu.memref_slice %arg14[%add3A_241, %dma_start3A_250] : memref<20000x256xf32, #tpu.memory_space<hbm>> -> memref<24x256xf32, #tpu.memory_space<hbm>>
        %dma_start3A_252 = arith.constant 0 : i32
        %dma_start3A_253 = tpu.memref_slice %arg14[%add3A_241, %dma_start3A_252] : memref<20000x256xf32, #tpu.memory_space<hbm>> -> memref<24x256xf32, #tpu.memory_space<hbm>>
        %dma_start3A_254 = arith.constant 0 : i32
        %dma_start3A_255 = arith.constant 0 : i32
        %dma_start3A_256 = tpu.memref_slice %arg32[%dma_start3A_254, %dma_start3A_255] : memref<32x256xf32, #tpu.memory_space<vmem>> -> memref<24x256xf32, #tpu.memory_space<vmem>>
        tpu.enqueue_dma source(%dma_start3A_256 : memref<24x256xf32, #tpu.memory_space<vmem>>) target(%dma_start3A_253 : memref<24x256xf32, #tpu.memory_space<hbm>>) target_semaphore(%run_scoped3A : memref<!tpu.dma_semaphore, #tpu.memory_space<semaphore_mem>>)
        %dma_wait3A_257 = arith.constant 0 : i32
        %dma_wait3A_258 = arith.constant 0 : i32
        %dma_wait3A_259 = tpu.memref_slice %arg32[%dma_wait3A_257, %dma_wait3A_258] : memref<32x256xf32, #tpu.memory_space<vmem>> -> memref<24x256xf32, #tpu.memory_space<vmem>>
        %dma_wait3A_260 = arith.constant 0 : i32
        %dma_wait3A_261 = tpu.memref_slice %arg14[%add3A_241, %dma_wait3A_260] : memref<20000x256xf32, #tpu.memory_space<hbm>> -> memref<24x256xf32, #tpu.memory_space<hbm>>
        %dma_wait3A_262 = arith.constant 0 : i32
        %dma_wait3A_263 = tpu.memref_slice %arg14[%add3A_241, %dma_wait3A_262] : memref<20000x256xf32, #tpu.memory_space<hbm>> -> memref<24x256xf32, #tpu.memory_space<hbm>>
        %dma_wait3A_264 = arith.constant 0 : i32
        %dma_wait3A_265 = arith.constant 0 : i32
        %dma_wait3A_266 = tpu.memref_slice %arg32[%dma_wait3A_264, %dma_wait3A_265] : memref<32x256xf32, #tpu.memory_space<vmem>> -> memref<24x256xf32, #tpu.memory_space<vmem>>
        tpu.wait_dma2 semaphore(%run_scoped3A : memref<!tpu.dma_semaphore, #tpu.memory_space<semaphore_mem>>) src(%dma_wait3A_266 : memref<24x256xf32, #tpu.memory_space<vmem>>) dst(%dma_wait3A_263 : memref<24x256xf32, #tpu.memory_space<hbm>>)
        tpu.yield
      }) : () -> ()
      %eq3A_242 = arith.constant 0 : i32
      %eq3A_243 = arith.cmpi eq, %arg0, %eq3A_242 : i32
      %convert_element_type3A_244 = arith.extui %eq3A_243 : i1 to i32
      %cond3A_245 = arith.constant 0 : i32
      %cond3A_246 = arith.cmpi ne, %convert_element_type3A_244, %cond3A_245 : i32
      scf.if %cond3A_246 {
        "tpu.region"() ({
          %run_scoped3A = tpu.sem_alloc : memref<!tpu.dma_semaphore, #tpu.memory_space<semaphore_mem>>
          %dma_start3A_247 = arith.constant 0 : i32
          %dma_start3A_248 = arith.constant 0 : i32
          %dma_start3A_249 = tpu.memref_slice %arg33[%dma_start3A_247, %dma_start3A_248] : memref<32x256xf32, #tpu.memory_space<vmem>> -> memref<24x256xf32, #tpu.memory_space<vmem>>
          %dma_start3A_250 = arith.constant 0 : i32
          %dma_start3A_251 = tpu.memref_slice %arg12[%add3A_179, %dma_start3A_250] : memref<10000x256xf32, #tpu.memory_space<hbm>> -> memref<24x256xf32, #tpu.memory_space<hbm>>
          %dma_start3A_252 = arith.constant 0 : i32
          %dma_start3A_253 = tpu.memref_slice %arg12[%add3A_179, %dma_start3A_252] : memref<10000x256xf32, #tpu.memory_space<hbm>> -> memref<24x256xf32, #tpu.memory_space<hbm>>
          %dma_start3A_254 = arith.constant 0 : i32
          %dma_start3A_255 = arith.constant 0 : i32
          %dma_start3A_256 = tpu.memref_slice %arg33[%dma_start3A_254, %dma_start3A_255] : memref<32x256xf32, #tpu.memory_space<vmem>> -> memref<24x256xf32, #tpu.memory_space<vmem>>
          tpu.enqueue_dma source(%dma_start3A_256 : memref<24x256xf32, #tpu.memory_space<vmem>>) target(%dma_start3A_253 : memref<24x256xf32, #tpu.memory_space<hbm>>) target_semaphore(%run_scoped3A : memref<!tpu.dma_semaphore, #tpu.memory_space<semaphore_mem>>)
          %dma_wait3A_257 = arith.constant 0 : i32
          %dma_wait3A_258 = arith.constant 0 : i32
          %dma_wait3A_259 = tpu.memref_slice %arg33[%dma_wait3A_257, %dma_wait3A_258] : memref<32x256xf32, #tpu.memory_space<vmem>> -> memref<24x256xf32, #tpu.memory_space<vmem>>
          %dma_wait3A_260 = arith.constant 0 : i32
          %dma_wait3A_261 = tpu.memref_slice %arg12[%add3A_179, %dma_wait3A_260] : memref<10000x256xf32, #tpu.memory_space<hbm>> -> memref<24x256xf32, #tpu.memory_space<hbm>>
          %dma_wait3A_262 = arith.constant 0 : i32
          %dma_wait3A_263 = tpu.memref_slice %arg12[%add3A_179, %dma_wait3A_262] : memref<10000x256xf32, #tpu.memory_space<hbm>> -> memref<24x256xf32, #tpu.memory_space<hbm>>
          %dma_wait3A_264 = arith.constant 0 : i32
          %dma_wait3A_265 = arith.constant 0 : i32
          %dma_wait3A_266 = tpu.memref_slice %arg33[%dma_wait3A_264, %dma_wait3A_265] : memref<32x256xf32, #tpu.memory_space<vmem>> -> memref<24x256xf32, #tpu.memory_space<vmem>>
          tpu.wait_dma2 semaphore(%run_scoped3A : memref<!tpu.dma_semaphore, #tpu.memory_space<semaphore_mem>>) src(%dma_wait3A_266 : memref<24x256xf32, #tpu.memory_space<vmem>>) dst(%dma_wait3A_263 : memref<24x256xf32, #tpu.memory_space<hbm>>)
          tpu.yield
        }) : () -> ()
      } else {
      }
    }
    %scan3A_40 = arith.constant 26 : i32
    %eq3A_41 = arith.constant 15 : i32
    %eq3A_42 = arith.cmpi eq, %arg1, %eq3A_41 : i32
    %convert_element_type3A_43 = arith.extui %eq3A_42 : i1 to i32
    %cond3A_44 = arith.constant 0 : i32
    %cond3A_45 = arith.cmpi ne, %convert_element_type3A_43, %cond3A_44 : i32
    scf.if %cond3A_45 {
      "tpu.region"() ({
        %run_scoped3A = tpu.sem_alloc : memref<!tpu.dma_semaphore, #tpu.memory_space<semaphore_mem>>
        %dma_start3A_245 = arith.constant 0 : i32
        %dma_start3A_246 = tpu.memref_slice %arg15[%dma_start3A_245] : memref<32xi32, #tpu.memory_space<vmem>> -> memref<16xi32, #tpu.memory_space<vmem>>
        %dma_start3A_247 = arith.constant 9984 : i32
        %dma_start3A_248 = tpu.memref_slice %arg5[%dma_start3A_247] : memref<10000xi32, #tpu.memory_space<hbm>> -> memref<16xi32, #tpu.memory_space<hbm>>
        %dma_start3A_249 = arith.constant 0 : i32
        %dma_start3A_250 = tpu.memref_slice %arg15[%dma_start3A_249] : memref<32xi32, #tpu.memory_space<vmem>> -> memref<16xi32, #tpu.memory_space<vmem>>
        %dma_start3A_251 = arith.constant 9984 : i32
        %dma_start3A_252 = tpu.memref_slice %arg5[%dma_start3A_251] : memref<10000xi32, #tpu.memory_space<hbm>> -> memref<16xi32, #tpu.memory_space<hbm>>
        tpu.enqueue_dma source(%dma_start3A_252 : memref<16xi32, #tpu.memory_space<hbm>>) target(%dma_start3A_250 : memref<16xi32, #tpu.memory_space<vmem>>) target_semaphore(%run_scoped3A : memref<!tpu.dma_semaphore, #tpu.memory_space<semaphore_mem>>)
        %dma_wait3A_253 = arith.constant 0 : i32
        %dma_wait3A_254 = tpu.memref_slice %arg15[%dma_wait3A_253] : memref<32xi32, #tpu.memory_space<vmem>> -> memref<16xi32, #tpu.memory_space<vmem>>
        %dma_wait3A_255 = arith.constant 9984 : i32
        %dma_wait3A_256 = tpu.memref_slice %arg5[%dma_wait3A_255] : memref<10000xi32, #tpu.memory_space<hbm>> -> memref<16xi32, #tpu.memory_space<hbm>>
        %dma_wait3A_257 = arith.constant 0 : i32
        %dma_wait3A_258 = tpu.memref_slice %arg15[%dma_wait3A_257] : memref<32xi32, #tpu.memory_space<vmem>> -> memref<16xi32, #tpu.memory_space<vmem>>
        %dma_wait3A_259 = arith.constant 9984 : i32
        %dma_wait3A_260 = tpu.memref_slice %arg5[%dma_wait3A_259] : memref<10000xi32, #tpu.memory_space<hbm>> -> memref<16xi32, #tpu.memory_space<hbm>>
        tpu.wait_dma2 semaphore(%run_scoped3A : memref<!tpu.dma_semaphore, #tpu.memory_space<semaphore_mem>>) src(%dma_wait3A_260 : memref<16xi32, #tpu.memory_space<hbm>>) dst(%dma_wait3A_258 : memref<16xi32, #tpu.memory_space<vmem>>)
        tpu.yield
      }) : () -> ()
      %get3A_176 = arith.constant 0 : index
      %get3A_177 = tpu.vector_load %arg15[%get3A_176] {strides = array<i32>} : memref<32xi32, #tpu.memory_space<vmem>>, vector<16xi32>,
      %add3A_178 = vector.broadcast %mul3A_33 : i32 to vector<16xi32>
      %add3A_179 = arith.addi %get3A_177, %add3A_178 : vector<16xi32>
      %swap3A_180 = arith.constant 0 : index
      %swap3A_181 = tpu.vector_load %arg21[%swap3A_180] {strides = array<i32>} : memref<32xi32, #tpu.memory_space<vmem>>, vector<16xi32>,
      tpu.vector_store %arg21[%swap3A_180], %add3A_179 {strides = array<i32>} : memref<32xi32, #tpu.memory_space<vmem>>, vector<16xi32>,
      %get3A_182 = arith.constant 0 : index
      %get3A_183 = tpu.vector_load %arg15[%get3A_182] {strides = array<i32>} : memref<32xi32, #tpu.memory_space<vmem>>, vector<16xi32>,
      %add3A_184 = vector.broadcast %mul3A_33 : i32 to vector<16xi32>
      %add3A_185 = arith.addi %get3A_183, %add3A_184 : vector<16xi32>
      %swap3A_186 = arith.constant 0 : index
      %swap3A_187 = tpu.vector_load %arg21[%swap3A_186] {strides = array<i32>} : memref<32xi32, #tpu.memory_space<vmem>>, vector<16xi32>,
      tpu.vector_store %arg21[%swap3A_186], %add3A_185 {strides = array<i32>} : memref<32xi32, #tpu.memory_space<vmem>>, vector<16xi32>,
      %dma_start3A_188 = arith.constant 0 : i32
      %dma_start3A_189 = arith.constant 0 : i32
      %dma_start3A_190 = tpu.memref_slice %arg30[%dma_start3A_188, %dma_start3A_189] : memref<32x128xf32, #tpu.memory_space<vmem>> -> memref<16x128xf32, #tpu.memory_space<vmem>>
      %dma_start3A_191 = arith.constant 0 : i32
      %dma_start3A_192 = tpu.memref_slice %arg21[%dma_start3A_191] : memref<32xi32, #tpu.memory_space<vmem>> -> memref<16xi32, #tpu.memory_space<vmem>>
      %dma_start3A_193 = arith.constant 0 : i32
      %dma_start3A_194 = arith.constant 0 : i32
      %dma_start3A_195 = tpu.memref_slice %arg6[%dma_start3A_193, %dma_start3A_194] : memref<20000x128xf32, #tpu.memory_space<hbm>> -> memref<20000x128xf32, #tpu.memory_space<hbm>>
      tpu.enqueue_indirect_dma source(%dma_start3A_195 : memref<20000x128xf32, #tpu.memory_space<hbm>>) target(%dma_start3A_190 : memref<16x128xf32, #tpu.memory_space<vmem>>) offsets(%dma_start3A_192 : memref<16xi32, #tpu.memory_space<vmem>>) semaphore(%arg40 : memref<!tpu.dma_semaphore, #tpu.memory_space<semaphore_mem>>)
      %dma_start3A_196 = arith.constant 0 : i32
      %dma_start3A_197 = arith.constant 0 : i32
      %dma_start3A_198 = tpu.memref_slice %arg32[%dma_start3A_196, %dma_start3A_197] : memref<32x256xf32, #tpu.memory_space<vmem>> -> memref<16x256xf32, #tpu.memory_space<vmem>>
      %dma_start3A_199 = arith.constant 0 : i32
      %dma_start3A_200 = tpu.memref_slice %arg21[%dma_start3A_199] : memref<32xi32, #tpu.memory_space<vmem>> -> memref<16xi32, #tpu.memory_space<vmem>>
      %dma_start3A_201 = arith.constant 0 : i32
      %dma_start3A_202 = arith.constant 0 : i32
      %dma_start3A_203 = tpu.memref_slice %arg7[%dma_start3A_201, %dma_start3A_202] : memref<20000x256xf32, #tpu.memory_space<hbm>> -> memref<20000x256xf32, #tpu.memory_space<hbm>>
      tpu.enqueue_indirect_dma source(%dma_start3A_203 : memref<20000x256xf32, #tpu.memory_space<hbm>>) target(%dma_start3A_198 : memref<16x256xf32, #tpu.memory_space<vmem>>) offsets(%dma_start3A_200 : memref<16xi32, #tpu.memory_space<vmem>>) semaphore(%arg41 : memref<!tpu.dma_semaphore, #tpu.memory_space<semaphore_mem>>)
      %dma_start3A_204 = arith.constant 0 : i32
      %dma_start3A_205 = arith.constant 0 : i32
      %dma_start3A_206 = tpu.memref_slice %arg33[%dma_start3A_204, %dma_start3A_205] : memref<32x256xf32, #tpu.memory_space<vmem>> -> memref<16x256xf32, #tpu.memory_space<vmem>>
      %dma_start3A_207 = arith.constant 0 : i32
      %dma_start3A_208 = tpu.memref_slice %arg15[%dma_start3A_207] : memref<32xi32, #tpu.memory_space<vmem>> -> memref<16xi32, #tpu.memory_space<vmem>>
      %dma_start3A_209 = arith.constant 0 : i32
      %dma_start3A_210 = arith.constant 0 : i32
      %dma_start3A_211 = tpu.memref_slice %arg9[%dma_start3A_209, %dma_start3A_210] : memref<10000x256xf32, #tpu.memory_space<hbm>> -> memref<10000x256xf32, #tpu.memory_space<hbm>>
      tpu.enqueue_indirect_dma source(%dma_start3A_211 : memref<10000x256xf32, #tpu.memory_space<hbm>>) target(%dma_start3A_206 : memref<16x256xf32, #tpu.memory_space<vmem>>) offsets(%dma_start3A_208 : memref<16xi32, #tpu.memory_space<vmem>>) semaphore(%arg42 : memref<!tpu.dma_semaphore, #tpu.memory_space<semaphore_mem>>)
      %dma_wait3A_212 = arith.constant 0 : i32
      %dma_wait3A_213 = arith.constant 0 : i32
      %dma_wait3A_214 = tpu.memref_slice %arg30[%dma_wait3A_212, %dma_wait3A_213] : memref<32x128xf32, #tpu.memory_space<vmem>> -> memref<16x128xf32, #tpu.memory_space<vmem>>
      %dma_wait3A_215 = arith.constant 0 : i32
      %dma_wait3A_216 = tpu.memref_slice %arg21[%dma_wait3A_215] : memref<32xi32, #tpu.memory_space<vmem>> -> memref<16xi32, #tpu.memory_space<vmem>>
      %dma_wait3A_217 = arith.constant 0 : i32
      %dma_wait3A_218 = arith.constant 0 : i32
      %dma_wait3A_219 = tpu.memref_slice %arg6[%dma_wait3A_217, %dma_wait3A_218] : memref<20000x128xf32, #tpu.memory_space<hbm>> -> memref<20000x128xf32, #tpu.memory_space<hbm>>
      tpu.wait_indirect_dma semaphore(%arg40 : memref<!tpu.dma_semaphore, #tpu.memory_space<semaphore_mem>>) src(%dma_wait3A_219 : memref<20000x128xf32, #tpu.memory_space<hbm>>) dst(%dma_wait3A_214 : memref<16x128xf32, #tpu.memory_space<vmem>>)
      %dma_wait3A_220 = arith.constant 0 : i32
      %dma_wait3A_221 = arith.constant 0 : i32
      %dma_wait3A_222 = tpu.memref_slice %arg32[%dma_wait3A_220, %dma_wait3A_221] : memref<32x256xf32, #tpu.memory_space<vmem>> -> memref<16x256xf32, #tpu.memory_space<vmem>>
      %dma_wait3A_223 = arith.constant 0 : i32
      %dma_wait3A_224 = tpu.memref_slice %arg21[%dma_wait3A_223] : memref<32xi32, #tpu.memory_space<vmem>> -> memref<16xi32, #tpu.memory_space<vmem>>
      %dma_wait3A_225 = arith.constant 0 : i32
      %dma_wait3A_226 = arith.constant 0 : i32
      %dma_wait3A_227 = tpu.memref_slice %arg7[%dma_wait3A_225, %dma_wait3A_226] : memref<20000x256xf32, #tpu.memory_space<hbm>> -> memref<20000x256xf32, #tpu.memory_space<hbm>>
      tpu.wait_indirect_dma semaphore(%arg41 : memref<!tpu.dma_semaphore, #tpu.memory_space<semaphore_mem>>) src(%dma_wait3A_227 : memref<20000x256xf32, #tpu.memory_space<hbm>>) dst(%dma_wait3A_222 : memref<16x256xf32, #tpu.memory_space<vmem>>)
      %dma_wait3A_228 = arith.constant 0 : i32
      %dma_wait3A_229 = arith.constant 0 : i32
      %dma_wait3A_230 = tpu.memref_slice %arg33[%dma_wait3A_228, %dma_wait3A_229] : memref<32x256xf32, #tpu.memory_space<vmem>> -> memref<16x256xf32, #tpu.memory_space<vmem>>
      %dma_wait3A_231 = arith.constant 0 : i32
      %dma_wait3A_232 = tpu.memref_slice %arg15[%dma_wait3A_231] : memref<32xi32, #tpu.memory_space<vmem>> -> memref<16xi32, #tpu.memory_space<vmem>>
      %dma_wait3A_233 = arith.constant 0 : i32
      %dma_wait3A_234 = arith.constant 0 : i32
      %dma_wait3A_235 = tpu.memref_slice %arg9[%dma_wait3A_233, %dma_wait3A_234] : memref<10000x256xf32, #tpu.memory_space<hbm>> -> memref<10000x256xf32, #tpu.memory_space<hbm>>
      tpu.wait_indirect_dma semaphore(%arg42 : memref<!tpu.dma_semaphore, #tpu.memory_space<semaphore_mem>>) src(%dma_wait3A_235 : memref<10000x256xf32, #tpu.memory_space<hbm>>) dst(%dma_wait3A_230 : memref<16x256xf32, #tpu.memory_space<vmem>>)
      %add3A_236 = arith.constant 9984 : i32
      %add3A_237 = arith.addi %mul3A_31, %add3A_236 : i32
      "tpu.region"() ({
        %run_scoped3A = tpu.sem_alloc : memref<!tpu.dma_semaphore, #tpu.memory_space<semaphore_mem>>
        %dma_start3A_245 = arith.constant 0 : i32
        %dma_start3A_246 = arith.constant 0 : i32
        %dma_start3A_247 = tpu.memref_slice %arg30[%dma_start3A_245, %dma_start3A_246] : memref<32x128xf32, #tpu.memory_space<vmem>> -> memref<16x128xf32, #tpu.memory_space<vmem>>
        %dma_start3A_248 = arith.constant 0 : i32
        %dma_start3A_249 = tpu.memref_slice %arg13[%add3A_237, %dma_start3A_248] : memref<20000x128xf32, #tpu.memory_space<hbm>> -> memref<16x128xf32, #tpu.memory_space<hbm>>
        %dma_start3A_250 = arith.constant 0 : i32
        %dma_start3A_251 = tpu.memref_slice %arg13[%add3A_237, %dma_start3A_250] : memref<20000x128xf32, #tpu.memory_space<hbm>> -> memref<16x128xf32, #tpu.memory_space<hbm>>
        %dma_start3A_252 = arith.constant 0 : i32
        %dma_start3A_253 = arith.constant 0 : i32
        %dma_start3A_254 = tpu.memref_slice %arg30[%dma_start3A_252, %dma_start3A_253] : memref<32x128xf32, #tpu.memory_space<vmem>> -> memref<16x128xf32, #tpu.memory_space<vmem>>
        tpu.enqueue_dma source(%dma_start3A_254 : memref<16x128xf32, #tpu.memory_space<vmem>>) target(%dma_start3A_251 : memref<16x128xf32, #tpu.memory_space<hbm>>) target_semaphore(%run_scoped3A : memref<!tpu.dma_semaphore, #tpu.memory_space<semaphore_mem>>)
        %dma_wait3A_255 = arith.constant 0 : i32
        %dma_wait3A_256 = arith.constant 0 : i32
        %dma_wait3A_257 = tpu.memref_slice %arg30[%dma_wait3A_255, %dma_wait3A_256] : memref<32x128xf32, #tpu.memory_space<vmem>> -> memref<16x128xf32, #tpu.memory_space<vmem>>
        %dma_wait3A_258 = arith.constant 0 : i32
        %dma_wait3A_259 = tpu.memref_slice %arg13[%add3A_237, %dma_wait3A_258] : memref<20000x128xf32, #tpu.memory_space<hbm>> -> memref<16x128xf32, #tpu.memory_space<hbm>>
        %dma_wait3A_260 = arith.constant 0 : i32
        %dma_wait3A_261 = tpu.memref_slice %arg13[%add3A_237, %dma_wait3A_260] : memref<20000x128xf32, #tpu.memory_space<hbm>> -> memref<16x128xf32, #tpu.memory_space<hbm>>
        %dma_wait3A_262 = arith.constant 0 : i32
        %dma_wait3A_263 = arith.constant 0 : i32
        %dma_wait3A_264 = tpu.memref_slice %arg30[%dma_wait3A_262, %dma_wait3A_263] : memref<32x128xf32, #tpu.memory_space<vmem>> -> memref<16x128xf32, #tpu.memory_space<vmem>>
        tpu.wait_dma2 semaphore(%run_scoped3A : memref<!tpu.dma_semaphore, #tpu.memory_space<semaphore_mem>>) src(%dma_wait3A_264 : memref<16x128xf32, #tpu.memory_space<vmem>>) dst(%dma_wait3A_261 : memref<16x128xf32, #tpu.memory_space<hbm>>)
        tpu.yield
      }) : () -> ()
      %add3A_238 = arith.constant 9984 : i32
      %add3A_239 = arith.addi %mul3A_31, %add3A_238 : i32
      "tpu.region"() ({
        %run_scoped3A = tpu.sem_alloc : memref<!tpu.dma_semaphore, #tpu.memory_space<semaphore_mem>>
        %dma_start3A_245 = arith.constant 0 : i32
        %dma_start3A_246 = arith.constant 0 : i32
        %dma_start3A_247 = tpu.memref_slice %arg32[%dma_start3A_245, %dma_start3A_246] : memref<32x256xf32, #tpu.memory_space<vmem>> -> memref<16x256xf32, #tpu.memory_space<vmem>>
        %dma_start3A_248 = arith.constant 0 : i32
        %dma_start3A_249 = tpu.memref_slice %arg14[%add3A_239, %dma_start3A_248] : memref<20000x256xf32, #tpu.memory_space<hbm>> -> memref<16x256xf32, #tpu.memory_space<hbm>>
        %dma_start3A_250 = arith.constant 0 : i32
        %dma_start3A_251 = tpu.memref_slice %arg14[%add3A_239, %dma_start3A_250] : memref<20000x256xf32, #tpu.memory_space<hbm>> -> memref<16x256xf32, #tpu.memory_space<hbm>>
        %dma_start3A_252 = arith.constant 0 : i32
        %dma_start3A_253 = arith.constant 0 : i32
        %dma_start3A_254 = tpu.memref_slice %arg32[%dma_start3A_252, %dma_start3A_253] : memref<32x256xf32, #tpu.memory_space<vmem>> -> memref<16x256xf32, #tpu.memory_space<vmem>>
        tpu.enqueue_dma source(%dma_start3A_254 : memref<16x256xf32, #tpu.memory_space<vmem>>) target(%dma_start3A_251 : memref<16x256xf32, #tpu.memory_space<hbm>>) target_semaphore(%run_scoped3A : memref<!tpu.dma_semaphore, #tpu.memory_space<semaphore_mem>>)
        %dma_wait3A_255 = arith.constant 0 : i32
        %dma_wait3A_256 = arith.constant 0 : i32
        %dma_wait3A_257 = tpu.memref_slice %arg32[%dma_wait3A_255, %dma_wait3A_256] : memref<32x256xf32, #tpu.memory_space<vmem>> -> memref<16x256xf32, #tpu.memory_space<vmem>>
        %dma_wait3A_258 = arith.constant 0 : i32
        %dma_wait3A_259 = tpu.memref_slice %arg14[%add3A_239, %dma_wait3A_258] : memref<20000x256xf32, #tpu.memory_space<hbm>> -> memref<16x256xf32, #tpu.memory_space<hbm>>
        %dma_wait3A_260 = arith.constant 0 : i32
        %dma_wait3A_261 = tpu.memref_slice %arg14[%add3A_239, %dma_wait3A_260] : memref<20000x256xf32, #tpu.memory_space<hbm>> -> memref<16x256xf32, #tpu.memory_space<hbm>>
        %dma_wait3A_262 = arith.constant 0 : i32
        %dma_wait3A_263 = arith.constant 0 : i32
        %dma_wait3A_264 = tpu.memref_slice %arg32[%dma_wait3A_262, %dma_wait3A_263] : memref<32x256xf32, #tpu.memory_space<vmem>> -> memref<16x256xf32, #tpu.memory_space<vmem>>
        tpu.wait_dma2 semaphore(%run_scoped3A : memref<!tpu.dma_semaphore, #tpu.memory_space<semaphore_mem>>) src(%dma_wait3A_264 : memref<16x256xf32, #tpu.memory_space<vmem>>) dst(%dma_wait3A_261 : memref<16x256xf32, #tpu.memory_space<hbm>>)
        tpu.yield
      }) : () -> ()
      %eq3A_240 = arith.constant 0 : i32
      %eq3A_241 = arith.cmpi eq, %arg0, %eq3A_240 : i32
      %convert_element_type3A_242 = arith.extui %eq3A_241 : i1 to i32
      %cond3A_243 = arith.constant 0 : i32
      %cond3A_244 = arith.cmpi ne, %convert_element_type3A_242, %cond3A_243 : i32
      scf.if %cond3A_244 {
        "tpu.region"() ({
          %run_scoped3A = tpu.sem_alloc : memref<!tpu.dma_semaphore, #tpu.memory_space<semaphore_mem>>
          %dma_start3A_245 = arith.constant 0 : i32
          %dma_start3A_246 = arith.constant 0 : i32
          %dma_start3A_247 = tpu.memref_slice %arg33[%dma_start3A_245, %dma_start3A_246] : memref<32x256xf32, #tpu.memory_space<vmem>> -> memref<16x256xf32, #tpu.memory_space<vmem>>
          %dma_start3A_248 = arith.constant 9984 : i32
          %dma_start3A_249 = arith.constant 0 : i32
          %dma_start3A_250 = tpu.memref_slice %arg12[%dma_start3A_248, %dma_start3A_249] : memref<10000x256xf32, #tpu.memory_space<hbm>> -> memref<16x256xf32, #tpu.memory_space<hbm>>
          %dma_start3A_251 = arith.constant 9984 : i32
          %dma_start3A_252 = arith.constant 0 : i32
          %dma_start3A_253 = tpu.memref_slice %arg12[%dma_start3A_251, %dma_start3A_252] : memref<10000x256xf32, #tpu.memory_space<hbm>> -> memref<16x256xf32, #tpu.memory_space<hbm>>
          %dma_start3A_254 = arith.constant 0 : i32
          %dma_start3A_255 = arith.constant 0 : i32
          %dma_start3A_256 = tpu.memref_slice %arg33[%dma_start3A_254, %dma_start3A_255] : memref<32x256xf32, #tpu.memory_space<vmem>> -> memref<16x256xf32, #tpu.memory_space<vmem>>
          tpu.enqueue_dma source(%dma_start3A_256 : memref<16x256xf32, #tpu.memory_space<vmem>>) target(%dma_start3A_253 : memref<16x256xf32, #tpu.memory_space<hbm>>) target_semaphore(%run_scoped3A : memref<!tpu.dma_semaphore, #tpu.memory_space<semaphore_mem>>)
          %dma_wait3A_257 = arith.constant 0 : i32
          %dma_wait3A_258 = arith.constant 0 : i32
          %dma_wait3A_259 = tpu.memref_slice %arg33[%dma_wait3A_257, %dma_wait3A_258] : memref<32x256xf32, #tpu.memory_space<vmem>> -> memref<16x256xf32, #tpu.memory_space<vmem>>
          %dma_wait3A_260 = arith.constant 9984 : i32
          %dma_wait3A_261 = arith.constant 0 : i32
          %dma_wait3A_262 = tpu.memref_slice %arg12[%dma_wait3A_260, %dma_wait3A_261] : memref<10000x256xf32, #tpu.memory_space<hbm>> -> memref<16x256xf32, #tpu.memory_space<hbm>>
          %dma_wait3A_263 = arith.constant 9984 : i32
          %dma_wait3A_264 = arith.constant 0 : i32
          %dma_wait3A_265 = tpu.memref_slice %arg12[%dma_wait3A_263, %dma_wait3A_264] : memref<10000x256xf32, #tpu.memory_space<hbm>> -> memref<16x256xf32, #tpu.memory_space<hbm>>
          %dma_wait3A_266 = arith.constant 0 : i32
          %dma_wait3A_267 = arith.constant 0 : i32
          %dma_wait3A_268 = tpu.memref_slice %arg33[%dma_wait3A_266, %dma_wait3A_267] : memref<32x256xf32, #tpu.memory_space<vmem>> -> memref<16x256xf32, #tpu.memory_space<vmem>>
          tpu.wait_dma2 semaphore(%run_scoped3A : memref<!tpu.dma_semaphore, #tpu.memory_space<semaphore_mem>>) src(%dma_wait3A_268 : memref<16x256xf32, #tpu.memory_space<vmem>>) dst(%dma_wait3A_265 : memref<16x256xf32, #tpu.memory_space<hbm>>)
          tpu.yield
        }) : () -> ()
      } else {
      }
    } else {
    }
    %barrier3A = arith.constant 0 : index
    tpu.barrier barrier_id(%barrier3A)
    %mul3A_46 = arith.constant 20000 : i32
    %mul3A_47 = arith.muli %arg1, %mul3A_46 : i32
    %add3A_48 = arith.constant 0 : i32
    %add3A_49 = arith.addi %mul3A_47, %add3A_48 : i32
    %dma_start3A = tpu.memref_slice %arg2[%add3A_49] : memref<320000xi32, #tpu.memory_space<hbm>> -> memref<32xi32, #tpu.memory_space<hbm>>
    %dma_start3A_50 = tpu.memref_slice %arg2[%add3A_49] : memref<320000xi32, #tpu.memory_space<hbm>> -> memref<32xi32, #tpu.memory_space<hbm>>
    tpu.enqueue_dma source(%dma_start3A_50 : memref<32xi32, #tpu.memory_space<hbm>>) target(%arg15 : memref<32xi32, #tpu.memory_space<vmem>>) target_semaphore(%arg45 : memref<!tpu.dma_semaphore, #tpu.memory_space<semaphore_mem>>)
    %dma_start3A_51 = tpu.memref_slice %arg3[%add3A_49] : memref<320000xi32, #tpu.memory_space<hbm>> -> memref<32xi32, #tpu.memory_space<hbm>>
    %dma_start3A_52 = tpu.memref_slice %arg3[%add3A_49] : memref<320000xi32, #tpu.memory_space<hbm>> -> memref<32xi32, #tpu.memory_space<hbm>>
    tpu.enqueue_dma source(%dma_start3A_52 : memref<32xi32, #tpu.memory_space<hbm>>) target(%arg16 : memref<32xi32, #tpu.memory_space<vmem>>) target_semaphore(%arg45 : memref<!tpu.dma_semaphore, #tpu.memory_space<semaphore_mem>>)
    %dma_start3A_53 = tpu.memref_slice %arg4[%add3A_49] : memref<320000xi32, #tpu.memory_space<hbm>> -> memref<32xi32, #tpu.memory_space<hbm>>
    %dma_start3A_54 = tpu.memref_slice %arg4[%add3A_49] : memref<320000xi32, #tpu.memory_space<hbm>> -> memref<32xi32, #tpu.memory_space<hbm>>
    tpu.enqueue_dma source(%dma_start3A_54 : memref<32xi32, #tpu.memory_space<hbm>>) target(%arg17 : memref<32xi32, #tpu.memory_space<vmem>>) target_semaphore(%arg45 : memref<!tpu.dma_semaphore, #tpu.memory_space<semaphore_mem>>)
    %dma_wait3A = tpu.memref_slice %arg2[%add3A_49] : memref<320000xi32, #tpu.memory_space<hbm>> -> memref<32xi32, #tpu.memory_space<hbm>>
    %dma_wait3A_55 = tpu.memref_slice %arg2[%add3A_49] : memref<320000xi32, #tpu.memory_space<hbm>> -> memref<32xi32, #tpu.memory_space<hbm>>
    tpu.wait_dma2 semaphore(%arg45 : memref<!tpu.dma_semaphore, #tpu.memory_space<semaphore_mem>>) src(%dma_wait3A_55 : memref<32xi32, #tpu.memory_space<hbm>>) dst(%arg15 : memref<32xi32, #tpu.memory_space<vmem>>)
    %dma_wait3A_56 = tpu.memref_slice %arg3[%add3A_49] : memref<320000xi32, #tpu.memory_space<hbm>> -> memref<32xi32, #tpu.memory_space<hbm>>
    %dma_wait3A_57 = tpu.memref_slice %arg3[%add3A_49] : memref<320000xi32, #tpu.memory_space<hbm>> -> memref<32xi32, #tpu.memory_space<hbm>>
    tpu.wait_dma2 semaphore(%arg45 : memref<!tpu.dma_semaphore, #tpu.memory_space<semaphore_mem>>) src(%dma_wait3A_57 : memref<32xi32, #tpu.memory_space<hbm>>) dst(%arg16 : memref<32xi32, #tpu.memory_space<vmem>>)
    %dma_wait3A_58 = tpu.memref_slice %arg4[%add3A_49] : memref<320000xi32, #tpu.memory_space<hbm>> -> memref<32xi32, #tpu.memory_space<hbm>>
    %dma_wait3A_59 = tpu.memref_slice %arg4[%add3A_49] : memref<320000xi32, #tpu.memory_space<hbm>> -> memref<32xi32, #tpu.memory_space<hbm>>
    tpu.wait_dma2 semaphore(%arg45 : memref<!tpu.dma_semaphore, #tpu.memory_space<semaphore_mem>>) src(%dma_wait3A_59 : memref<32xi32, #tpu.memory_space<hbm>>) dst(%arg17 : memref<32xi32, #tpu.memory_space<vmem>>)
    %get3A = arith.constant 0 : index
    %get3A_60 = tpu.vector_load %arg15[%get3A] {strides = array<i32>} : memref<32xi32, #tpu.memory_space<vmem>>, vector<16xi32>,
    %add3A_61 = vector.broadcast %mul3A_31 : i32 to vector<16xi32>
    %add3A_62 = arith.addi %get3A_60, %add3A_61 : vector<16xi32>
    %swap3A_63 = arith.constant 0 : index
    %swap3A_64 = tpu.vector_load %arg22[%swap3A_63] {strides = array<i32>} : memref<32xi32, #tpu.memory_space<vmem>>, vector<16xi32>,
    tpu.vector_store %arg22[%swap3A_63], %add3A_62 {strides = array<i32>} : memref<32xi32, #tpu.memory_space<vmem>>, vector<16xi32>,
    %get3A_65 = arith.constant 0 : index
    %get3A_66 = tpu.vector_load %arg16[%get3A_65] {strides = array<i32>} : memref<32xi32, #tpu.memory_space<vmem>>, vector<16xi32>,
    %add3A_67 = vector.broadcast %mul3A_31 : i32 to vector<16xi32>
    %add3A_68 = arith.addi %get3A_66, %add3A_67 : vector<16xi32>
    %swap3A_69 = arith.constant 0 : index
    %swap3A_70 = tpu.vector_load %arg21[%swap3A_69] {strides = array<i32>} : memref<32xi32, #tpu.memory_space<vmem>>, vector<16xi32>,
    tpu.vector_store %arg21[%swap3A_69], %add3A_68 {strides = array<i32>} : memref<32xi32, #tpu.memory_space<vmem>>, vector<16xi32>,
    %get3A_71 = arith.constant 0 : index
    %get3A_72 = tpu.vector_load %arg17[%get3A_71] {strides = array<i32>} : memref<32xi32, #tpu.memory_space<vmem>>, vector<16xi32>,
    %add3A_73 = vector.broadcast %mul3A_33 : i32 to vector<16xi32>
    %add3A_74 = arith.addi %get3A_72, %add3A_73 : vector<16xi32>
    %swap3A_75 = arith.constant 0 : index
    %swap3A_76 = tpu.vector_load %arg23[%swap3A_75] {strides = array<i32>} : memref<32xi32, #tpu.memory_space<vmem>>, vector<16xi32>,
    tpu.vector_store %arg23[%swap3A_75], %add3A_74 {strides = array<i32>} : memref<32xi32, #tpu.memory_space<vmem>>, vector<16xi32>,
    %get3A_77 = arith.constant 16 : index
    %get3A_78 = tpu.vector_load %arg15[%get3A_77] {strides = array<i32>} : memref<32xi32, #tpu.memory_space<vmem>>, vector<16xi32>,
    %add3A_79 = vector.broadcast %mul3A_31 : i32 to vector<16xi32>
    %add3A_80 = arith.addi %get3A_78, %add3A_79 : vector<16xi32>
    %swap3A_81 = arith.constant 16 : index
    %swap3A_82 = tpu.vector_load %arg22[%swap3A_81] {strides = array<i32>} : memref<32xi32, #tpu.memory_space<vmem>>, vector<16xi32>,
    tpu.vector_store %arg22[%swap3A_81], %add3A_80 {strides = array<i32>} : memref<32xi32, #tpu.memory_space<vmem>>, vector<16xi32>,
    %get3A_83 = arith.constant 16 : index
    %get3A_84 = tpu.vector_load %arg16[%get3A_83] {strides = array<i32>} : memref<32xi32, #tpu.memory_space<vmem>>, vector<16xi32>,
    %add3A_85 = vector.broadcast %mul3A_31 : i32 to vector<16xi32>
    %add3A_86 = arith.addi %get3A_84, %add3A_85 : vector<16xi32>
    %swap3A_87 = arith.constant 16 : index
    %swap3A_88 = tpu.vector_load %arg21[%swap3A_87] {strides = array<i32>} : memref<32xi32, #tpu.memory_space<vmem>>, vector<16xi32>,
    tpu.vector_store %arg21[%swap3A_87], %add3A_86 {strides = array<i32>} : memref<32xi32, #tpu.memory_space<vmem>>, vector<16xi32>,
    %get3A_89 = arith.constant 16 : index
    %get3A_90 = tpu.vector_load %arg17[%get3A_89] {strides = array<i32>} : memref<32xi32, #tpu.memory_space<vmem>>, vector<16xi32>,
    %add3A_91 = vector.broadcast %mul3A_33 : i32 to vector<16xi32>
    %add3A_92 = arith.addi %get3A_90, %add3A_91 : vector<16xi32>
    %swap3A_93 = arith.constant 16 : index
    %swap3A_94 = tpu.vector_load %arg23[%swap3A_93] {strides = array<i32>} : memref<32xi32, #tpu.memory_space<vmem>>, vector<16xi32>,
    tpu.vector_store %arg23[%swap3A_93], %add3A_92 {strides = array<i32>} : memref<32xi32, #tpu.memory_space<vmem>>, vector<16xi32>,
    %dma_start3A_95 = arith.constant 0 : i32
    %dma_start3A_96 = arith.constant 0 : i32
    %dma_start3A_97 = tpu.memref_slice %arg13[%dma_start3A_95, %dma_start3A_96] : memref<20000x128xf32, #tpu.memory_space<hbm>> -> memref<20000x128xf32, #tpu.memory_space<hbm>>
    tpu.enqueue_indirect_dma source(%dma_start3A_97 : memref<20000x128xf32, #tpu.memory_space<hbm>>) target(%arg30 : memref<32x128xf32, #tpu.memory_space<vmem>>) offsets(%arg21 : memref<32xi32, #tpu.memory_space<vmem>>) semaphore(%arg40 : memref<!tpu.dma_semaphore, #tpu.memory_space<semaphore_mem>>)
    %dma_start3A_98 = arith.constant 0 : i32
    %dma_start3A_99 = arith.constant 0 : i32
    %dma_start3A_100 = tpu.memref_slice %arg14[%dma_start3A_98, %dma_start3A_99] : memref<20000x256xf32, #tpu.memory_space<hbm>> -> memref<20000x256xf32, #tpu.memory_space<hbm>>
    tpu.enqueue_indirect_dma source(%dma_start3A_100 : memref<20000x256xf32, #tpu.memory_space<hbm>>) target(%arg32 : memref<32x256xf32, #tpu.memory_space<vmem>>) offsets(%arg22 : memref<32xi32, #tpu.memory_space<vmem>>) semaphore(%arg40 : memref<!tpu.dma_semaphore, #tpu.memory_space<semaphore_mem>>)
    %scan3A_101 = arith.constant 0 : i32
    %scan3A_102 = arith.constant 0 : i32
    %scan3A_103 = arith.constant 312 : i32
    %scan3A_104 = arith.addi %scan3A_102, %scan3A_103 : i32
    %scan3A_105 = arith.constant 1 : i32
    scf.for %scan3A_176 = %scan3A_102 to %scan3A_104 step %scan3A_105  : i32 {
      %mul3A_177 = arith.constant 2 : i32
      %mul3A_178 = arith.muli %mul3A_177, %scan3A_176 : i32
      %add3A_179 = arith.constant 1 : i32
      %add3A_180 = arith.addi %mul3A_178, %add3A_179 : i32
      %dma_start3A_181 = arith.constant 0 : i32
      %dma_start3A_182 = arith.constant 0 : i32
      %dma_start3A_183 = tpu.memref_slice %arg8[%dma_start3A_181, %dma_start3A_182] : memref<20000x128xf32, #tpu.memory_space<hbm>> -> memref<20000x128xf32, #tpu.memory_space<hbm>>
      tpu.enqueue_indirect_dma source(%dma_start3A_183 : memref<20000x128xf32, #tpu.memory_space<hbm>>) target(%arg34 : memref<32x128xf32, #tpu.memory_space<vmem>>) offsets(%arg23 : memref<32xi32, #tpu.memory_space<vmem>>) semaphore(%arg42 : memref<!tpu.dma_semaphore, #tpu.memory_space<semaphore_mem>>)
      %gt3A = arith.constant 0 : i32
      %gt3A_184 = arith.cmpi sgt, %scan3A_176, %gt3A : i32
      %convert_element_type3A_185 = arith.extui %gt3A_184 : i1 to i32
      %cond3A_186 = arith.constant 0 : i32
      %cond3A_187 = arith.cmpi ne, %convert_element_type3A_185, %cond3A_186 : i32
      scf.if %cond3A_187 {
        %dma_wait3A_364 = arith.constant 0 : i32
        %dma_wait3A_365 = arith.constant 0 : i32
        %dma_wait3A_366 = tpu.memref_slice %arg38[%dma_wait3A_364, %dma_wait3A_365] : memref<10000x128xf32, #tpu.memory_space<vmem_shared>> -> memref<10000x128xf32, #tpu.memory_space<vmem_shared>>
        tpu.wait_indirect_dma semaphore(%arg44 : memref<!tpu.dma_semaphore, #tpu.memory_space<semaphore_mem>>) src(%arg31 : memref<32x128xf32, #tpu.memory_space<vmem>>) dst(%dma_wait3A_366 : memref<10000x128xf32, #tpu.memory_space<vmem_shared>>)
      } else {
      }
      %mul3A_188 = arith.constant 32 : i32
      %mul3A_189 = arith.muli %add3A_180, %mul3A_188 : i32
      %add3A_190 = arith.addi %mul3A_47, %mul3A_189 : i32
      %dma_start3A_191 = tpu.memref_slice %arg2[%add3A_190] : memref<320000xi32, #tpu.memory_space<hbm>> -> memref<32xi32, #tpu.memory_space<hbm>>
      %dma_start3A_192 = tpu.memref_slice %arg2[%add3A_190] : memref<320000xi32, #tpu.memory_space<hbm>> -> memref<32xi32, #tpu.memory_space<hbm>>
      tpu.enqueue_dma source(%dma_start3A_192 : memref<32xi32, #tpu.memory_space<hbm>>) target(%arg18 : memref<32xi32, #tpu.memory_space<vmem>>) target_semaphore(%arg45 : memref<!tpu.dma_semaphore, #tpu.memory_space<semaphore_mem>>)
      %dma_start3A_193 = tpu.memref_slice %arg3[%add3A_190] : memref<320000xi32, #tpu.memory_space<hbm>> -> memref<32xi32, #tpu.memory_space<hbm>>
      %dma_start3A_194 = tpu.memref_slice %arg3[%add3A_190] : memref<320000xi32, #tpu.memory_space<hbm>> -> memref<32xi32, #tpu.memory_space<hbm>>
      tpu.enqueue_dma source(%dma_start3A_194 : memref<32xi32, #tpu.memory_space<hbm>>) target(%arg19 : memref<32xi32, #tpu.memory_space<vmem>>) target_semaphore(%arg45 : memref<!tpu.dma_semaphore, #tpu.memory_space<semaphore_mem>>)
      %dma_start3A_195 = tpu.memref_slice %arg4[%add3A_190] : memref<320000xi32, #tpu.memory_space<hbm>> -> memref<32xi32, #tpu.memory_space<hbm>>
      %dma_start3A_196 = tpu.memref_slice %arg4[%add3A_190] : memref<320000xi32, #tpu.memory_space<hbm>> -> memref<32xi32, #tpu.memory_space<hbm>>
      tpu.enqueue_dma source(%dma_start3A_196 : memref<32xi32, #tpu.memory_space<hbm>>) target(%arg20 : memref<32xi32, #tpu.memory_space<vmem>>) target_semaphore(%arg45 : memref<!tpu.dma_semaphore, #tpu.memory_space<semaphore_mem>>)
      %dma_wait3A_197 = tpu.memref_slice %arg2[%add3A_190] : memref<320000xi32, #tpu.memory_space<hbm>> -> memref<32xi32, #tpu.memory_space<hbm>>
      %dma_wait3A_198 = tpu.memref_slice %arg2[%add3A_190] : memref<320000xi32, #tpu.memory_space<hbm>> -> memref<32xi32, #tpu.memory_space<hbm>>
      tpu.wait_dma2 semaphore(%arg45 : memref<!tpu.dma_semaphore, #tpu.memory_space<semaphore_mem>>) src(%dma_wait3A_198 : memref<32xi32, #tpu.memory_space<hbm>>) dst(%arg18 : memref<32xi32, #tpu.memory_space<vmem>>)
      %dma_wait3A_199 = tpu.memref_slice %arg3[%add3A_190] : memref<320000xi32, #tpu.memory_space<hbm>> -> memref<32xi32, #tpu.memory_space<hbm>>
      %dma_wait3A_200 = tpu.memref_slice %arg3[%add3A_190] : memref<320000xi32, #tpu.memory_space<hbm>> -> memref<32xi32, #tpu.memory_space<hbm>>
      tpu.wait_dma2 semaphore(%arg45 : memref<!tpu.dma_semaphore, #tpu.memory_space<semaphore_mem>>) src(%dma_wait3A_200 : memref<32xi32, #tpu.memory_space<hbm>>) dst(%arg19 : memref<32xi32, #tpu.memory_space<vmem>>)
      %dma_wait3A_201 = tpu.memref_slice %arg4[%add3A_190] : memref<320000xi32, #tpu.memory_space<hbm>> -> memref<32xi32, #tpu.memory_space<hbm>>
      %dma_wait3A_202 = tpu.memref_slice %arg4[%add3A_190] : memref<320000xi32, #tpu.memory_space<hbm>> -> memref<32xi32, #tpu.memory_space<hbm>>
      tpu.wait_dma2 semaphore(%arg45 : memref<!tpu.dma_semaphore, #tpu.memory_space<semaphore_mem>>) src(%dma_wait3A_202 : memref<32xi32, #tpu.memory_space<hbm>>) dst(%arg20 : memref<32xi32, #tpu.memory_space<vmem>>)
      %get3A_203 = arith.constant 0 : index
      %get3A_204 = tpu.vector_load %arg18[%get3A_203] {strides = array<i32>} : memref<32xi32, #tpu.memory_space<vmem>>, vector<16xi32>,
      %add3A_205 = vector.broadcast %mul3A_31 : i32 to vector<16xi32>
      %add3A_206 = arith.addi %get3A_204, %add3A_205 : vector<16xi32>
      %swap3A_207 = arith.constant 0 : index
      %swap3A_208 = tpu.vector_load %arg25[%swap3A_207] {strides = array<i32>} : memref<32xi32, #tpu.memory_space<vmem>>, vector<16xi32>,
      tpu.vector_store %arg25[%swap3A_207], %add3A_206 {strides = array<i32>} : memref<32xi32, #tpu.memory_space<vmem>>, vector<16xi32>,
      %get3A_209 = arith.constant 0 : index
      %get3A_210 = tpu.vector_load %arg19[%get3A_209] {strides = array<i32>} : memref<32xi32, #tpu.memory_space<vmem>>, vector<16xi32>,
      %add3A_211 = vector.broadcast %mul3A_31 : i32 to vector<16xi32>
      %add3A_212 = arith.addi %get3A_210, %add3A_211 : vector<16xi32>
      %swap3A_213 = arith.constant 0 : index
      %swap3A_214 = tpu.vector_load %arg24[%swap3A_213] {strides = array<i32>} : memref<32xi32, #tpu.memory_space<vmem>>, vector<16xi32>,
      tpu.vector_store %arg24[%swap3A_213], %add3A_212 {strides = array<i32>} : memref<32xi32, #tpu.memory_space<vmem>>, vector<16xi32>,
      %get3A_215 = arith.constant 0 : index
      %get3A_216 = tpu.vector_load %arg20[%get3A_215] {strides = array<i32>} : memref<32xi32, #tpu.memory_space<vmem>>, vector<16xi32>,
      %add3A_217 = vector.broadcast %mul3A_33 : i32 to vector<16xi32>
      %add3A_218 = arith.addi %get3A_216, %add3A_217 : vector<16xi32>
      %swap3A_219 = arith.constant 0 : index
      %swap3A_220 = tpu.vector_load %arg26[%swap3A_219] {strides = array<i32>} : memref<32xi32, #tpu.memory_space<vmem>>, vector<16xi32>,
      tpu.vector_store %arg26[%swap3A_219], %add3A_218 {strides = array<i32>} : memref<32xi32, #tpu.memory_space<vmem>>, vector<16xi32>,
      %get3A_221 = arith.constant 16 : index
      %get3A_222 = tpu.vector_load %arg18[%get3A_221] {strides = array<i32>} : memref<32xi32, #tpu.memory_space<vmem>>, vector<16xi32>,
      %add3A_223 = vector.broadcast %mul3A_31 : i32 to vector<16xi32>
      %add3A_224 = arith.addi %get3A_222, %add3A_223 : vector<16xi32>
      %swap3A_225 = arith.constant 16 : index
      %swap3A_226 = tpu.vector_load %arg25[%swap3A_225] {strides = array<i32>} : memref<32xi32, #tpu.memory_space<vmem>>, vector<16xi32>,
      tpu.vector_store %arg25[%swap3A_225], %add3A_224 {strides = array<i32>} : memref<32xi32, #tpu.memory_space<vmem>>, vector<16xi32>,
      %get3A_227 = arith.constant 16 : index
      %get3A_228 = tpu.vector_load %arg19[%get3A_227] {strides = array<i32>} : memref<32xi32, #tpu.memory_space<vmem>>, vector<16xi32>,
      %add3A_229 = vector.broadcast %mul3A_31 : i32 to vector<16xi32>
      %add3A_230 = arith.addi %get3A_228, %add3A_229 : vector<16xi32>
      %swap3A_231 = arith.constant 16 : index
      %swap3A_232 = tpu.vector_load %arg24[%swap3A_231] {strides = array<i32>} : memref<32xi32, #tpu.memory_space<vmem>>, vector<16xi32>,
      tpu.vector_store %arg24[%swap3A_231], %add3A_230 {strides = array<i32>} : memref<32xi32, #tpu.memory_space<vmem>>, vector<16xi32>,
      %get3A_233 = arith.constant 16 : index
      %get3A_234 = tpu.vector_load %arg20[%get3A_233] {strides = array<i32>} : memref<32xi32, #tpu.memory_space<vmem>>, vector<16xi32>,
      %add3A_235 = vector.broadcast %mul3A_33 : i32 to vector<16xi32>
      %add3A_236 = arith.addi %get3A_234, %add3A_235 : vector<16xi32>
      %swap3A_237 = arith.constant 16 : index
      %swap3A_238 = tpu.vector_load %arg26[%swap3A_237] {strides = array<i32>} : memref<32xi32, #tpu.memory_space<vmem>>, vector<16xi32>,
      tpu.vector_store %arg26[%swap3A_237], %add3A_236 {strides = array<i32>} : memref<32xi32, #tpu.memory_space<vmem>>, vector<16xi32>,
      %dma_start3A_239 = arith.constant 0 : i32
      %dma_start3A_240 = arith.constant 0 : i32
      %dma_start3A_241 = tpu.memref_slice %arg13[%dma_start3A_239, %dma_start3A_240] : memref<20000x128xf32, #tpu.memory_space<hbm>> -> memref<20000x128xf32, #tpu.memory_space<hbm>>
      tpu.enqueue_indirect_dma source(%dma_start3A_241 : memref<20000x128xf32, #tpu.memory_space<hbm>>) target(%arg31 : memref<32x128xf32, #tpu.memory_space<vmem>>) offsets(%arg24 : memref<32xi32, #tpu.memory_space<vmem>>) semaphore(%arg41 : memref<!tpu.dma_semaphore, #tpu.memory_space<semaphore_mem>>)
      %dma_start3A_242 = arith.constant 0 : i32
      %dma_start3A_243 = arith.constant 0 : i32
      %dma_start3A_244 = tpu.memref_slice %arg14[%dma_start3A_242, %dma_start3A_243] : memref<20000x256xf32, #tpu.memory_space<hbm>> -> memref<20000x256xf32, #tpu.memory_space<hbm>>
      tpu.enqueue_indirect_dma source(%dma_start3A_244 : memref<20000x256xf32, #tpu.memory_space<hbm>>) target(%arg33 : memref<32x256xf32, #tpu.memory_space<vmem>>) offsets(%arg25 : memref<32xi32, #tpu.memory_space<vmem>>) semaphore(%arg41 : memref<!tpu.dma_semaphore, #tpu.memory_space<semaphore_mem>>)
      %dma_wait3A_245 = arith.constant 0 : i32
      %dma_wait3A_246 = arith.constant 0 : i32
      %dma_wait3A_247 = tpu.memref_slice %arg13[%dma_wait3A_245, %dma_wait3A_246] : memref<20000x128xf32, #tpu.memory_space<hbm>> -> memref<20000x128xf32, #tpu.memory_space<hbm>>
      tpu.wait_indirect_dma semaphore(%arg40 : memref<!tpu.dma_semaphore, #tpu.memory_space<semaphore_mem>>) src(%dma_wait3A_247 : memref<20000x128xf32, #tpu.memory_space<hbm>>) dst(%arg30 : memref<32x128xf32, #tpu.memory_space<vmem>>)
      %dma_wait3A_248 = arith.constant 0 : i32
      %dma_wait3A_249 = arith.constant 0 : i32
      %dma_wait3A_250 = tpu.memref_slice %arg14[%dma_wait3A_248, %dma_wait3A_249] : memref<20000x256xf32, #tpu.memory_space<hbm>> -> memref<20000x256xf32, #tpu.memory_space<hbm>>
      tpu.wait_indirect_dma semaphore(%arg40 : memref<!tpu.dma_semaphore, #tpu.memory_space<semaphore_mem>>) src(%dma_wait3A_250 : memref<20000x256xf32, #tpu.memory_space<hbm>>) dst(%arg32 : memref<32x256xf32, #tpu.memory_space<vmem>>)
      %dma_wait3A_251 = arith.constant 0 : i32
      %dma_wait3A_252 = arith.constant 0 : i32
      %dma_wait3A_253 = tpu.memref_slice %arg8[%dma_wait3A_251, %dma_wait3A_252] : memref<20000x128xf32, #tpu.memory_space<hbm>> -> memref<20000x128xf32, #tpu.memory_space<hbm>>
      tpu.wait_indirect_dma semaphore(%arg42 : memref<!tpu.dma_semaphore, #tpu.memory_space<semaphore_mem>>) src(%dma_wait3A_253 : memref<20000x128xf32, #tpu.memory_space<hbm>>) dst(%arg34 : memref<32x128xf32, #tpu.memory_space<vmem>>)
      %scan3A_254 = arith.constant 0 : i32
      %scan3A_255 = arith.constant 0 : i32
      %scan3A_256 = arith.constant 2 : i32
      %scan3A_257 = arith.addi %scan3A_255, %scan3A_256 : i32
      %scan3A_258 = arith.constant 1 : i32
      scf.for %scan3A_364 = %scan3A_255 to %scan3A_257 step %scan3A_258  : i32 {
        %broadcast_in_dim3A = arith.constant 0.000000e+00 : f32
        %broadcast_in_dim3A_365 = vector.broadcast %broadcast_in_dim3A : f32 to vector<16xf32>
        %scan3A_366 = arith.constant 0 : i32
        %scan3A_367 = arith.constant 16 : i32
        %scan3A_368 = arith.addi %scan3A_366, %scan3A_367 : i32
        %scan3A_369 = arith.constant 1 : i32
        %scan3A_370 = scf.for %scan3A_390 = %scan3A_366 to %scan3A_368 step %scan3A_369 iter_args(%scan3A_391 = %broadcast_in_dim3A_365) -> (vector<16xf32>)  : i32 {
          %mul3A_392 = arith.constant 16 : i32
          %mul3A_393 = arith.muli %scan3A_364, %mul3A_392 : i32
          %add3A_394 = arith.addi %mul3A_393, %scan3A_390 : i32
          %broadcast_in_dim3A_395 = arith.constant 0.000000e+00 : f32
          %broadcast_in_dim3A_396 = vector.broadcast %broadcast_in_dim3A_395 : f32 to vector<16xf32>
          %get3A_397 = arith.index_cast %add3A_394 : i32 to index
          %get3A_398 = arith.constant 0 : index
          %get3A_399 = tpu.vector_load %arg30[%get3A_397, %get3A_398] {strides = array<i32>} : memref<32x128xf32, #tpu.memory_space<vmem>>, vector<16xf32>,
          %get3A_400 = arith.index_cast %add3A_394 : i32 to index
          %get3A_401 = arith.constant 0 : index
          %get3A_402 = tpu.vector_load %arg32[%get3A_400, %get3A_401] {strides = array<i32>} : memref<32x256xf32, #tpu.memory_space<vmem>>, vector<16xf32>,
          %get3A_403 = arith.index_cast %add3A_394 : i32 to index
          %get3A_404 = arith.constant 0 : index
          %get3A_405 = tpu.vector_load %arg34[%get3A_403, %get3A_404] {strides = array<i32>} : memref<32x128xf32, #tpu.memory_space<vmem>>, vector<16xf32>,
          %add3A_406 = arith.addf %get3A_402, %get3A_405 : vector<16xf32>
          %mul3A_407 = arith.mulf %get3A_399, %add3A_406 : vector<16xf32>
          %add3A_408 = arith.addf %broadcast_in_dim3A_396, %mul3A_407 : vector<16xf32>
          %get3A_409 = arith.index_cast %add3A_394 : i32 to index
          %get3A_410 = arith.constant 16 : index
          %get3A_411 = tpu.vector_load %arg30[%get3A_409, %get3A_410] {strides = array<i32>} : memref<32x128xf32, #tpu.memory_space<vmem>>, vector<16xf32>,
          %get3A_412 = arith.index_cast %add3A_394 : i32 to index
          %get3A_413 = arith.constant 16 : index
          %get3A_414 = tpu.vector_load %arg32[%get3A_412, %get3A_413] {strides = array<i32>} : memref<32x256xf32, #tpu.memory_space<vmem>>, vector<16xf32>,
          %get3A_415 = arith.index_cast %add3A_394 : i32 to index
          %get3A_416 = arith.constant 16 : index
          %get3A_417 = tpu.vector_load %arg34[%get3A_415, %get3A_416] {strides = array<i32>} : memref<32x128xf32, #tpu.memory_space<vmem>>, vector<16xf32>,
          %add3A_418 = arith.addf %get3A_414, %get3A_417 : vector<16xf32>
          %mul3A_419 = arith.mulf %get3A_411, %add3A_418 : vector<16xf32>
          %add3A_420 = arith.addf %add3A_408, %mul3A_419 : vector<16xf32>
          %get3A_421 = arith.index_cast %add3A_394 : i32 to index
          %get3A_422 = arith.constant 32 : index
          %get3A_423 = tpu.vector_load %arg30[%get3A_421, %get3A_422] {strides = array<i32>} : memref<32x128xf32, #tpu.memory_space<vmem>>, vector<16xf32>,
          %get3A_424 = arith.index_cast %add3A_394 : i32 to index
          %get3A_425 = arith.constant 32 : index
          %get3A_426 = tpu.vector_load %arg32[%get3A_424, %get3A_425] {strides = array<i32>} : memref<32x256xf32, #tpu.memory_space<vmem>>, vector<16xf32>,
          %get3A_427 = arith.index_cast %add3A_394 : i32 to index
          %get3A_428 = arith.constant 32 : index
          %get3A_429 = tpu.vector_load %arg34[%get3A_427, %get3A_428] {strides = array<i32>} : memref<32x128xf32, #tpu.memory_space<vmem>>, vector<16xf32>,
          %add3A_430 = arith.addf %get3A_426, %get3A_429 : vector<16xf32>
          %mul3A_431 = arith.mulf %get3A_423, %add3A_430 : vector<16xf32>
          %add3A_432 = arith.addf %add3A_420, %mul3A_431 : vector<16xf32>
          %get3A_433 = arith.index_cast %add3A_394 : i32 to index
          %get3A_434 = arith.constant 48 : index
          %get3A_435 = tpu.vector_load %arg30[%get3A_433, %get3A_434] {strides = array<i32>} : memref<32x128xf32, #tpu.memory_space<vmem>>, vector<16xf32>,
          %get3A_436 = arith.index_cast %add3A_394 : i32 to index
          %get3A_437 = arith.constant 48 : index
          %get3A_438 = tpu.vector_load %arg32[%get3A_436, %get3A_437] {strides = array<i32>} : memref<32x256xf32, #tpu.memory_space<vmem>>, vector<16xf32>,
          %get3A_439 = arith.index_cast %add3A_394 : i32 to index
          %get3A_440 = arith.constant 48 : index
          %get3A_441 = tpu.vector_load %arg34[%get3A_439, %get3A_440] {strides = array<i32>} : memref<32x128xf32, #tpu.memory_space<vmem>>, vector<16xf32>,
          %add3A_442 = arith.addf %get3A_438, %get3A_441 : vector<16xf32>
          %mul3A_443 = arith.mulf %get3A_435, %add3A_442 : vector<16xf32>
          %add3A_444 = arith.addf %add3A_432, %mul3A_443 : vector<16xf32>
          %get3A_445 = arith.index_cast %add3A_394 : i32 to index
          %get3A_446 = arith.constant 64 : index
          %get3A_447 = tpu.vector_load %arg30[%get3A_445, %get3A_446] {strides = array<i32>} : memref<32x128xf32, #tpu.memory_space<vmem>>, vector<16xf32>,
          %get3A_448 = arith.index_cast %add3A_394 : i32 to index
          %get3A_449 = arith.constant 64 : index
          %get3A_450 = tpu.vector_load %arg32[%get3A_448, %get3A_449] {strides = array<i32>} : memref<32x256xf32, #tpu.memory_space<vmem>>, vector<16xf32>,
          %get3A_451 = arith.index_cast %add3A_394 : i32 to index
          %get3A_452 = arith.constant 64 : index
          %get3A_453 = tpu.vector_load %arg34[%get3A_451, %get3A_452] {strides = array<i32>} : memref<32x128xf32, #tpu.memory_space<vmem>>, vector<16xf32>,
          %add3A_454 = arith.addf %get3A_450, %get3A_453 : vector<16xf32>
          %mul3A_455 = arith.mulf %get3A_447, %add3A_454 : vector<16xf32>
          %add3A_456 = arith.addf %add3A_444, %mul3A_455 : vector<16xf32>
          %get3A_457 = arith.index_cast %add3A_394 : i32 to index
          %get3A_458 = arith.constant 80 : index
          %get3A_459 = tpu.vector_load %arg30[%get3A_457, %get3A_458] {strides = array<i32>} : memref<32x128xf32, #tpu.memory_space<vmem>>, vector<16xf32>,
          %get3A_460 = arith.index_cast %add3A_394 : i32 to index
          %get3A_461 = arith.constant 80 : index
          %get3A_462 = tpu.vector_load %arg32[%get3A_460, %get3A_461] {strides = array<i32>} : memref<32x256xf32, #tpu.memory_space<vmem>>, vector<16xf32>,
          %get3A_463 = arith.index_cast %add3A_394 : i32 to index
          %get3A_464 = arith.constant 80 : index
          %get3A_465 = tpu.vector_load %arg34[%get3A_463, %get3A_464] {strides = array<i32>} : memref<32x128xf32, #tpu.memory_space<vmem>>, vector<16xf32>,
          %add3A_466 = arith.addf %get3A_462, %get3A_465 : vector<16xf32>
          %mul3A_467 = arith.mulf %get3A_459, %add3A_466 : vector<16xf32>
          %add3A_468 = arith.addf %add3A_456, %mul3A_467 : vector<16xf32>
          %get3A_469 = arith.index_cast %add3A_394 : i32 to index
          %get3A_470 = arith.constant 96 : index
          %get3A_471 = tpu.vector_load %arg30[%get3A_469, %get3A_470] {strides = array<i32>} : memref<32x128xf32, #tpu.memory_space<vmem>>, vector<16xf32>,
          %get3A_472 = arith.index_cast %add3A_394 : i32 to index
          %get3A_473 = arith.constant 96 : index
          %get3A_474 = tpu.vector_load %arg32[%get3A_472, %get3A_473] {strides = array<i32>} : memref<32x256xf32, #tpu.memory_space<vmem>>, vector<16xf32>,
          %get3A_475 = arith.index_cast %add3A_394 : i32 to index
          %get3A_476 = arith.constant 96 : index
          %get3A_477 = tpu.vector_load %arg34[%get3A_475, %get3A_476] {strides = array<i32>} : memref<32x128xf32, #tpu.memory_space<vmem>>, vector<16xf32>,
          %add3A_478 = arith.addf %get3A_474, %get3A_477 : vector<16xf32>
          %mul3A_479 = arith.mulf %get3A_471, %add3A_478 : vector<16xf32>
          %add3A_480 = arith.addf %add3A_468, %mul3A_479 : vector<16xf32>
          %get3A_481 = arith.index_cast %add3A_394 : i32 to index
          %get3A_482 = arith.constant 112 : index
          %get3A_483 = tpu.vector_load %arg30[%get3A_481, %get3A_482] {strides = array<i32>} : memref<32x128xf32, #tpu.memory_space<vmem>>, vector<16xf32>,
          %get3A_484 = arith.index_cast %add3A_394 : i32 to index
          %get3A_485 = arith.constant 112 : index
          %get3A_486 = tpu.vector_load %arg32[%get3A_484, %get3A_485] {strides = array<i32>} : memref<32x256xf32, #tpu.memory_space<vmem>>, vector<16xf32>,
          %get3A_487 = arith.index_cast %add3A_394 : i32 to index
          %get3A_488 = arith.constant 112 : index
          %get3A_489 = tpu.vector_load %arg34[%get3A_487, %get3A_488] {strides = array<i32>} : memref<32x128xf32, #tpu.memory_space<vmem>>, vector<16xf32>,
          %add3A_490 = arith.addf %get3A_486, %get3A_489 : vector<16xf32>
          %mul3A_491 = arith.mulf %get3A_483, %add3A_490 : vector<16xf32>
          %add3A_492 = arith.addf %add3A_480, %mul3A_491 : vector<16xf32>
          %eq3A_493 = vector.broadcast %scan3A_390 : i32 to vector<16xi32>
          %eq3A_494 = arith.cmpi eq, %iota3A, %eq3A_493 : vector<16xi32>
          %reduce_sum3A = arith.constant true
          %reduce_sum3A_495 = vector.broadcast %reduce_sum3A : i1 to vector<16xi1>
          %reduce_sum3A_496 = tpu.scan <sum>, %add3A_492 masked %reduce_sum3A_495 : vector<16xf32>, vector<16xi1> -> vector<16xf32>
          %reduce_sum3A_497 = vector.extract %reduce_sum3A_496[15] : f32 from vector<16xf32>
          %broadcast_in_dim3A_498 = vector.broadcast %reduce_sum3A_497 : f32 to vector<16xf32>
          %select_n3A_499 = arith.select %eq3A_494, %broadcast_in_dim3A_498, %scan3A_391 : vector<16xi1>, vector<16xf32>
          scf.yield %select_n3A_499 : vector<16xf32>
        }
        %scan3A_371 = arith.constant 16 : i32
        %mul3A_372 = arith.constant 0.0883883461 : f32
        %mul3A_373 = vector.broadcast %mul3A_372 : f32 to vector<16xf32>
        %mul3A_374 = arith.mulf %scan3A_370, %mul3A_373 : vector<16xf32>
        %exp3A = math.exp %mul3A_374 : vector<16xf32>
        %mul3A_375 = arith.constant 16 : i32
        %mul3A_376 = arith.muli %scan3A_364, %mul3A_375 : i32
        %get3A_377 = arith.index_cast %mul3A_376 : i32 to index
        %get3A_378 = tpu.vector_load %arg16[%get3A_377] {strides = array<i32>} : memref<32xi32, #tpu.memory_space<vmem>>, vector<16xi32>,
        %shift_right_logical3A = arith.constant 7 : i32
        %shift_right_logical3A_379 = vector.broadcast %shift_right_logical3A : i32 to vector<16xi32>
        %shift_right_logical3A_380 = arith.shrui %get3A_378, %shift_right_logical3A_379 : vector<16xi32>
        %and3A_381 = arith.constant 127 : i32
        %and3A_382 = vector.broadcast %and3A_381 : i32 to vector<16xi32>
        %and3A_383 = arith.andi %get3A_378, %and3A_382 : vector<16xi32>
        %scan3A_384 = arith.constant 0 : i32
        %scan3A_385 = arith.constant 0 : i32
        %scan3A_386 = arith.constant 16 : i32
        %scan3A_387 = arith.addi %scan3A_385, %scan3A_386 : i32
        %scan3A_388 = arith.constant 1 : i32
        scf.for %scan3A_390 = %scan3A_385 to %scan3A_387 step %scan3A_388  : i32 {
          %eq3A_391 = vector.broadcast %scan3A_390 : i32 to vector<16xi32>
          %eq3A_392 = arith.cmpi eq, %iota3A, %eq3A_391 : vector<16xi32>
          tpu.vector_store_idx %arg35[%shift_right_logical3A_380, %and3A_383], %exp3A masked %eq3A_392 {add = true} : memref<80x128xf32, #tpu.memory_space<vmem>>[vector<16xi32>, vector<16xi32>], vector<16xf32>, vector<16xi1>
          %mul3A_393 = arith.constant 16 : i32
          %mul3A_394 = arith.muli %scan3A_364, %mul3A_393 : i32
          %add3A_395 = arith.addi %mul3A_394, %scan3A_390 : i32
          %broadcast_in_dim3A_396 = vector.broadcast %scan3A_390 : i32 to vector<16xi32>
          %lt3A_397 = arith.constant 0 : i32
          %lt3A_398 = vector.broadcast %lt3A_397 : i32 to vector<16xi32>
          %lt3A_399 = arith.cmpi slt, %broadcast_in_dim3A_396, %lt3A_398 : vector<16xi32>
          %add3A_400 = arith.constant 16 : i32
          %add3A_401 = vector.broadcast %add3A_400 : i32 to vector<16xi32>
          %add3A_402 = arith.addi %broadcast_in_dim3A_396, %add3A_401 : vector<16xi32>
          %select_n3A_403 = arith.select %lt3A_399, %add3A_402, %broadcast_in_dim3A_396 : vector<16xi1>, vector<16xi32>
          %broadcast_in_dim3A_404 = vector.shape_cast %select_n3A_403 : vector<16xi32> to vector<16x1xi32>
          %gather3A = vector.shape_cast %broadcast_in_dim3A_404 : vector<16x1xi32> to vector<16xi32>
          %gather3A_405 = tpu.dynamic_gather %exp3A[%gather3A] in [0] : vector<16xf32>, vector<16xi32> -> vector<16xf32>
          %get3A_406 = arith.index_cast %add3A_395 : i32 to index
          %get3A_407 = arith.constant 128 : index
          %get3A_408 = tpu.vector_load %arg32[%get3A_406, %get3A_407] {strides = array<i32>} : memref<32x256xf32, #tpu.memory_space<vmem>>, vector<16xf32>,
          %get3A_409 = arith.index_cast %add3A_395 : i32 to index
          %get3A_410 = arith.constant 0 : index
          %get3A_411 = tpu.vector_load %arg34[%get3A_409, %get3A_410] {strides = array<i32>} : memref<32x128xf32, #tpu.memory_space<vmem>>, vector<16xf32>,
          %add3A_412 = arith.addf %get3A_408, %get3A_411 : vector<16xf32>
          %mul3A_413 = arith.mulf %add3A_412, %gather3A_405 : vector<16xf32>
          %swap3A_414 = arith.index_cast %add3A_395 : i32 to index
          %swap3A_415 = arith.constant 0 : index
          %swap3A_416 = tpu.vector_load %arg30[%swap3A_414, %swap3A_415] {strides = array<i32>} : memref<32x128xf32, #tpu.memory_space<vmem>>, vector<16xf32>,
          tpu.vector_store %arg30[%swap3A_414, %swap3A_415], %mul3A_413 {strides = array<i32>} : memref<32x128xf32, #tpu.memory_space<vmem>>, vector<16xf32>,
          %get3A_417 = arith.index_cast %add3A_395 : i32 to index
          %get3A_418 = arith.constant 144 : index
          %get3A_419 = tpu.vector_load %arg32[%get3A_417, %get3A_418] {strides = array<i32>} : memref<32x256xf32, #tpu.memory_space<vmem>>, vector<16xf32>,
          %get3A_420 = arith.index_cast %add3A_395 : i32 to index
          %get3A_421 = arith.constant 16 : index
          %get3A_422 = tpu.vector_load %arg34[%get3A_420, %get3A_421] {strides = array<i32>} : memref<32x128xf32, #tpu.memory_space<vmem>>, vector<16xf32>,
          %add3A_423 = arith.addf %get3A_419, %get3A_422 : vector<16xf32>
          %mul3A_424 = arith.mulf %add3A_423, %gather3A_405 : vector<16xf32>
          %swap3A_425 = arith.index_cast %add3A_395 : i32 to index
          %swap3A_426 = arith.constant 16 : index
          %swap3A_427 = tpu.vector_load %arg30[%swap3A_425, %swap3A_426] {strides = array<i32>} : memref<32x128xf32, #tpu.memory_space<vmem>>, vector<16xf32>,
          tpu.vector_store %arg30[%swap3A_425, %swap3A_426], %mul3A_424 {strides = array<i32>} : memref<32x128xf32, #tpu.memory_space<vmem>>, vector<16xf32>,
          %get3A_428 = arith.index_cast %add3A_395 : i32 to index
          %get3A_429 = arith.constant 160 : index
          %get3A_430 = tpu.vector_load %arg32[%get3A_428, %get3A_429] {strides = array<i32>} : memref<32x256xf32, #tpu.memory_space<vmem>>, vector<16xf32>,
          %get3A_431 = arith.index_cast %add3A_395 : i32 to index
          %get3A_432 = arith.constant 32 : index
          %get3A_433 = tpu.vector_load %arg34[%get3A_431, %get3A_432] {strides = array<i32>} : memref<32x128xf32, #tpu.memory_space<vmem>>, vector<16xf32>,
          %add3A_434 = arith.addf %get3A_430, %get3A_433 : vector<16xf32>
          %mul3A_435 = arith.mulf %add3A_434, %gather3A_405 : vector<16xf32>
          %swap3A_436 = arith.index_cast %add3A_395 : i32 to index
          %swap3A_437 = arith.constant 32 : index
          %swap3A_438 = tpu.vector_load %arg30[%swap3A_436, %swap3A_437] {strides = array<i32>} : memref<32x128xf32, #tpu.memory_space<vmem>>, vector<16xf32>,
          tpu.vector_store %arg30[%swap3A_436, %swap3A_437], %mul3A_435 {strides = array<i32>} : memref<32x128xf32, #tpu.memory_space<vmem>>, vector<16xf32>,
          %get3A_439 = arith.index_cast %add3A_395 : i32 to index
          %get3A_440 = arith.constant 176 : index
          %get3A_441 = tpu.vector_load %arg32[%get3A_439, %get3A_440] {strides = array<i32>} : memref<32x256xf32, #tpu.memory_space<vmem>>, vector<16xf32>,
          %get3A_442 = arith.index_cast %add3A_395 : i32 to index
          %get3A_443 = arith.constant 48 : index
          %get3A_444 = tpu.vector_load %arg34[%get3A_442, %get3A_443] {strides = array<i32>} : memref<32x128xf32, #tpu.memory_space<vmem>>, vector<16xf32>,
          %add3A_445 = arith.addf %get3A_441, %get3A_444 : vector<16xf32>
          %mul3A_446 = arith.mulf %add3A_445, %gather3A_405 : vector<16xf32>
          %swap3A_447 = arith.index_cast %add3A_395 : i32 to index
          %swap3A_448 = arith.constant 48 : index
          %swap3A_449 = tpu.vector_load %arg30[%swap3A_447, %swap3A_448] {strides = array<i32>} : memref<32x128xf32, #tpu.memory_space<vmem>>, vector<16xf32>,
          tpu.vector_store %arg30[%swap3A_447, %swap3A_448], %mul3A_446 {strides = array<i32>} : memref<32x128xf32, #tpu.memory_space<vmem>>, vector<16xf32>,
          %get3A_450 = arith.index_cast %add3A_395 : i32 to index
          %get3A_451 = arith.constant 192 : index
          %get3A_452 = tpu.vector_load %arg32[%get3A_450, %get3A_451] {strides = array<i32>} : memref<32x256xf32, #tpu.memory_space<vmem>>, vector<16xf32>,
          %get3A_453 = arith.index_cast %add3A_395 : i32 to index
          %get3A_454 = arith.constant 64 : index
          %get3A_455 = tpu.vector_load %arg34[%get3A_453, %get3A_454] {strides = array<i32>} : memref<32x128xf32, #tpu.memory_space<vmem>>, vector<16xf32>,
          %add3A_456 = arith.addf %get3A_452, %get3A_455 : vector<16xf32>
          %mul3A_457 = arith.mulf %add3A_456, %gather3A_405 : vector<16xf32>
          %swap3A_458 = arith.index_cast %add3A_395 : i32 to index
          %swap3A_459 = arith.constant 64 : index
          %swap3A_460 = tpu.vector_load %arg30[%swap3A_458, %swap3A_459] {strides = array<i32>} : memref<32x128xf32, #tpu.memory_space<vmem>>, vector<16xf32>,
          tpu.vector_store %arg30[%swap3A_458, %swap3A_459], %mul3A_457 {strides = array<i32>} : memref<32x128xf32, #tpu.memory_space<vmem>>, vector<16xf32>,
          %get3A_461 = arith.index_cast %add3A_395 : i32 to index
          %get3A_462 = arith.constant 208 : index
          %get3A_463 = tpu.vector_load %arg32[%get3A_461, %get3A_462] {strides = array<i32>} : memref<32x256xf32, #tpu.memory_space<vmem>>, vector<16xf32>,
          %get3A_464 = arith.index_cast %add3A_395 : i32 to index
          %get3A_465 = arith.constant 80 : index
          %get3A_466 = tpu.vector_load %arg34[%get3A_464, %get3A_465] {strides = array<i32>} : memref<32x128xf32, #tpu.memory_space<vmem>>, vector<16xf32>,
          %add3A_467 = arith.addf %get3A_463, %get3A_466 : vector<16xf32>
          %mul3A_468 = arith.mulf %add3A_467, %gather3A_405 : vector<16xf32>
          %swap3A_469 = arith.index_cast %add3A_395 : i32 to index
          %swap3A_470 = arith.constant 80 : index
          %swap3A_471 = tpu.vector_load %arg30[%swap3A_469, %swap3A_470] {strides = array<i32>} : memref<32x128xf32, #tpu.memory_space<vmem>>, vector<16xf32>,
          tpu.vector_store %arg30[%swap3A_469, %swap3A_470], %mul3A_468 {strides = array<i32>} : memref<32x128xf32, #tpu.memory_space<vmem>>, vector<16xf32>,
          %get3A_472 = arith.index_cast %add3A_395 : i32 to index
          %get3A_473 = arith.constant 224 : index
          %get3A_474 = tpu.vector_load %arg32[%get3A_472, %get3A_473] {strides = array<i32>} : memref<32x256xf32, #tpu.memory_space<vmem>>, vector<16xf32>,
          %get3A_475 = arith.index_cast %add3A_395 : i32 to index
          %get3A_476 = arith.constant 96 : index
          %get3A_477 = tpu.vector_load %arg34[%get3A_475, %get3A_476] {strides = array<i32>} : memref<32x128xf32, #tpu.memory_space<vmem>>, vector<16xf32>,
          %add3A_478 = arith.addf %get3A_474, %get3A_477 : vector<16xf32>
          %mul3A_479 = arith.mulf %add3A_478, %gather3A_405 : vector<16xf32>
          %swap3A_480 = arith.index_cast %add3A_395 : i32 to index
          %swap3A_481 = arith.constant 96 : index
          %swap3A_482 = tpu.vector_load %arg30[%swap3A_480, %swap3A_481] {strides = array<i32>} : memref<32x128xf32, #tpu.memory_space<vmem>>, vector<16xf32>,
          tpu.vector_store %arg30[%swap3A_480, %swap3A_481], %mul3A_479 {strides = array<i32>} : memref<32x128xf32, #tpu.memory_space<vmem>>, vector<16xf32>,
          %get3A_483 = arith.index_cast %add3A_395 : i32 to index
          %get3A_484 = arith.constant 240 : index
          %get3A_485 = tpu.vector_load %arg32[%get3A_483, %get3A_484] {strides = array<i32>} : memref<32x256xf32, #tpu.memory_space<vmem>>, vector<16xf32>,
          %get3A_486 = arith.index_cast %add3A_395 : i32 to index
          %get3A_487 = arith.constant 112 : index
          %get3A_488 = tpu.vector_load %arg34[%get3A_486, %get3A_487] {strides = array<i32>} : memref<32x128xf32, #tpu.memory_space<vmem>>, vector<16xf32>,
          %add3A_489 = arith.addf %get3A_485, %get3A_488 : vector<16xf32>
          %mul3A_490 = arith.mulf %add3A_489, %gather3A_405 : vector<16xf32>
          %swap3A_491 = arith.index_cast %add3A_395 : i32 to index
          %swap3A_492 = arith.constant 112 : index
          %swap3A_493 = tpu.vector_load %arg30[%swap3A_491, %swap3A_492] {strides = array<i32>} : memref<32x128xf32, #tpu.memory_space<vmem>>, vector<16xf32>,
          tpu.vector_store %arg30[%swap3A_491, %swap3A_492], %mul3A_490 {strides = array<i32>} : memref<32x128xf32, #tpu.memory_space<vmem>>, vector<16xf32>,
        }
        %scan3A_389 = arith.constant 16 : i32
      }
      %scan3A_259 = arith.constant 2 : i32
      %get3A_260 = arith.constant 0 : index
      %get3A_261 = tpu.vector_load %arg16[%get3A_260] {strides = array<i32>} : memref<32xi32, #tpu.memory_space<vmem>>, vector<16xi32>,
      %swap3A_262 = arith.constant 0 : index
      %swap3A_263 = tpu.vector_load %arg27[%swap3A_262] {strides = array<i32>} : memref<32xi32, #tpu.memory_space<vmem>>, vector<16xi32>,
      tpu.vector_store %arg27[%swap3A_262], %get3A_261 {strides = array<i32>} : memref<32xi32, #tpu.memory_space<vmem>>, vector<16xi32>,
      %get3A_264 = arith.constant 16 : index
      %get3A_265 = tpu.vector_load %arg16[%get3A_264] {strides = array<i32>} : memref<32xi32, #tpu.memory_space<vmem>>, vector<16xi32>,
      %swap3A_266 = arith.constant 16 : index
      %swap3A_267 = tpu.vector_load %arg27[%swap3A_266] {strides = array<i32>} : memref<32xi32, #tpu.memory_space<vmem>>, vector<16xi32>,
      tpu.vector_store %arg27[%swap3A_266], %get3A_265 {strides = array<i32>} : memref<32xi32, #tpu.memory_space<vmem>>, vector<16xi32>,
      %dma_start3A_268 = arith.constant 0 : i32
      %dma_start3A_269 = arith.constant 0 : i32
      %dma_start3A_270 = tpu.memref_slice %arg38[%dma_start3A_268, %dma_start3A_269] : memref<10000x128xf32, #tpu.memory_space<vmem_shared>> -> memref<10000x128xf32, #tpu.memory_space<vmem_shared>>
      tpu.enqueue_indirect_dma source(%arg30 : memref<32x128xf32, #tpu.memory_space<vmem>>) target(%dma_start3A_270 : memref<10000x128xf32, #tpu.memory_space<vmem_shared>>) offsets(%arg27 : memref<32xi32, #tpu.memory_space<vmem>>) semaphore(%arg43 : memref<!tpu.dma_semaphore, #tpu.memory_space<semaphore_mem>>) {add = true}
      %mul3A_271 = arith.constant 2 : i32
      %mul3A_272 = arith.muli %mul3A_271, %scan3A_176 : i32
      %add3A_273 = arith.constant 2 : i32
      %add3A_274 = arith.addi %mul3A_272, %add3A_273 : i32
      %dma_start3A_275 = arith.constant 0 : i32
      %dma_start3A_276 = arith.constant 0 : i32
      %dma_start3A_277 = tpu.memref_slice %arg8[%dma_start3A_275, %dma_start3A_276] : memref<20000x128xf32, #tpu.memory_space<hbm>> -> memref<20000x128xf32, #tpu.memory_space<hbm>>
      tpu.enqueue_indirect_dma source(%dma_start3A_277 : memref<20000x128xf32, #tpu.memory_space<hbm>>) target(%arg34 : memref<32x128xf32, #tpu.memory_space<vmem>>) offsets(%arg26 : memref<32xi32, #tpu.memory_space<vmem>>) semaphore(%arg42 : memref<!tpu.dma_semaphore, #tpu.memory_space<semaphore_mem>>)
      %dma_wait3A_278 = arith.constant 0 : i32
      %dma_wait3A_279 = arith.constant 0 : i32
      %dma_wait3A_280 = tpu.memref_slice %arg38[%dma_wait3A_278, %dma_wait3A_279] : memref<10000x128xf32, #tpu.memory_space<vmem_shared>> -> memref<10000x128xf32, #tpu.memory_space<vmem_shared>>
      tpu.wait_indirect_dma semaphore(%arg43 : memref<!tpu.dma_semaphore, #tpu.memory_space<semaphore_mem>>) src(%arg30 : memref<32x128xf32, #tpu.memory_space<vmem>>) dst(%dma_wait3A_280 : memref<10000x128xf32, #tpu.memory_space<vmem_shared>>)
      %mul3A_281 = arith.constant 32 : i32
      %mul3A_282 = arith.muli %add3A_274, %mul3A_281 : i32
      %add3A_283 = arith.addi %mul3A_47, %mul3A_282 : i32
      %dma_start3A_284 = tpu.memref_slice %arg2[%add3A_283] : memref<320000xi32, #tpu.memory_space<hbm>> -> memref<32xi32, #tpu.memory_space<hbm>>
      %dma_start3A_285 = tpu.memref_slice %arg2[%add3A_283] : memref<320000xi32, #tpu.memory_space<hbm>> -> memref<32xi32, #tpu.memory_space<hbm>>
      tpu.enqueue_dma source(%dma_start3A_285 : memref<32xi32, #tpu.memory_space<hbm>>) target(%arg15 : memref<32xi32, #tpu.memory_space<vmem>>) target_semaphore(%arg45 : memref<!tpu.dma_semaphore, #tpu.memory_space<semaphore_mem>>)
      %dma_start3A_286 = tpu.memref_slice %arg3[%add3A_283] : memref<320000xi32, #tpu.memory_space<hbm>> -> memref<32xi32, #tpu.memory_space<hbm>>
      %dma_start3A_287 = tpu.memref_slice %arg3[%add3A_283] : memref<320000xi32, #tpu.memory_space<hbm>> -> memref<32xi32, #tpu.memory_space<hbm>>
      tpu.enqueue_dma source(%dma_start3A_287 : memref<32xi32, #tpu.memory_space<hbm>>) target(%arg16 : memref<32xi32, #tpu.memory_space<vmem>>) target_semaphore(%arg45 : memref<!tpu.dma_semaphore, #tpu.memory_space<semaphore_mem>>)
      %dma_start3A_288 = tpu.memref_slice %arg4[%add3A_283] : memref<320000xi32, #tpu.memory_space<hbm>> -> memref<32xi32, #tpu.memory_space<hbm>>
      %dma_start3A_289 = tpu.memref_slice %arg4[%add3A_283] : memref<320000xi32, #tpu.memory_space<hbm>> -> memref<32xi32, #tpu.memory_space<hbm>>
      tpu.enqueue_dma source(%dma_start3A_289 : memref<32xi32, #tpu.memory_space<hbm>>) target(%arg17 : memref<32xi32, #tpu.memory_space<vmem>>) target_semaphore(%arg45 : memref<!tpu.dma_semaphore, #tpu.memory_space<semaphore_mem>>)
      %dma_wait3A_290 = tpu.memref_slice %arg2[%add3A_283] : memref<320000xi32, #tpu.memory_space<hbm>> -> memref<32xi32, #tpu.memory_space<hbm>>
      %dma_wait3A_291 = tpu.memref_slice %arg2[%add3A_283] : memref<320000xi32, #tpu.memory_space<hbm>> -> memref<32xi32, #tpu.memory_space<hbm>>
      tpu.wait_dma2 semaphore(%arg45 : memref<!tpu.dma_semaphore, #tpu.memory_space<semaphore_mem>>) src(%dma_wait3A_291 : memref<32xi32, #tpu.memory_space<hbm>>) dst(%arg15 : memref<32xi32, #tpu.memory_space<vmem>>)
      %dma_wait3A_292 = tpu.memref_slice %arg3[%add3A_283] : memref<320000xi32, #tpu.memory_space<hbm>> -> memref<32xi32, #tpu.memory_space<hbm>>
      %dma_wait3A_293 = tpu.memref_slice %arg3[%add3A_283] : memref<320000xi32, #tpu.memory_space<hbm>> -> memref<32xi32, #tpu.memory_space<hbm>>
      tpu.wait_dma2 semaphore(%arg45 : memref<!tpu.dma_semaphore, #tpu.memory_space<semaphore_mem>>) src(%dma_wait3A_293 : memref<32xi32, #tpu.memory_space<hbm>>) dst(%arg16 : memref<32xi32, #tpu.memory_space<vmem>>)
      %dma_wait3A_294 = tpu.memref_slice %arg4[%add3A_283] : memref<320000xi32, #tpu.memory_space<hbm>> -> memref<32xi32, #tpu.memory_space<hbm>>
      %dma_wait3A_295 = tpu.memref_slice %arg4[%add3A_283] : memref<320000xi32, #tpu.memory_space<hbm>> -> memref<32xi32, #tpu.memory_space<hbm>>
      tpu.wait_dma2 semaphore(%arg45 : memref<!tpu.dma_semaphore, #tpu.memory_space<semaphore_mem>>) src(%dma_wait3A_295 : memref<32xi32, #tpu.memory_space<hbm>>) dst(%arg17 : memref<32xi32, #tpu.memory_space<vmem>>)
      %get3A_296 = arith.constant 0 : index
      %get3A_297 = tpu.vector_load %arg15[%get3A_296] {strides = array<i32>} : memref<32xi32, #tpu.memory_space<vmem>>, vector<16xi32>,
      %add3A_298 = vector.broadcast %mul3A_31 : i32 to vector<16xi32>
      %add3A_299 = arith.addi %get3A_297, %add3A_298 : vector<16xi32>
      %swap3A_300 = arith.constant 0 : index
      %swap3A_301 = tpu.vector_load %arg22[%swap3A_300] {strides = array<i32>} : memref<32xi32, #tpu.memory_space<vmem>>, vector<16xi32>,
      tpu.vector_store %arg22[%swap3A_300], %add3A_299 {strides = array<i32>} : memref<32xi32, #tpu.memory_space<vmem>>, vector<16xi32>,
      %get3A_302 = arith.constant 0 : index
      %get3A_303 = tpu.vector_load %arg16[%get3A_302] {strides = array<i32>} : memref<32xi32, #tpu.memory_space<vmem>>, vector<16xi32>,
      %add3A_304 = vector.broadcast %mul3A_31 : i32 to vector<16xi32>
      %add3A_305 = arith.addi %get3A_303, %add3A_304 : vector<16xi32>
      %swap3A_306 = arith.constant 0 : index
      %swap3A_307 = tpu.vector_load %arg21[%swap3A_306] {strides = array<i32>} : memref<32xi32, #tpu.memory_space<vmem>>, vector<16xi32>,
      tpu.vector_store %arg21[%swap3A_306], %add3A_305 {strides = array<i32>} : memref<32xi32, #tpu.memory_space<vmem>>, vector<16xi32>,
      %get3A_308 = arith.constant 0 : index
      %get3A_309 = tpu.vector_load %arg17[%get3A_308] {strides = array<i32>} : memref<32xi32, #tpu.memory_space<vmem>>, vector<16xi32>,
      %add3A_310 = vector.broadcast %mul3A_33 : i32 to vector<16xi32>
      %add3A_311 = arith.addi %get3A_309, %add3A_310 : vector<16xi32>
      %swap3A_312 = arith.constant 0 : index
      %swap3A_313 = tpu.vector_load %arg23[%swap3A_312] {strides = array<i32>} : memref<32xi32, #tpu.memory_space<vmem>>, vector<16xi32>,
      tpu.vector_store %arg23[%swap3A_312], %add3A_311 {strides = array<i32>} : memref<32xi32, #tpu.memory_space<vmem>>, vector<16xi32>,
      %get3A_314 = arith.constant 16 : index
      %get3A_315 = tpu.vector_load %arg15[%get3A_314] {strides = array<i32>} : memref<32xi32, #tpu.memory_space<vmem>>, vector<16xi32>,
      %add3A_316 = vector.broadcast %mul3A_31 : i32 to vector<16xi32>
      %add3A_317 = arith.addi %get3A_315, %add3A_316 : vector<16xi32>
      %swap3A_318 = arith.constant 16 : index
      %swap3A_319 = tpu.vector_load %arg22[%swap3A_318] {strides = array<i32>} : memref<32xi32, #tpu.memory_space<vmem>>, vector<16xi32>,
      tpu.vector_store %arg22[%swap3A_318], %add3A_317 {strides = array<i32>} : memref<32xi32, #tpu.memory_space<vmem>>, vector<16xi32>,
      %get3A_320 = arith.constant 16 : index
      %get3A_321 = tpu.vector_load %arg16[%get3A_320] {strides = array<i32>} : memref<32xi32, #tpu.memory_space<vmem>>, vector<16xi32>,
      %add3A_322 = vector.broadcast %mul3A_31 : i32 to vector<16xi32>
      %add3A_323 = arith.addi %get3A_321, %add3A_322 : vector<16xi32>
      %swap3A_324 = arith.constant 16 : index
      %swap3A_325 = tpu.vector_load %arg21[%swap3A_324] {strides = array<i32>} : memref<32xi32, #tpu.memory_space<vmem>>, vector<16xi32>,
      tpu.vector_store %arg21[%swap3A_324], %add3A_323 {strides = array<i32>} : memref<32xi32, #tpu.memory_space<vmem>>, vector<16xi32>,
      %get3A_326 = arith.constant 16 : index
      %get3A_327 = tpu.vector_load %arg17[%get3A_326] {strides = array<i32>} : memref<32xi32, #tpu.memory_space<vmem>>, vector<16xi32>,
      %add3A_328 = vector.broadcast %mul3A_33 : i32 to vector<16xi32>
      %add3A_329 = arith.addi %get3A_327, %add3A_328 : vector<16xi32>
      %swap3A_330 = arith.constant 16 : index
      %swap3A_331 = tpu.vector_load %arg23[%swap3A_330] {strides = array<i32>} : memref<32xi32, #tpu.memory_space<vmem>>, vector<16xi32>,
      tpu.vector_store %arg23[%swap3A_330], %add3A_329 {strides = array<i32>} : memref<32xi32, #tpu.memory_space<vmem>>, vector<16xi32>,
      %dma_start3A_332 = arith.constant 0 : i32
      %dma_start3A_333 = arith.constant 0 : i32
      %dma_start3A_334 = tpu.memref_slice %arg13[%dma_start3A_332, %dma_start3A_333] : memref<20000x128xf32, #tpu.memory_space<hbm>> -> memref<20000x128xf32, #tpu.memory_space<hbm>>
      tpu.enqueue_indirect_dma source(%dma_start3A_334 : memref<20000x128xf32, #tpu.memory_space<hbm>>) target(%arg30 : memref<32x128xf32, #tpu.memory_space<vmem>>) offsets(%arg21 : memref<32xi32, #tpu.memory_space<vmem>>) semaphore(%arg40 : memref<!tpu.dma_semaphore, #tpu.memory_space<semaphore_mem>>)
      %dma_start3A_335 = arith.constant 0 : i32
      %dma_start3A_336 = arith.constant 0 : i32
      %dma_start3A_337 = tpu.memref_slice %arg14[%dma_start3A_335, %dma_start3A_336] : memref<20000x256xf32, #tpu.memory_space<hbm>> -> memref<20000x256xf32, #tpu.memory_space<hbm>>
      tpu.enqueue_indirect_dma source(%dma_start3A_337 : memref<20000x256xf32, #tpu.memory_space<hbm>>) target(%arg32 : memref<32x256xf32, #tpu.memory_space<vmem>>) offsets(%arg22 : memref<32xi32, #tpu.memory_space<vmem>>) semaphore(%arg40 : memref<!tpu.dma_semaphore, #tpu.memory_space<semaphore_mem>>)
      %dma_wait3A_338 = arith.constant 0 : i32
      %dma_wait3A_339 = arith.constant 0 : i32
      %dma_wait3A_340 = tpu.memref_slice %arg13[%dma_wait3A_338, %dma_wait3A_339] : memref<20000x128xf32, #tpu.memory_space<hbm>> -> memref<20000x128xf32, #tpu.memory_space<hbm>>
      tpu.wait_indirect_dma semaphore(%arg41 : memref<!tpu.dma_semaphore, #tpu.memory_space<semaphore_mem>>) src(%dma_wait3A_340 : memref<20000x128xf32, #tpu.memory_space<hbm>>) dst(%arg31 : memref<32x128xf32, #tpu.memory_space<vmem>>)
      %dma_wait3A_341 = arith.constant 0 : i32
      %dma_wait3A_342 = arith.constant 0 : i32
      %dma_wait3A_343 = tpu.memref_slice %arg14[%dma_wait3A_341, %dma_wait3A_342] : memref<20000x256xf32, #tpu.memory_space<hbm>> -> memref<20000x256xf32, #tpu.memory_space<hbm>>
      tpu.wait_indirect_dma semaphore(%arg41 : memref<!tpu.dma_semaphore, #tpu.memory_space<semaphore_mem>>) src(%dma_wait3A_343 : memref<20000x256xf32, #tpu.memory_space<hbm>>) dst(%arg33 : memref<32x256xf32, #tpu.memory_space<vmem>>)
      %dma_wait3A_344 = arith.constant 0 : i32
      %dma_wait3A_345 = arith.constant 0 : i32
      %dma_wait3A_346 = tpu.memref_slice %arg8[%dma_wait3A_344, %dma_wait3A_345] : memref<20000x128xf32, #tpu.memory_space<hbm>> -> memref<20000x128xf32, #tpu.memory_space<hbm>>
      tpu.wait_indirect_dma semaphore(%arg42 : memref<!tpu.dma_semaphore, #tpu.memory_space<semaphore_mem>>) src(%dma_wait3A_346 : memref<20000x128xf32, #tpu.memory_space<hbm>>) dst(%arg34 : memref<32x128xf32, #tpu.memory_space<vmem>>)
      %scan3A_347 = arith.constant 0 : i32
      %scan3A_348 = arith.constant 0 : i32
      %scan3A_349 = arith.constant 2 : i32
      %scan3A_350 = arith.addi %scan3A_348, %scan3A_349 : i32
      %scan3A_351 = arith.constant 1 : i32
      scf.for %scan3A_364 = %scan3A_348 to %scan3A_350 step %scan3A_351  : i32 {
        %broadcast_in_dim3A = arith.constant 0.000000e+00 : f32
        %broadcast_in_dim3A_365 = vector.broadcast %broadcast_in_dim3A : f32 to vector<16xf32>
        %scan3A_366 = arith.constant 0 : i32
        %scan3A_367 = arith.constant 16 : i32
        %scan3A_368 = arith.addi %scan3A_366, %scan3A_367 : i32
        %scan3A_369 = arith.constant 1 : i32
        %scan3A_370 = scf.for %scan3A_390 = %scan3A_366 to %scan3A_368 step %scan3A_369 iter_args(%scan3A_391 = %broadcast_in_dim3A_365) -> (vector<16xf32>)  : i32 {
          %mul3A_392 = arith.constant 16 : i32
          %mul3A_393 = arith.muli %scan3A_364, %mul3A_392 : i32
          %add3A_394 = arith.addi %mul3A_393, %scan3A_390 : i32
          %broadcast_in_dim3A_395 = arith.constant 0.000000e+00 : f32
          %broadcast_in_dim3A_396 = vector.broadcast %broadcast_in_dim3A_395 : f32 to vector<16xf32>
          %get3A_397 = arith.index_cast %add3A_394 : i32 to index
          %get3A_398 = arith.constant 0 : index
          %get3A_399 = tpu.vector_load %arg31[%get3A_397, %get3A_398] {strides = array<i32>} : memref<32x128xf32, #tpu.memory_space<vmem>>, vector<16xf32>,
          %get3A_400 = arith.index_cast %add3A_394 : i32 to index
          %get3A_401 = arith.constant 0 : index
          %get3A_402 = tpu.vector_load %arg33[%get3A_400, %get3A_401] {strides = array<i32>} : memref<32x256xf32, #tpu.memory_space<vmem>>, vector<16xf32>,
          %get3A_403 = arith.index_cast %add3A_394 : i32 to index
          %get3A_404 = arith.constant 0 : index
          %get3A_405 = tpu.vector_load %arg34[%get3A_403, %get3A_404] {strides = array<i32>} : memref<32x128xf32, #tpu.memory_space<vmem>>, vector<16xf32>,
          %add3A_406 = arith.addf %get3A_402, %get3A_405 : vector<16xf32>
          %mul3A_407 = arith.mulf %get3A_399, %add3A_406 : vector<16xf32>
          %add3A_408 = arith.addf %broadcast_in_dim3A_396, %mul3A_407 : vector<16xf32>
          %get3A_409 = arith.index_cast %add3A_394 : i32 to index
          %get3A_410 = arith.constant 16 : index
          %get3A_411 = tpu.vector_load %arg31[%get3A_409, %get3A_410] {strides = array<i32>} : memref<32x128xf32, #tpu.memory_space<vmem>>, vector<16xf32>,
          %get3A_412 = arith.index_cast %add3A_394 : i32 to index
          %get3A_413 = arith.constant 16 : index
          %get3A_414 = tpu.vector_load %arg33[%get3A_412, %get3A_413] {strides = array<i32>} : memref<32x256xf32, #tpu.memory_space<vmem>>, vector<16xf32>,
          %get3A_415 = arith.index_cast %add3A_394 : i32 to index
          %get3A_416 = arith.constant 16 : index
          %get3A_417 = tpu.vector_load %arg34[%get3A_415, %get3A_416] {strides = array<i32>} : memref<32x128xf32, #tpu.memory_space<vmem>>, vector<16xf32>,
          %add3A_418 = arith.addf %get3A_414, %get3A_417 : vector<16xf32>
          %mul3A_419 = arith.mulf %get3A_411, %add3A_418 : vector<16xf32>
          %add3A_420 = arith.addf %add3A_408, %mul3A_419 : vector<16xf32>
          %get3A_421 = arith.index_cast %add3A_394 : i32 to index
          %get3A_422 = arith.constant 32 : index
          %get3A_423 = tpu.vector_load %arg31[%get3A_421, %get3A_422] {strides = array<i32>} : memref<32x128xf32, #tpu.memory_space<vmem>>, vector<16xf32>,
          %get3A_424 = arith.index_cast %add3A_394 : i32 to index
          %get3A_425 = arith.constant 32 : index
          %get3A_426 = tpu.vector_load %arg33[%get3A_424, %get3A_425] {strides = array<i32>} : memref<32x256xf32, #tpu.memory_space<vmem>>, vector<16xf32>,
          %get3A_427 = arith.index_cast %add3A_394 : i32 to index
          %get3A_428 = arith.constant 32 : index
          %get3A_429 = tpu.vector_load %arg34[%get3A_427, %get3A_428] {strides = array<i32>} : memref<32x128xf32, #tpu.memory_space<vmem>>, vector<16xf32>,
          %add3A_430 = arith.addf %get3A_426, %get3A_429 : vector<16xf32>
          %mul3A_431 = arith.mulf %get3A_423, %add3A_430 : vector<16xf32>
          %add3A_432 = arith.addf %add3A_420, %mul3A_431 : vector<16xf32>
          %get3A_433 = arith.index_cast %add3A_394 : i32 to index
          %get3A_434 = arith.constant 48 : index
          %get3A_435 = tpu.vector_load %arg31[%get3A_433, %get3A_434] {strides = array<i32>} : memref<32x128xf32, #tpu.memory_space<vmem>>, vector<16xf32>,
          %get3A_436 = arith.index_cast %add3A_394 : i32 to index
          %get3A_437 = arith.constant 48 : index
          %get3A_438 = tpu.vector_load %arg33[%get3A_436, %get3A_437] {strides = array<i32>} : memref<32x256xf32, #tpu.memory_space<vmem>>, vector<16xf32>,
          %get3A_439 = arith.index_cast %add3A_394 : i32 to index
          %get3A_440 = arith.constant 48 : index
          %get3A_441 = tpu.vector_load %arg34[%get3A_439, %get3A_440] {strides = array<i32>} : memref<32x128xf32, #tpu.memory_space<vmem>>, vector<16xf32>,
          %add3A_442 = arith.addf %get3A_438, %get3A_441 : vector<16xf32>
          %mul3A_443 = arith.mulf %get3A_435, %add3A_442 : vector<16xf32>
          %add3A_444 = arith.addf %add3A_432, %mul3A_443 : vector<16xf32>
          %get3A_445 = arith.index_cast %add3A_394 : i32 to index
          %get3A_446 = arith.constant 64 : index
          %get3A_447 = tpu.vector_load %arg31[%get3A_445, %get3A_446] {strides = array<i32>} : memref<32x128xf32, #tpu.memory_space<vmem>>, vector<16xf32>,
          %get3A_448 = arith.index_cast %add3A_394 : i32 to index
          %get3A_449 = arith.constant 64 : index
          %get3A_450 = tpu.vector_load %arg33[%get3A_448, %get3A_449] {strides = array<i32>} : memref<32x256xf32, #tpu.memory_space<vmem>>, vector<16xf32>,
          %get3A_451 = arith.index_cast %add3A_394 : i32 to index
          %get3A_452 = arith.constant 64 : index
          %get3A_453 = tpu.vector_load %arg34[%get3A_451, %get3A_452] {strides = array<i32>} : memref<32x128xf32, #tpu.memory_space<vmem>>, vector<16xf32>,
          %add3A_454 = arith.addf %get3A_450, %get3A_453 : vector<16xf32>
          %mul3A_455 = arith.mulf %get3A_447, %add3A_454 : vector<16xf32>
          %add3A_456 = arith.addf %add3A_444, %mul3A_455 : vector<16xf32>
          %get3A_457 = arith.index_cast %add3A_394 : i32 to index
          %get3A_458 = arith.constant 80 : index
          %get3A_459 = tpu.vector_load %arg31[%get3A_457, %get3A_458] {strides = array<i32>} : memref<32x128xf32, #tpu.memory_space<vmem>>, vector<16xf32>,
          %get3A_460 = arith.index_cast %add3A_394 : i32 to index
          %get3A_461 = arith.constant 80 : index
          %get3A_462 = tpu.vector_load %arg33[%get3A_460, %get3A_461] {strides = array<i32>} : memref<32x256xf32, #tpu.memory_space<vmem>>, vector<16xf32>,
          %get3A_463 = arith.index_cast %add3A_394 : i32 to index
          %get3A_464 = arith.constant 80 : index
          %get3A_465 = tpu.vector_load %arg34[%get3A_463, %get3A_464] {strides = array<i32>} : memref<32x128xf32, #tpu.memory_space<vmem>>, vector<16xf32>,
          %add3A_466 = arith.addf %get3A_462, %get3A_465 : vector<16xf32>
          %mul3A_467 = arith.mulf %get3A_459, %add3A_466 : vector<16xf32>
          %add3A_468 = arith.addf %add3A_456, %mul3A_467 : vector<16xf32>
          %get3A_469 = arith.index_cast %add3A_394 : i32 to index
          %get3A_470 = arith.constant 96 : index
          %get3A_471 = tpu.vector_load %arg31[%get3A_469, %get3A_470] {strides = array<i32>} : memref<32x128xf32, #tpu.memory_space<vmem>>, vector<16xf32>,
          %get3A_472 = arith.index_cast %add3A_394 : i32 to index
          %get3A_473 = arith.constant 96 : index
          %get3A_474 = tpu.vector_load %arg33[%get3A_472, %get3A_473] {strides = array<i32>} : memref<32x256xf32, #tpu.memory_space<vmem>>, vector<16xf32>,
          %get3A_475 = arith.index_cast %add3A_394 : i32 to index
          %get3A_476 = arith.constant 96 : index
          %get3A_477 = tpu.vector_load %arg34[%get3A_475, %get3A_476] {strides = array<i32>} : memref<32x128xf32, #tpu.memory_space<vmem>>, vector<16xf32>,
          %add3A_478 = arith.addf %get3A_474, %get3A_477 : vector<16xf32>
          %mul3A_479 = arith.mulf %get3A_471, %add3A_478 : vector<16xf32>
          %add3A_480 = arith.addf %add3A_468, %mul3A_479 : vector<16xf32>
          %get3A_481 = arith.index_cast %add3A_394 : i32 to index
          %get3A_482 = arith.constant 112 : index
          %get3A_483 = tpu.vector_load %arg31[%get3A_481, %get3A_482] {strides = array<i32>} : memref<32x128xf32, #tpu.memory_space<vmem>>, vector<16xf32>,
          %get3A_484 = arith.index_cast %add3A_394 : i32 to index
          %get3A_485 = arith.constant 112 : index
          %get3A_486 = tpu.vector_load %arg33[%get3A_484, %get3A_485] {strides = array<i32>} : memref<32x256xf32, #tpu.memory_space<vmem>>, vector<16xf32>,
          %get3A_487 = arith.index_cast %add3A_394 : i32 to index
          %get3A_488 = arith.constant 112 : index
          %get3A_489 = tpu.vector_load %arg34[%get3A_487, %get3A_488] {strides = array<i32>} : memref<32x128xf32, #tpu.memory_space<vmem>>, vector<16xf32>,
          %add3A_490 = arith.addf %get3A_486, %get3A_489 : vector<16xf32>
          %mul3A_491 = arith.mulf %get3A_483, %add3A_490 : vector<16xf32>
          %add3A_492 = arith.addf %add3A_480, %mul3A_491 : vector<16xf32>
          %eq3A_493 = vector.broadcast %scan3A_390 : i32 to vector<16xi32>
          %eq3A_494 = arith.cmpi eq, %iota3A, %eq3A_493 : vector<16xi32>
          %reduce_sum3A = arith.constant true
          %reduce_sum3A_495 = vector.broadcast %reduce_sum3A : i1 to vector<16xi1>
          %reduce_sum3A_496 = tpu.scan <sum>, %add3A_492 masked %reduce_sum3A_495 : vector<16xf32>, vector<16xi1> -> vector<16xf32>
          %reduce_sum3A_497 = vector.extract %reduce_sum3A_496[15] : f32 from vector<16xf32>
          %broadcast_in_dim3A_498 = vector.broadcast %reduce_sum3A_497 : f32 to vector<16xf32>
          %select_n3A_499 = arith.select %eq3A_494, %broadcast_in_dim3A_498, %scan3A_391 : vector<16xi1>, vector<16xf32>
          scf.yield %select_n3A_499 : vector<16xf32>
        }
        %scan3A_371 = arith.constant 16 : i32
        %mul3A_372 = arith.constant 0.0883883461 : f32
        %mul3A_373 = vector.broadcast %mul3A_372 : f32 to vector<16xf32>
        %mul3A_374 = arith.mulf %scan3A_370, %mul3A_373 : vector<16xf32>
        %exp3A = math.exp %mul3A_374 : vector<16xf32>
        %mul3A_375 = arith.constant 16 : i32
        %mul3A_376 = arith.muli %scan3A_364, %mul3A_375 : i32
        %get3A_377 = arith.index_cast %mul3A_376 : i32 to index
        %get3A_378 = tpu.vector_load %arg19[%get3A_377] {strides = array<i32>} : memref<32xi32, #tpu.memory_space<vmem>>, vector<16xi32>,
        %shift_right_logical3A = arith.constant 7 : i32
        %shift_right_logical3A_379 = vector.broadcast %shift_right_logical3A : i32 to vector<16xi32>
        %shift_right_logical3A_380 = arith.shrui %get3A_378, %shift_right_logical3A_379 : vector<16xi32>
        %and3A_381 = arith.constant 127 : i32
        %and3A_382 = vector.broadcast %and3A_381 : i32 to vector<16xi32>
        %and3A_383 = arith.andi %get3A_378, %and3A_382 : vector<16xi32>
        %scan3A_384 = arith.constant 0 : i32
        %scan3A_385 = arith.constant 0 : i32
        %scan3A_386 = arith.constant 16 : i32
        %scan3A_387 = arith.addi %scan3A_385, %scan3A_386 : i32
        %scan3A_388 = arith.constant 1 : i32
        scf.for %scan3A_390 = %scan3A_385 to %scan3A_387 step %scan3A_388  : i32 {
          %eq3A_391 = vector.broadcast %scan3A_390 : i32 to vector<16xi32>
          %eq3A_392 = arith.cmpi eq, %iota3A, %eq3A_391 : vector<16xi32>
          tpu.vector_store_idx %arg35[%shift_right_logical3A_380, %and3A_383], %exp3A masked %eq3A_392 {add = true} : memref<80x128xf32, #tpu.memory_space<vmem>>[vector<16xi32>, vector<16xi32>], vector<16xf32>, vector<16xi1>
          %mul3A_393 = arith.constant 16 : i32
          %mul3A_394 = arith.muli %scan3A_364, %mul3A_393 : i32
          %add3A_395 = arith.addi %mul3A_394, %scan3A_390 : i32
          %broadcast_in_dim3A_396 = vector.broadcast %scan3A_390 : i32 to vector<16xi32>
          %lt3A_397 = arith.constant 0 : i32
          %lt3A_398 = vector.broadcast %lt3A_397 : i32 to vector<16xi32>
          %lt3A_399 = arith.cmpi slt, %broadcast_in_dim3A_396, %lt3A_398 : vector<16xi32>
          %add3A_400 = arith.constant 16 : i32
          %add3A_401 = vector.broadcast %add3A_400 : i32 to vector<16xi32>
          %add3A_402 = arith.addi %broadcast_in_dim3A_396, %add3A_401 : vector<16xi32>
          %select_n3A_403 = arith.select %lt3A_399, %add3A_402, %broadcast_in_dim3A_396 : vector<16xi1>, vector<16xi32>
          %broadcast_in_dim3A_404 = vector.shape_cast %select_n3A_403 : vector<16xi32> to vector<16x1xi32>
          %gather3A = vector.shape_cast %broadcast_in_dim3A_404 : vector<16x1xi32> to vector<16xi32>
          %gather3A_405 = tpu.dynamic_gather %exp3A[%gather3A] in [0] : vector<16xf32>, vector<16xi32> -> vector<16xf32>
          %get3A_406 = arith.index_cast %add3A_395 : i32 to index
          %get3A_407 = arith.constant 128 : index
          %get3A_408 = tpu.vector_load %arg33[%get3A_406, %get3A_407] {strides = array<i32>} : memref<32x256xf32, #tpu.memory_space<vmem>>, vector<16xf32>,
          %get3A_409 = arith.index_cast %add3A_395 : i32 to index
          %get3A_410 = arith.constant 0 : index
          %get3A_411 = tpu.vector_load %arg34[%get3A_409, %get3A_410] {strides = array<i32>} : memref<32x128xf32, #tpu.memory_space<vmem>>, vector<16xf32>,
          %add3A_412 = arith.addf %get3A_408, %get3A_411 : vector<16xf32>
          %mul3A_413 = arith.mulf %add3A_412, %gather3A_405 : vector<16xf32>
          %swap3A_414 = arith.index_cast %add3A_395 : i32 to index
          %swap3A_415 = arith.constant 0 : index
          %swap3A_416 = tpu.vector_load %arg31[%swap3A_414, %swap3A_415] {strides = array<i32>} : memref<32x128xf32, #tpu.memory_space<vmem>>, vector<16xf32>,
          tpu.vector_store %arg31[%swap3A_414, %swap3A_415], %mul3A_413 {strides = array<i32>} : memref<32x128xf32, #tpu.memory_space<vmem>>, vector<16xf32>,
          %get3A_417 = arith.index_cast %add3A_395 : i32 to index
          %get3A_418 = arith.constant 144 : index
          %get3A_419 = tpu.vector_load %arg33[%get3A_417, %get3A_418] {strides = array<i32>} : memref<32x256xf32, #tpu.memory_space<vmem>>, vector<16xf32>,
          %get3A_420 = arith.index_cast %add3A_395 : i32 to index
          %get3A_421 = arith.constant 16 : index
          %get3A_422 = tpu.vector_load %arg34[%get3A_420, %get3A_421] {strides = array<i32>} : memref<32x128xf32, #tpu.memory_space<vmem>>, vector<16xf32>,
          %add3A_423 = arith.addf %get3A_419, %get3A_422 : vector<16xf32>
          %mul3A_424 = arith.mulf %add3A_423, %gather3A_405 : vector<16xf32>
          %swap3A_425 = arith.index_cast %add3A_395 : i32 to index
          %swap3A_426 = arith.constant 16 : index
          %swap3A_427 = tpu.vector_load %arg31[%swap3A_425, %swap3A_426] {strides = array<i32>} : memref<32x128xf32, #tpu.memory_space<vmem>>, vector<16xf32>,
          tpu.vector_store %arg31[%swap3A_425, %swap3A_426], %mul3A_424 {strides = array<i32>} : memref<32x128xf32, #tpu.memory_space<vmem>>, vector<16xf32>,
          %get3A_428 = arith.index_cast %add3A_395 : i32 to index
          %get3A_429 = arith.constant 160 : index
          %get3A_430 = tpu.vector_load %arg33[%get3A_428, %get3A_429] {strides = array<i32>} : memref<32x256xf32, #tpu.memory_space<vmem>>, vector<16xf32>,
          %get3A_431 = arith.index_cast %add3A_395 : i32 to index
          %get3A_432 = arith.constant 32 : index
          %get3A_433 = tpu.vector_load %arg34[%get3A_431, %get3A_432] {strides = array<i32>} : memref<32x128xf32, #tpu.memory_space<vmem>>, vector<16xf32>,
          %add3A_434 = arith.addf %get3A_430, %get3A_433 : vector<16xf32>
          %mul3A_435 = arith.mulf %add3A_434, %gather3A_405 : vector<16xf32>
          %swap3A_436 = arith.index_cast %add3A_395 : i32 to index
          %swap3A_437 = arith.constant 32 : index
          %swap3A_438 = tpu.vector_load %arg31[%swap3A_436, %swap3A_437] {strides = array<i32>} : memref<32x128xf32, #tpu.memory_space<vmem>>, vector<16xf32>,
          tpu.vector_store %arg31[%swap3A_436, %swap3A_437], %mul3A_435 {strides = array<i32>} : memref<32x128xf32, #tpu.memory_space<vmem>>, vector<16xf32>,
          %get3A_439 = arith.index_cast %add3A_395 : i32 to index
          %get3A_440 = arith.constant 176 : index
          %get3A_441 = tpu.vector_load %arg33[%get3A_439, %get3A_440] {strides = array<i32>} : memref<32x256xf32, #tpu.memory_space<vmem>>, vector<16xf32>,
          %get3A_442 = arith.index_cast %add3A_395 : i32 to index
          %get3A_443 = arith.constant 48 : index
          %get3A_444 = tpu.vector_load %arg34[%get3A_442, %get3A_443] {strides = array<i32>} : memref<32x128xf32, #tpu.memory_space<vmem>>, vector<16xf32>,
          %add3A_445 = arith.addf %get3A_441, %get3A_444 : vector<16xf32>
          %mul3A_446 = arith.mulf %add3A_445, %gather3A_405 : vector<16xf32>
          %swap3A_447 = arith.index_cast %add3A_395 : i32 to index
          %swap3A_448 = arith.constant 48 : index
          %swap3A_449 = tpu.vector_load %arg31[%swap3A_447, %swap3A_448] {strides = array<i32>} : memref<32x128xf32, #tpu.memory_space<vmem>>, vector<16xf32>,
          tpu.vector_store %arg31[%swap3A_447, %swap3A_448], %mul3A_446 {strides = array<i32>} : memref<32x128xf32, #tpu.memory_space<vmem>>, vector<16xf32>,
          %get3A_450 = arith.index_cast %add3A_395 : i32 to index
          %get3A_451 = arith.constant 192 : index
          %get3A_452 = tpu.vector_load %arg33[%get3A_450, %get3A_451] {strides = array<i32>} : memref<32x256xf32, #tpu.memory_space<vmem>>, vector<16xf32>,
          %get3A_453 = arith.index_cast %add3A_395 : i32 to index
          %get3A_454 = arith.constant 64 : index
          %get3A_455 = tpu.vector_load %arg34[%get3A_453, %get3A_454] {strides = array<i32>} : memref<32x128xf32, #tpu.memory_space<vmem>>, vector<16xf32>,
          %add3A_456 = arith.addf %get3A_452, %get3A_455 : vector<16xf32>
          %mul3A_457 = arith.mulf %add3A_456, %gather3A_405 : vector<16xf32>
          %swap3A_458 = arith.index_cast %add3A_395 : i32 to index
          %swap3A_459 = arith.constant 64 : index
          %swap3A_460 = tpu.vector_load %arg31[%swap3A_458, %swap3A_459] {strides = array<i32>} : memref<32x128xf32, #tpu.memory_space<vmem>>, vector<16xf32>,
          tpu.vector_store %arg31[%swap3A_458, %swap3A_459], %mul3A_457 {strides = array<i32>} : memref<32x128xf32, #tpu.memory_space<vmem>>, vector<16xf32>,
          %get3A_461 = arith.index_cast %add3A_395 : i32 to index
          %get3A_462 = arith.constant 208 : index
          %get3A_463 = tpu.vector_load %arg33[%get3A_461, %get3A_462] {strides = array<i32>} : memref<32x256xf32, #tpu.memory_space<vmem>>, vector<16xf32>,
          %get3A_464 = arith.index_cast %add3A_395 : i32 to index
          %get3A_465 = arith.constant 80 : index
          %get3A_466 = tpu.vector_load %arg34[%get3A_464, %get3A_465] {strides = array<i32>} : memref<32x128xf32, #tpu.memory_space<vmem>>, vector<16xf32>,
          %add3A_467 = arith.addf %get3A_463, %get3A_466 : vector<16xf32>
          %mul3A_468 = arith.mulf %add3A_467, %gather3A_405 : vector<16xf32>
          %swap3A_469 = arith.index_cast %add3A_395 : i32 to index
          %swap3A_470 = arith.constant 80 : index
          %swap3A_471 = tpu.vector_load %arg31[%swap3A_469, %swap3A_470] {strides = array<i32>} : memref<32x128xf32, #tpu.memory_space<vmem>>, vector<16xf32>,
          tpu.vector_store %arg31[%swap3A_469, %swap3A_470], %mul3A_468 {strides = array<i32>} : memref<32x128xf32, #tpu.memory_space<vmem>>, vector<16xf32>,
          %get3A_472 = arith.index_cast %add3A_395 : i32 to index
          %get3A_473 = arith.constant 224 : index
          %get3A_474 = tpu.vector_load %arg33[%get3A_472, %get3A_473] {strides = array<i32>} : memref<32x256xf32, #tpu.memory_space<vmem>>, vector<16xf32>,
          %get3A_475 = arith.index_cast %add3A_395 : i32 to index
          %get3A_476 = arith.constant 96 : index
          %get3A_477 = tpu.vector_load %arg34[%get3A_475, %get3A_476] {strides = array<i32>} : memref<32x128xf32, #tpu.memory_space<vmem>>, vector<16xf32>,
          %add3A_478 = arith.addf %get3A_474, %get3A_477 : vector<16xf32>
          %mul3A_479 = arith.mulf %add3A_478, %gather3A_405 : vector<16xf32>
          %swap3A_480 = arith.index_cast %add3A_395 : i32 to index
          %swap3A_481 = arith.constant 96 : index
          %swap3A_482 = tpu.vector_load %arg31[%swap3A_480, %swap3A_481] {strides = array<i32>} : memref<32x128xf32, #tpu.memory_space<vmem>>, vector<16xf32>,
          tpu.vector_store %arg31[%swap3A_480, %swap3A_481], %mul3A_479 {strides = array<i32>} : memref<32x128xf32, #tpu.memory_space<vmem>>, vector<16xf32>,
          %get3A_483 = arith.index_cast %add3A_395 : i32 to index
          %get3A_484 = arith.constant 240 : index
          %get3A_485 = tpu.vector_load %arg33[%get3A_483, %get3A_484] {strides = array<i32>} : memref<32x256xf32, #tpu.memory_space<vmem>>, vector<16xf32>,
          %get3A_486 = arith.index_cast %add3A_395 : i32 to index
          %get3A_487 = arith.constant 112 : index
          %get3A_488 = tpu.vector_load %arg34[%get3A_486, %get3A_487] {strides = array<i32>} : memref<32x128xf32, #tpu.memory_space<vmem>>, vector<16xf32>,
          %add3A_489 = arith.addf %get3A_485, %get3A_488 : vector<16xf32>
          %mul3A_490 = arith.mulf %add3A_489, %gather3A_405 : vector<16xf32>
          %swap3A_491 = arith.index_cast %add3A_395 : i32 to index
          %swap3A_492 = arith.constant 112 : index
          %swap3A_493 = tpu.vector_load %arg31[%swap3A_491, %swap3A_492] {strides = array<i32>} : memref<32x128xf32, #tpu.memory_space<vmem>>, vector<16xf32>,
          tpu.vector_store %arg31[%swap3A_491, %swap3A_492], %mul3A_490 {strides = array<i32>} : memref<32x128xf32, #tpu.memory_space<vmem>>, vector<16xf32>,
        }
        %scan3A_389 = arith.constant 16 : i32
      }
      %scan3A_352 = arith.constant 2 : i32
      %get3A_353 = arith.constant 0 : index
      %get3A_354 = tpu.vector_load %arg19[%get3A_353] {strides = array<i32>} : memref<32xi32, #tpu.memory_space<vmem>>, vector<16xi32>,
      %swap3A_355 = arith.constant 0 : index
      %swap3A_356 = tpu.vector_load %arg28[%swap3A_355] {strides = array<i32>} : memref<32xi32, #tpu.memory_space<vmem>>, vector<16xi32>,
      tpu.vector_store %arg28[%swap3A_355], %get3A_354 {strides = array<i32>} : memref<32xi32, #tpu.memory_space<vmem>>, vector<16xi32>,
      %get3A_357 = arith.constant 16 : index
      %get3A_358 = tpu.vector_load %arg19[%get3A_357] {strides = array<i32>} : memref<32xi32, #tpu.memory_space<vmem>>, vector<16xi32>,
      %swap3A_359 = arith.constant 16 : index
      %swap3A_360 = tpu.vector_load %arg28[%swap3A_359] {strides = array<i32>} : memref<32xi32, #tpu.memory_space<vmem>>, vector<16xi32>,
      tpu.vector_store %arg28[%swap3A_359], %get3A_358 {strides = array<i32>} : memref<32xi32, #tpu.memory_space<vmem>>, vector<16xi32>,
      %dma_start3A_361 = arith.constant 0 : i32
      %dma_start3A_362 = arith.constant 0 : i32
      %dma_start3A_363 = tpu.memref_slice %arg38[%dma_start3A_361, %dma_start3A_362] : memref<10000x128xf32, #tpu.memory_space<vmem_shared>> -> memref<10000x128xf32, #tpu.memory_space<vmem_shared>>
      tpu.enqueue_indirect_dma source(%arg31 : memref<32x128xf32, #tpu.memory_space<vmem>>) target(%dma_start3A_363 : memref<10000x128xf32, #tpu.memory_space<vmem_shared>>) offsets(%arg28 : memref<32xi32, #tpu.memory_space<vmem>>) semaphore(%arg44 : memref<!tpu.dma_semaphore, #tpu.memory_space<semaphore_mem>>) {add = true}
    }
    %scan3A_106 = arith.constant 312 : i32
    %dma_start3A_107 = arith.constant 0 : i32
    %dma_start3A_108 = arith.constant 0 : i32
    %dma_start3A_109 = tpu.memref_slice %arg8[%dma_start3A_107, %dma_start3A_108] : memref<20000x128xf32, #tpu.memory_space<hbm>> -> memref<20000x128xf32, #tpu.memory_space<hbm>>
    tpu.enqueue_indirect_dma source(%dma_start3A_109 : memref<20000x128xf32, #tpu.memory_space<hbm>>) target(%arg34 : memref<32x128xf32, #tpu.memory_space<vmem>>) offsets(%arg23 : memref<32xi32, #tpu.memory_space<vmem>>) semaphore(%arg42 : memref<!tpu.dma_semaphore, #tpu.memory_space<semaphore_mem>>)
    %dma_wait3A_110 = arith.constant 0 : i32
    %dma_wait3A_111 = arith.constant 0 : i32
    %dma_wait3A_112 = tpu.memref_slice %arg38[%dma_wait3A_110, %dma_wait3A_111] : memref<10000x128xf32, #tpu.memory_space<vmem_shared>> -> memref<10000x128xf32, #tpu.memory_space<vmem_shared>>
    tpu.wait_indirect_dma semaphore(%arg44 : memref<!tpu.dma_semaphore, #tpu.memory_space<semaphore_mem>>) src(%arg31 : memref<32x128xf32, #tpu.memory_space<vmem>>) dst(%dma_wait3A_112 : memref<10000x128xf32, #tpu.memory_space<vmem_shared>>)
    %dma_wait3A_113 = arith.constant 0 : i32
    %dma_wait3A_114 = arith.constant 0 : i32
    %dma_wait3A_115 = tpu.memref_slice %arg13[%dma_wait3A_113, %dma_wait3A_114] : memref<20000x128xf32, #tpu.memory_space<hbm>> -> memref<20000x128xf32, #tpu.memory_space<hbm>>
    tpu.wait_indirect_dma semaphore(%arg40 : memref<!tpu.dma_semaphore, #tpu.memory_space<semaphore_mem>>) src(%dma_wait3A_115 : memref<20000x128xf32, #tpu.memory_space<hbm>>) dst(%arg30 : memref<32x128xf32, #tpu.memory_space<vmem>>)
    %dma_wait3A_116 = arith.constant 0 : i32
    %dma_wait3A_117 = arith.constant 0 : i32
    %dma_wait3A_118 = tpu.memref_slice %arg14[%dma_wait3A_116, %dma_wait3A_117] : memref<20000x256xf32, #tpu.memory_space<hbm>> -> memref<20000x256xf32, #tpu.memory_space<hbm>>
    tpu.wait_indirect_dma semaphore(%arg40 : memref<!tpu.dma_semaphore, #tpu.memory_space<semaphore_mem>>) src(%dma_wait3A_118 : memref<20000x256xf32, #tpu.memory_space<hbm>>) dst(%arg32 : memref<32x256xf32, #tpu.memory_space<vmem>>)
    %dma_wait3A_119 = arith.constant 0 : i32
    %dma_wait3A_120 = arith.constant 0 : i32
    %dma_wait3A_121 = tpu.memref_slice %arg8[%dma_wait3A_119, %dma_wait3A_120] : memref<20000x128xf32, #tpu.memory_space<hbm>> -> memref<20000x128xf32, #tpu.memory_space<hbm>>
    tpu.wait_indirect_dma semaphore(%arg42 : memref<!tpu.dma_semaphore, #tpu.memory_space<semaphore_mem>>) src(%dma_wait3A_121 : memref<20000x128xf32, #tpu.memory_space<hbm>>) dst(%arg34 : memref<32x128xf32, #tpu.memory_space<vmem>>)
    %scan3A_122 = arith.constant 0 : i32
    %scan3A_123 = arith.constant 0 : i32
    %scan3A_124 = arith.constant 2 : i32
    %scan3A_125 = arith.addi %scan3A_123, %scan3A_124 : i32
    %scan3A_126 = arith.constant 1 : i32
    scf.for %scan3A_176 = %scan3A_123 to %scan3A_125 step %scan3A_126  : i32 {
      %broadcast_in_dim3A = arith.constant 0.000000e+00 : f32
      %broadcast_in_dim3A_177 = vector.broadcast %broadcast_in_dim3A : f32 to vector<16xf32>
      %scan3A_178 = arith.constant 0 : i32
      %scan3A_179 = arith.constant 16 : i32
      %scan3A_180 = arith.addi %scan3A_178, %scan3A_179 : i32
      %scan3A_181 = arith.constant 1 : i32
      %scan3A_182 = scf.for %scan3A_202 = %scan3A_178 to %scan3A_180 step %scan3A_181 iter_args(%scan3A_203 = %broadcast_in_dim3A_177) -> (vector<16xf32>)  : i32 {
        %mul3A_204 = arith.constant 16 : i32
        %mul3A_205 = arith.muli %scan3A_176, %mul3A_204 : i32
        %add3A_206 = arith.addi %mul3A_205, %scan3A_202 : i32
        %broadcast_in_dim3A_207 = arith.constant 0.000000e+00 : f32
        %broadcast_in_dim3A_208 = vector.broadcast %broadcast_in_dim3A_207 : f32 to vector<16xf32>
        %get3A_209 = arith.index_cast %add3A_206 : i32 to index
        %get3A_210 = arith.constant 0 : index
        %get3A_211 = tpu.vector_load %arg30[%get3A_209, %get3A_210] {strides = array<i32>} : memref<32x128xf32, #tpu.memory_space<vmem>>, vector<16xf32>,
        %get3A_212 = arith.index_cast %add3A_206 : i32 to index
        %get3A_213 = arith.constant 0 : index
        %get3A_214 = tpu.vector_load %arg32[%get3A_212, %get3A_213] {strides = array<i32>} : memref<32x256xf32, #tpu.memory_space<vmem>>, vector<16xf32>,
        %get3A_215 = arith.index_cast %add3A_206 : i32 to index
        %get3A_216 = arith.constant 0 : index
        %get3A_217 = tpu.vector_load %arg34[%get3A_215, %get3A_216] {strides = array<i32>} : memref<32x128xf32, #tpu.memory_space<vmem>>, vector<16xf32>,
        %add3A_218 = arith.addf %get3A_214, %get3A_217 : vector<16xf32>
        %mul3A_219 = arith.mulf %get3A_211, %add3A_218 : vector<16xf32>
        %add3A_220 = arith.addf %broadcast_in_dim3A_208, %mul3A_219 : vector<16xf32>
        %get3A_221 = arith.index_cast %add3A_206 : i32 to index
        %get3A_222 = arith.constant 16 : index
        %get3A_223 = tpu.vector_load %arg30[%get3A_221, %get3A_222] {strides = array<i32>} : memref<32x128xf32, #tpu.memory_space<vmem>>, vector<16xf32>,
        %get3A_224 = arith.index_cast %add3A_206 : i32 to index
        %get3A_225 = arith.constant 16 : index
        %get3A_226 = tpu.vector_load %arg32[%get3A_224, %get3A_225] {strides = array<i32>} : memref<32x256xf32, #tpu.memory_space<vmem>>, vector<16xf32>,
        %get3A_227 = arith.index_cast %add3A_206 : i32 to index
        %get3A_228 = arith.constant 16 : index
        %get3A_229 = tpu.vector_load %arg34[%get3A_227, %get3A_228] {strides = array<i32>} : memref<32x128xf32, #tpu.memory_space<vmem>>, vector<16xf32>,
        %add3A_230 = arith.addf %get3A_226, %get3A_229 : vector<16xf32>
        %mul3A_231 = arith.mulf %get3A_223, %add3A_230 : vector<16xf32>
        %add3A_232 = arith.addf %add3A_220, %mul3A_231 : vector<16xf32>
        %get3A_233 = arith.index_cast %add3A_206 : i32 to index
        %get3A_234 = arith.constant 32 : index
        %get3A_235 = tpu.vector_load %arg30[%get3A_233, %get3A_234] {strides = array<i32>} : memref<32x128xf32, #tpu.memory_space<vmem>>, vector<16xf32>,
        %get3A_236 = arith.index_cast %add3A_206 : i32 to index
        %get3A_237 = arith.constant 32 : index
        %get3A_238 = tpu.vector_load %arg32[%get3A_236, %get3A_237] {strides = array<i32>} : memref<32x256xf32, #tpu.memory_space<vmem>>, vector<16xf32>,
        %get3A_239 = arith.index_cast %add3A_206 : i32 to index
        %get3A_240 = arith.constant 32 : index
        %get3A_241 = tpu.vector_load %arg34[%get3A_239, %get3A_240] {strides = array<i32>} : memref<32x128xf32, #tpu.memory_space<vmem>>, vector<16xf32>,
        %add3A_242 = arith.addf %get3A_238, %get3A_241 : vector<16xf32>
        %mul3A_243 = arith.mulf %get3A_235, %add3A_242 : vector<16xf32>
        %add3A_244 = arith.addf %add3A_232, %mul3A_243 : vector<16xf32>
        %get3A_245 = arith.index_cast %add3A_206 : i32 to index
        %get3A_246 = arith.constant 48 : index
        %get3A_247 = tpu.vector_load %arg30[%get3A_245, %get3A_246] {strides = array<i32>} : memref<32x128xf32, #tpu.memory_space<vmem>>, vector<16xf32>,
        %get3A_248 = arith.index_cast %add3A_206 : i32 to index
        %get3A_249 = arith.constant 48 : index
        %get3A_250 = tpu.vector_load %arg32[%get3A_248, %get3A_249] {strides = array<i32>} : memref<32x256xf32, #tpu.memory_space<vmem>>, vector<16xf32>,
        %get3A_251 = arith.index_cast %add3A_206 : i32 to index
        %get3A_252 = arith.constant 48 : index
        %get3A_253 = tpu.vector_load %arg34[%get3A_251, %get3A_252] {strides = array<i32>} : memref<32x128xf32, #tpu.memory_space<vmem>>, vector<16xf32>,
        %add3A_254 = arith.addf %get3A_250, %get3A_253 : vector<16xf32>
        %mul3A_255 = arith.mulf %get3A_247, %add3A_254 : vector<16xf32>
        %add3A_256 = arith.addf %add3A_244, %mul3A_255 : vector<16xf32>
        %get3A_257 = arith.index_cast %add3A_206 : i32 to index
        %get3A_258 = arith.constant 64 : index
        %get3A_259 = tpu.vector_load %arg30[%get3A_257, %get3A_258] {strides = array<i32>} : memref<32x128xf32, #tpu.memory_space<vmem>>, vector<16xf32>,
        %get3A_260 = arith.index_cast %add3A_206 : i32 to index
        %get3A_261 = arith.constant 64 : index
        %get3A_262 = tpu.vector_load %arg32[%get3A_260, %get3A_261] {strides = array<i32>} : memref<32x256xf32, #tpu.memory_space<vmem>>, vector<16xf32>,
        %get3A_263 = arith.index_cast %add3A_206 : i32 to index
        %get3A_264 = arith.constant 64 : index
        %get3A_265 = tpu.vector_load %arg34[%get3A_263, %get3A_264] {strides = array<i32>} : memref<32x128xf32, #tpu.memory_space<vmem>>, vector<16xf32>,
        %add3A_266 = arith.addf %get3A_262, %get3A_265 : vector<16xf32>
        %mul3A_267 = arith.mulf %get3A_259, %add3A_266 : vector<16xf32>
        %add3A_268 = arith.addf %add3A_256, %mul3A_267 : vector<16xf32>
        %get3A_269 = arith.index_cast %add3A_206 : i32 to index
        %get3A_270 = arith.constant 80 : index
        %get3A_271 = tpu.vector_load %arg30[%get3A_269, %get3A_270] {strides = array<i32>} : memref<32x128xf32, #tpu.memory_space<vmem>>, vector<16xf32>,
        %get3A_272 = arith.index_cast %add3A_206 : i32 to index
        %get3A_273 = arith.constant 80 : index
        %get3A_274 = tpu.vector_load %arg32[%get3A_272, %get3A_273] {strides = array<i32>} : memref<32x256xf32, #tpu.memory_space<vmem>>, vector<16xf32>,
        %get3A_275 = arith.index_cast %add3A_206 : i32 to index
        %get3A_276 = arith.constant 80 : index
        %get3A_277 = tpu.vector_load %arg34[%get3A_275, %get3A_276] {strides = array<i32>} : memref<32x128xf32, #tpu.memory_space<vmem>>, vector<16xf32>,
        %add3A_278 = arith.addf %get3A_274, %get3A_277 : vector<16xf32>
        %mul3A_279 = arith.mulf %get3A_271, %add3A_278 : vector<16xf32>
        %add3A_280 = arith.addf %add3A_268, %mul3A_279 : vector<16xf32>
        %get3A_281 = arith.index_cast %add3A_206 : i32 to index
        %get3A_282 = arith.constant 96 : index
        %get3A_283 = tpu.vector_load %arg30[%get3A_281, %get3A_282] {strides = array<i32>} : memref<32x128xf32, #tpu.memory_space<vmem>>, vector<16xf32>,
        %get3A_284 = arith.index_cast %add3A_206 : i32 to index
        %get3A_285 = arith.constant 96 : index
        %get3A_286 = tpu.vector_load %arg32[%get3A_284, %get3A_285] {strides = array<i32>} : memref<32x256xf32, #tpu.memory_space<vmem>>, vector<16xf32>,
        %get3A_287 = arith.index_cast %add3A_206 : i32 to index
        %get3A_288 = arith.constant 96 : index
        %get3A_289 = tpu.vector_load %arg34[%get3A_287, %get3A_288] {strides = array<i32>} : memref<32x128xf32, #tpu.memory_space<vmem>>, vector<16xf32>,
        %add3A_290 = arith.addf %get3A_286, %get3A_289 : vector<16xf32>
        %mul3A_291 = arith.mulf %get3A_283, %add3A_290 : vector<16xf32>
        %add3A_292 = arith.addf %add3A_280, %mul3A_291 : vector<16xf32>
        %get3A_293 = arith.index_cast %add3A_206 : i32 to index
        %get3A_294 = arith.constant 112 : index
        %get3A_295 = tpu.vector_load %arg30[%get3A_293, %get3A_294] {strides = array<i32>} : memref<32x128xf32, #tpu.memory_space<vmem>>, vector<16xf32>,
        %get3A_296 = arith.index_cast %add3A_206 : i32 to index
        %get3A_297 = arith.constant 112 : index
        %get3A_298 = tpu.vector_load %arg32[%get3A_296, %get3A_297] {strides = array<i32>} : memref<32x256xf32, #tpu.memory_space<vmem>>, vector<16xf32>,
        %get3A_299 = arith.index_cast %add3A_206 : i32 to index
        %get3A_300 = arith.constant 112 : index
        %get3A_301 = tpu.vector_load %arg34[%get3A_299, %get3A_300] {strides = array<i32>} : memref<32x128xf32, #tpu.memory_space<vmem>>, vector<16xf32>,
        %add3A_302 = arith.addf %get3A_298, %get3A_301 : vector<16xf32>
        %mul3A_303 = arith.mulf %get3A_295, %add3A_302 : vector<16xf32>
        %add3A_304 = arith.addf %add3A_292, %mul3A_303 : vector<16xf32>
        %eq3A_305 = vector.broadcast %scan3A_202 : i32 to vector<16xi32>
        %eq3A_306 = arith.cmpi eq, %iota3A, %eq3A_305 : vector<16xi32>
        %reduce_sum3A = arith.constant true
        %reduce_sum3A_307 = vector.broadcast %reduce_sum3A : i1 to vector<16xi1>
        %reduce_sum3A_308 = tpu.scan <sum>, %add3A_304 masked %reduce_sum3A_307 : vector<16xf32>, vector<16xi1> -> vector<16xf32>
        %reduce_sum3A_309 = vector.extract %reduce_sum3A_308[15] : f32 from vector<16xf32>
        %broadcast_in_dim3A_310 = vector.broadcast %reduce_sum3A_309 : f32 to vector<16xf32>
        %select_n3A_311 = arith.select %eq3A_306, %broadcast_in_dim3A_310, %scan3A_203 : vector<16xi1>, vector<16xf32>
        scf.yield %select_n3A_311 : vector<16xf32>
      }
      %scan3A_183 = arith.constant 16 : i32
      %mul3A_184 = arith.constant 0.0883883461 : f32
      %mul3A_185 = vector.broadcast %mul3A_184 : f32 to vector<16xf32>
      %mul3A_186 = arith.mulf %scan3A_182, %mul3A_185 : vector<16xf32>
      %exp3A = math.exp %mul3A_186 : vector<16xf32>
      %mul3A_187 = arith.constant 16 : i32
      %mul3A_188 = arith.muli %scan3A_176, %mul3A_187 : i32
      %get3A_189 = arith.index_cast %mul3A_188 : i32 to index
      %get3A_190 = tpu.vector_load %arg16[%get3A_189] {strides = array<i32>} : memref<32xi32, #tpu.memory_space<vmem>>, vector<16xi32>,
      %shift_right_logical3A = arith.constant 7 : i32
      %shift_right_logical3A_191 = vector.broadcast %shift_right_logical3A : i32 to vector<16xi32>
      %shift_right_logical3A_192 = arith.shrui %get3A_190, %shift_right_logical3A_191 : vector<16xi32>
      %and3A_193 = arith.constant 127 : i32
      %and3A_194 = vector.broadcast %and3A_193 : i32 to vector<16xi32>
      %and3A_195 = arith.andi %get3A_190, %and3A_194 : vector<16xi32>
      %scan3A_196 = arith.constant 0 : i32
      %scan3A_197 = arith.constant 0 : i32
      %scan3A_198 = arith.constant 16 : i32
      %scan3A_199 = arith.addi %scan3A_197, %scan3A_198 : i32
      %scan3A_200 = arith.constant 1 : i32
      scf.for %scan3A_202 = %scan3A_197 to %scan3A_199 step %scan3A_200  : i32 {
        %eq3A_203 = vector.broadcast %scan3A_202 : i32 to vector<16xi32>
        %eq3A_204 = arith.cmpi eq, %iota3A, %eq3A_203 : vector<16xi32>
        tpu.vector_store_idx %arg35[%shift_right_logical3A_192, %and3A_195], %exp3A masked %eq3A_204 {add = true} : memref<80x128xf32, #tpu.memory_space<vmem>>[vector<16xi32>, vector<16xi32>], vector<16xf32>, vector<16xi1>
        %mul3A_205 = arith.constant 16 : i32
        %mul3A_206 = arith.muli %scan3A_176, %mul3A_205 : i32
        %add3A_207 = arith.addi %mul3A_206, %scan3A_202 : i32
        %broadcast_in_dim3A_208 = vector.broadcast %scan3A_202 : i32 to vector<16xi32>
        %lt3A_209 = arith.constant 0 : i32
        %lt3A_210 = vector.broadcast %lt3A_209 : i32 to vector<16xi32>
        %lt3A_211 = arith.cmpi slt, %broadcast_in_dim3A_208, %lt3A_210 : vector<16xi32>
        %add3A_212 = arith.constant 16 : i32
        %add3A_213 = vector.broadcast %add3A_212 : i32 to vector<16xi32>
        %add3A_214 = arith.addi %broadcast_in_dim3A_208, %add3A_213 : vector<16xi32>
        %select_n3A_215 = arith.select %lt3A_211, %add3A_214, %broadcast_in_dim3A_208 : vector<16xi1>, vector<16xi32>
        %broadcast_in_dim3A_216 = vector.shape_cast %select_n3A_215 : vector<16xi32> to vector<16x1xi32>
        %gather3A = vector.shape_cast %broadcast_in_dim3A_216 : vector<16x1xi32> to vector<16xi32>
        %gather3A_217 = tpu.dynamic_gather %exp3A[%gather3A] in [0] : vector<16xf32>, vector<16xi32> -> vector<16xf32>
        %get3A_218 = arith.index_cast %add3A_207 : i32 to index
        %get3A_219 = arith.constant 128 : index
        %get3A_220 = tpu.vector_load %arg32[%get3A_218, %get3A_219] {strides = array<i32>} : memref<32x256xf32, #tpu.memory_space<vmem>>, vector<16xf32>,
        %get3A_221 = arith.index_cast %add3A_207 : i32 to index
        %get3A_222 = arith.constant 0 : index
        %get3A_223 = tpu.vector_load %arg34[%get3A_221, %get3A_222] {strides = array<i32>} : memref<32x128xf32, #tpu.memory_space<vmem>>, vector<16xf32>,
        %add3A_224 = arith.addf %get3A_220, %get3A_223 : vector<16xf32>
        %mul3A_225 = arith.mulf %add3A_224, %gather3A_217 : vector<16xf32>
        %swap3A_226 = arith.index_cast %add3A_207 : i32 to index
        %swap3A_227 = arith.constant 0 : index
        %swap3A_228 = tpu.vector_load %arg30[%swap3A_226, %swap3A_227] {strides = array<i32>} : memref<32x128xf32, #tpu.memory_space<vmem>>, vector<16xf32>,
        tpu.vector_store %arg30[%swap3A_226, %swap3A_227], %mul3A_225 {strides = array<i32>} : memref<32x128xf32, #tpu.memory_space<vmem>>, vector<16xf32>,
        %get3A_229 = arith.index_cast %add3A_207 : i32 to index
        %get3A_230 = arith.constant 144 : index
        %get3A_231 = tpu.vector_load %arg32[%get3A_229, %get3A_230] {strides = array<i32>} : memref<32x256xf32, #tpu.memory_space<vmem>>, vector<16xf32>,
        %get3A_232 = arith.index_cast %add3A_207 : i32 to index
        %get3A_233 = arith.constant 16 : index
        %get3A_234 = tpu.vector_load %arg34[%get3A_232, %get3A_233] {strides = array<i32>} : memref<32x128xf32, #tpu.memory_space<vmem>>, vector<16xf32>,
        %add3A_235 = arith.addf %get3A_231, %get3A_234 : vector<16xf32>
        %mul3A_236 = arith.mulf %add3A_235, %gather3A_217 : vector<16xf32>
        %swap3A_237 = arith.index_cast %add3A_207 : i32 to index
        %swap3A_238 = arith.constant 16 : index
        %swap3A_239 = tpu.vector_load %arg30[%swap3A_237, %swap3A_238] {strides = array<i32>} : memref<32x128xf32, #tpu.memory_space<vmem>>, vector<16xf32>,
        tpu.vector_store %arg30[%swap3A_237, %swap3A_238], %mul3A_236 {strides = array<i32>} : memref<32x128xf32, #tpu.memory_space<vmem>>, vector<16xf32>,
        %get3A_240 = arith.index_cast %add3A_207 : i32 to index
        %get3A_241 = arith.constant 160 : index
        %get3A_242 = tpu.vector_load %arg32[%get3A_240, %get3A_241] {strides = array<i32>} : memref<32x256xf32, #tpu.memory_space<vmem>>, vector<16xf32>,
        %get3A_243 = arith.index_cast %add3A_207 : i32 to index
        %get3A_244 = arith.constant 32 : index
        %get3A_245 = tpu.vector_load %arg34[%get3A_243, %get3A_244] {strides = array<i32>} : memref<32x128xf32, #tpu.memory_space<vmem>>, vector<16xf32>,
        %add3A_246 = arith.addf %get3A_242, %get3A_245 : vector<16xf32>
        %mul3A_247 = arith.mulf %add3A_246, %gather3A_217 : vector<16xf32>
        %swap3A_248 = arith.index_cast %add3A_207 : i32 to index
        %swap3A_249 = arith.constant 32 : index
        %swap3A_250 = tpu.vector_load %arg30[%swap3A_248, %swap3A_249] {strides = array<i32>} : memref<32x128xf32, #tpu.memory_space<vmem>>, vector<16xf32>,
        tpu.vector_store %arg30[%swap3A_248, %swap3A_249], %mul3A_247 {strides = array<i32>} : memref<32x128xf32, #tpu.memory_space<vmem>>, vector<16xf32>,
        %get3A_251 = arith.index_cast %add3A_207 : i32 to index
        %get3A_252 = arith.constant 176 : index
        %get3A_253 = tpu.vector_load %arg32[%get3A_251, %get3A_252] {strides = array<i32>} : memref<32x256xf32, #tpu.memory_space<vmem>>, vector<16xf32>,
        %get3A_254 = arith.index_cast %add3A_207 : i32 to index
        %get3A_255 = arith.constant 48 : index
        %get3A_256 = tpu.vector_load %arg34[%get3A_254, %get3A_255] {strides = array<i32>} : memref<32x128xf32, #tpu.memory_space<vmem>>, vector<16xf32>,
        %add3A_257 = arith.addf %get3A_253, %get3A_256 : vector<16xf32>
        %mul3A_258 = arith.mulf %add3A_257, %gather3A_217 : vector<16xf32>
        %swap3A_259 = arith.index_cast %add3A_207 : i32 to index
        %swap3A_260 = arith.constant 48 : index
        %swap3A_261 = tpu.vector_load %arg30[%swap3A_259, %swap3A_260] {strides = array<i32>} : memref<32x128xf32, #tpu.memory_space<vmem>>, vector<16xf32>,
        tpu.vector_store %arg30[%swap3A_259, %swap3A_260], %mul3A_258 {strides = array<i32>} : memref<32x128xf32, #tpu.memory_space<vmem>>, vector<16xf32>,
        %get3A_262 = arith.index_cast %add3A_207 : i32 to index
        %get3A_263 = arith.constant 192 : index
        %get3A_264 = tpu.vector_load %arg32[%get3A_262, %get3A_263] {strides = array<i32>} : memref<32x256xf32, #tpu.memory_space<vmem>>, vector<16xf32>,
        %get3A_265 = arith.index_cast %add3A_207 : i32 to index
        %get3A_266 = arith.constant 64 : index
        %get3A_267 = tpu.vector_load %arg34[%get3A_265, %get3A_266] {strides = array<i32>} : memref<32x128xf32, #tpu.memory_space<vmem>>, vector<16xf32>,
        %add3A_268 = arith.addf %get3A_264, %get3A_267 : vector<16xf32>
        %mul3A_269 = arith.mulf %add3A_268, %gather3A_217 : vector<16xf32>
        %swap3A_270 = arith.index_cast %add3A_207 : i32 to index
        %swap3A_271 = arith.constant 64 : index
        %swap3A_272 = tpu.vector_load %arg30[%swap3A_270, %swap3A_271] {strides = array<i32>} : memref<32x128xf32, #tpu.memory_space<vmem>>, vector<16xf32>,
        tpu.vector_store %arg30[%swap3A_270, %swap3A_271], %mul3A_269 {strides = array<i32>} : memref<32x128xf32, #tpu.memory_space<vmem>>, vector<16xf32>,
        %get3A_273 = arith.index_cast %add3A_207 : i32 to index
        %get3A_274 = arith.constant 208 : index
        %get3A_275 = tpu.vector_load %arg32[%get3A_273, %get3A_274] {strides = array<i32>} : memref<32x256xf32, #tpu.memory_space<vmem>>, vector<16xf32>,
        %get3A_276 = arith.index_cast %add3A_207 : i32 to index
        %get3A_277 = arith.constant 80 : index
        %get3A_278 = tpu.vector_load %arg34[%get3A_276, %get3A_277] {strides = array<i32>} : memref<32x128xf32, #tpu.memory_space<vmem>>, vector<16xf32>,
        %add3A_279 = arith.addf %get3A_275, %get3A_278 : vector<16xf32>
        %mul3A_280 = arith.mulf %add3A_279, %gather3A_217 : vector<16xf32>
        %swap3A_281 = arith.index_cast %add3A_207 : i32 to index
        %swap3A_282 = arith.constant 80 : index
        %swap3A_283 = tpu.vector_load %arg30[%swap3A_281, %swap3A_282] {strides = array<i32>} : memref<32x128xf32, #tpu.memory_space<vmem>>, vector<16xf32>,
        tpu.vector_store %arg30[%swap3A_281, %swap3A_282], %mul3A_280 {strides = array<i32>} : memref<32x128xf32, #tpu.memory_space<vmem>>, vector<16xf32>,
        %get3A_284 = arith.index_cast %add3A_207 : i32 to index
        %get3A_285 = arith.constant 224 : index
        %get3A_286 = tpu.vector_load %arg32[%get3A_284, %get3A_285] {strides = array<i32>} : memref<32x256xf32, #tpu.memory_space<vmem>>, vector<16xf32>,
        %get3A_287 = arith.index_cast %add3A_207 : i32 to index
        %get3A_288 = arith.constant 96 : index
        %get3A_289 = tpu.vector_load %arg34[%get3A_287, %get3A_288] {strides = array<i32>} : memref<32x128xf32, #tpu.memory_space<vmem>>, vector<16xf32>,
        %add3A_290 = arith.addf %get3A_286, %get3A_289 : vector<16xf32>
        %mul3A_291 = arith.mulf %add3A_290, %gather3A_217 : vector<16xf32>
        %swap3A_292 = arith.index_cast %add3A_207 : i32 to index
        %swap3A_293 = arith.constant 96 : index
        %swap3A_294 = tpu.vector_load %arg30[%swap3A_292, %swap3A_293] {strides = array<i32>} : memref<32x128xf32, #tpu.memory_space<vmem>>, vector<16xf32>,
        tpu.vector_store %arg30[%swap3A_292, %swap3A_293], %mul3A_291 {strides = array<i32>} : memref<32x128xf32, #tpu.memory_space<vmem>>, vector<16xf32>,
        %get3A_295 = arith.index_cast %add3A_207 : i32 to index
        %get3A_296 = arith.constant 240 : index
        %get3A_297 = tpu.vector_load %arg32[%get3A_295, %get3A_296] {strides = array<i32>} : memref<32x256xf32, #tpu.memory_space<vmem>>, vector<16xf32>,
        %get3A_298 = arith.index_cast %add3A_207 : i32 to index
        %get3A_299 = arith.constant 112 : index
        %get3A_300 = tpu.vector_load %arg34[%get3A_298, %get3A_299] {strides = array<i32>} : memref<32x128xf32, #tpu.memory_space<vmem>>, vector<16xf32>,
        %add3A_301 = arith.addf %get3A_297, %get3A_300 : vector<16xf32>
        %mul3A_302 = arith.mulf %add3A_301, %gather3A_217 : vector<16xf32>
        %swap3A_303 = arith.index_cast %add3A_207 : i32 to index
        %swap3A_304 = arith.constant 112 : index
        %swap3A_305 = tpu.vector_load %arg30[%swap3A_303, %swap3A_304] {strides = array<i32>} : memref<32x128xf32, #tpu.memory_space<vmem>>, vector<16xf32>,
        tpu.vector_store %arg30[%swap3A_303, %swap3A_304], %mul3A_302 {strides = array<i32>} : memref<32x128xf32, #tpu.memory_space<vmem>>, vector<16xf32>,
      }
      %scan3A_201 = arith.constant 16 : i32
    }
    %scan3A_127 = arith.constant 2 : i32
    %get3A_128 = arith.constant 0 : index
    %get3A_129 = tpu.vector_load %arg16[%get3A_128] {strides = array<i32>} : memref<32xi32, #tpu.memory_space<vmem>>, vector<16xi32>,
    %swap3A_130 = arith.constant 0 : index
    %swap3A_131 = tpu.vector_load %arg27[%swap3A_130] {strides = array<i32>} : memref<32xi32, #tpu.memory_space<vmem>>, vector<16xi32>,
    tpu.vector_store %arg27[%swap3A_130], %get3A_129 {strides = array<i32>} : memref<32xi32, #tpu.memory_space<vmem>>, vector<16xi32>,
    %get3A_132 = arith.constant 16 : index
    %get3A_133 = tpu.vector_load %arg16[%get3A_132] {strides = array<i32>} : memref<32xi32, #tpu.memory_space<vmem>>, vector<16xi32>,
    %swap3A_134 = arith.constant 16 : index
    %swap3A_135 = tpu.vector_load %arg27[%swap3A_134] {strides = array<i32>} : memref<32xi32, #tpu.memory_space<vmem>>, vector<16xi32>,
    tpu.vector_store %arg27[%swap3A_134], %get3A_133 {strides = array<i32>} : memref<32xi32, #tpu.memory_space<vmem>>, vector<16xi32>,
    %dma_start3A_136 = arith.constant 0 : i32
    %dma_start3A_137 = arith.constant 0 : i32
    %dma_start3A_138 = tpu.memref_slice %arg38[%dma_start3A_136, %dma_start3A_137] : memref<10000x128xf32, #tpu.memory_space<vmem_shared>> -> memref<10000x128xf32, #tpu.memory_space<vmem_shared>>
    tpu.enqueue_indirect_dma source(%arg30 : memref<32x128xf32, #tpu.memory_space<vmem>>) target(%dma_start3A_138 : memref<10000x128xf32, #tpu.memory_space<vmem_shared>>) offsets(%arg27 : memref<32xi32, #tpu.memory_space<vmem>>) semaphore(%arg43 : memref<!tpu.dma_semaphore, #tpu.memory_space<semaphore_mem>>) {add = true}
    %dma_wait3A_139 = arith.constant 0 : i32
    %dma_wait3A_140 = arith.constant 0 : i32
    %dma_wait3A_141 = tpu.memref_slice %arg38[%dma_wait3A_139, %dma_wait3A_140] : memref<10000x128xf32, #tpu.memory_space<vmem_shared>> -> memref<10000x128xf32, #tpu.memory_space<vmem_shared>>
    tpu.wait_indirect_dma semaphore(%arg43 : memref<!tpu.dma_semaphore, #tpu.memory_space<semaphore_mem>>) src(%arg30 : memref<32x128xf32, #tpu.memory_space<vmem>>) dst(%dma_wait3A_141 : memref<10000x128xf32, #tpu.memory_space<vmem_shared>>)
    "tpu.region"() ({
      %run_scoped3A = tpu.sem_alloc : memref<!tpu.dma_semaphore, #tpu.memory_space<semaphore_mem>>
      %dma_start3A_176 = arith.constant 0 : i32
      %dma_start3A_177 = arith.constant 0 : i32
      %dma_start3A_178 = tpu.memref_slice %arg39[%dma_start3A_176, %dma_start3A_177] : memref<88x128xf32, #tpu.memory_space<vmem_shared>> -> memref<88x128xf32, #tpu.memory_space<vmem_shared>>
      tpu.enqueue_indirect_dma source(%arg35 : memref<80x128xf32, #tpu.memory_space<vmem>>) target(%dma_start3A_178 : memref<88x128xf32, #tpu.memory_space<vmem_shared>>) offsets(%arg29 : memref<80xi32, #tpu.memory_space<vmem>>) semaphore(%run_scoped3A : memref<!tpu.dma_semaphore, #tpu.memory_space<semaphore_mem>>) {add = true}
      %dma_wait3A_179 = arith.constant 0 : i32
      %dma_wait3A_180 = arith.constant 0 : i32
      %dma_wait3A_181 = tpu.memref_slice %arg39[%dma_wait3A_179, %dma_wait3A_180] : memref<88x128xf32, #tpu.memory_space<vmem_shared>> -> memref<88x128xf32, #tpu.memory_space<vmem_shared>>
      tpu.wait_indirect_dma semaphore(%run_scoped3A : memref<!tpu.dma_semaphore, #tpu.memory_space<semaphore_mem>>) src(%arg35 : memref<80x128xf32, #tpu.memory_space<vmem>>) dst(%dma_wait3A_181 : memref<88x128xf32, #tpu.memory_space<vmem_shared>>)
      tpu.yield
    }) : () -> ()
    %barrier3A_142 = arith.constant 0 : index
    tpu.barrier barrier_id(%barrier3A_142)
    %jit3A = arith.constant 128 : i32
    %div3A = arith.divsi %mul3A_35, %jit3A : i32
    %sign3A = arith.constant 0 : i32
    %sign3A_143 = arith.cmpi sgt, %mul3A_35, %sign3A : i32
    %sign3A_144 = arith.extui %sign3A_143 : i1 to i32
    %sign3A_145 = arith.constant 0 : i32
    %sign3A_146 = arith.cmpi slt, %mul3A_35, %sign3A_145 : i32
    %sign3A_147 = arith.extui %sign3A_146 : i1 to i32
    %sign3A_148 = arith.subi %sign3A_144, %sign3A_147 : i32
    %sign3A_149 = arith.constant 0 : i32
    %sign3A_150 = arith.cmpi sgt, %jit3A, %sign3A_149 : i32
    %sign3A_151 = arith.extui %sign3A_150 : i1 to i32
    %sign3A_152 = arith.constant 0 : i32
    %sign3A_153 = arith.cmpi slt, %jit3A, %sign3A_152 : i32
    %sign3A_154 = arith.extui %sign3A_153 : i1 to i32
    %sign3A_155 = arith.subi %sign3A_151, %sign3A_154 : i32
    %ne3A = arith.cmpi ne, %sign3A_148, %sign3A_155 : i32
    %rem3A = arith.remsi %mul3A_35, %jit3A : i32
    %ne3A_156 = arith.constant 0 : i32
    %ne3A_157 = arith.cmpi ne, %rem3A, %ne3A_156 : i32
    %and3A = arith.andi %ne3A, %ne3A_157 : i1
    %sub3A = arith.constant 1 : i32
    %sub3A_158 = arith.subi %div3A, %sub3A : i32
    %select_n3A = arith.select %and3A, %sub3A_158, %div3A : i32
    %rem3A_159 = arith.constant 8 : i32
    %rem3A_160 = arith.remsi %select_n3A, %rem3A_159 : i32
    %sub3A_161 = arith.subi %select_n3A, %rem3A_160 : i32
    %multiple_of3A = tpu.assume_multiple %sub3A_161, 8 : i32
    "tpu.region"() ({
      %run_scoped3A = tpu.sem_alloc : memref<!tpu.dma_semaphore, #tpu.memory_space<semaphore_mem>>
      %dma_start3A_176 = arith.constant 0 : i32
      %dma_start3A_177 = tpu.memref_slice %arg39[%multiple_of3A, %dma_start3A_176] : memref<88x128xf32, #tpu.memory_space<vmem_shared>> -> memref<16x128xf32, #tpu.memory_space<vmem_shared>>
      %dma_start3A_178 = arith.constant 0 : i32
      %dma_start3A_179 = tpu.memref_slice %arg39[%multiple_of3A, %dma_start3A_178] : memref<88x128xf32, #tpu.memory_space<vmem_shared>> -> memref<16x128xf32, #tpu.memory_space<vmem_shared>>
      tpu.enqueue_dma source(%dma_start3A_179 : memref<16x128xf32, #tpu.memory_space<vmem_shared>>) target(%arg36 : memref<16x128xf32, #tpu.memory_space<vmem>>) target_semaphore(%run_scoped3A : memref<!tpu.dma_semaphore, #tpu.memory_space<semaphore_mem>>)
      %dma_wait3A_180 = arith.constant 0 : i32
      %dma_wait3A_181 = tpu.memref_slice %arg39[%multiple_of3A, %dma_wait3A_180] : memref<88x128xf32, #tpu.memory_space<vmem_shared>> -> memref<16x128xf32, #tpu.memory_space<vmem_shared>>
      %dma_wait3A_182 = arith.constant 0 : i32
      %dma_wait3A_183 = tpu.memref_slice %arg39[%multiple_of3A, %dma_wait3A_182] : memref<88x128xf32, #tpu.memory_space<vmem_shared>> -> memref<16x128xf32, #tpu.memory_space<vmem_shared>>
      tpu.wait_dma2 semaphore(%run_scoped3A : memref<!tpu.dma_semaphore, #tpu.memory_space<semaphore_mem>>) src(%dma_wait3A_183 : memref<16x128xf32, #tpu.memory_space<vmem_shared>>) dst(%arg36 : memref<16x128xf32, #tpu.memory_space<vmem>>)
      tpu.yield
    }) : () -> ()
    %eq3A_162 = arith.constant 15 : i32
    %eq3A_163 = arith.cmpi eq, %arg1, %eq3A_162 : i32
    %jit3A_164 = arith.constant 40 : i32
    %jit3A_165 = arith.constant 39 : i32
    %select_n3A_166 = arith.select %eq3A_163, %jit3A_164, %jit3A_165 : i32
    %while3A = arith.constant 0 : i32
    %while3A_167 = arith.constant 0 : i32
    %while3A_168 = arith.subi %select_n3A_166, %while3A_167 : i32
    %while3A_169 = arith.addi %while3A_167, %while3A_168 : i32
    %while3A_170 = arith.constant 1 : i32
    %while3A_171 = arith.divsi %while3A_168, %while3A_170 : i32
    %while3A_172 = arith.muli %while3A_171, %while3A_170 : i32
    %while3A_173 = arith.addi %while3A_167, %while3A_172 : i32
    %while3A_174 = arith.constant 1 : i32
    scf.for %while3A_176 = %while3A_167 to %while3A_173 step %while3A_174  : i32 {
      %mul3A_177 = arith.constant 16 : i32
      %mul3A_178 = arith.muli %while3A_176, %mul3A_177 : i32
      %add3A_179 = arith.addi %mul3A_35, %mul3A_178 : i32
      %mul3A_180 = arith.constant 128 : i32
      %mul3A_181 = arith.muli %multiple_of3A, %mul3A_180 : i32
      %sub3A_182 = arith.subi %add3A_179, %mul3A_181 : i32
      %shift_right_logical3A = arith.constant 7 : i32
      %shift_right_logical3A_183 = arith.shrui %sub3A_182, %shift_right_logical3A : i32
      %and3A_184 = arith.constant 127 : i32
      %and3A_185 = arith.andi %sub3A_182, %and3A_184 : i32
      %multiple_of3A_186 = tpu.assume_multiple %and3A_185, 16 : i32
      %get3A_187 = arith.index_cast %shift_right_logical3A_183 : i32 to index
      %get3A_188 = arith.index_cast %multiple_of3A_186 : i32 to index
      %get3A_189 = tpu.vector_load %arg36[%get3A_187, %get3A_188] {strides = array<i32>} : memref<16x128xf32, #tpu.memory_space<vmem>>, vector<16xf32>,
      %add3A_190 = arith.constant 1.000000e-16 : f32
      %add3A_191 = vector.broadcast %add3A_190 : f32 to vector<16xf32>
      %add3A_192 = arith.addf %get3A_189, %add3A_191 : vector<16xf32>
      %div3A_193 = arith.constant 1.000000e+00 : f32
      %div3A_194 = vector.broadcast %div3A_193 : f32 to vector<16xf32>
      %div3A_195 = arith.divf %div3A_194, %add3A_192 : vector<16xf32>
      "tpu.region"() ({
        %run_scoped3A = tpu.sem_alloc : memref<!tpu.dma_semaphore, #tpu.memory_space<semaphore_mem>>
        %dma_start3A_205 = arith.constant 0 : i32
        %dma_start3A_206 = tpu.memref_slice %arg38[%add3A_179, %dma_start3A_205] : memref<10000x128xf32, #tpu.memory_space<vmem_shared>> -> memref<16x128xf32, #tpu.memory_space<vmem_shared>>
        %dma_start3A_207 = arith.constant 0 : i32
        %dma_start3A_208 = tpu.memref_slice %arg38[%add3A_179, %dma_start3A_207] : memref<10000x128xf32, #tpu.memory_space<vmem_shared>> -> memref<16x128xf32, #tpu.memory_space<vmem_shared>>
        tpu.enqueue_dma source(%dma_start3A_208 : memref<16x128xf32, #tpu.memory_space<vmem_shared>>) target(%arg37 : memref<16x128xf32, #tpu.memory_space<vmem>>) target_semaphore(%run_scoped3A : memref<!tpu.dma_semaphore, #tpu.memory_space<semaphore_mem>>)
        %dma_wait3A_209 = arith.constant 0 : i32
        %dma_wait3A_210 = tpu.memref_slice %arg38[%add3A_179, %dma_wait3A_209] : memref<10000x128xf32, #tpu.memory_space<vmem_shared>> -> memref<16x128xf32, #tpu.memory_space<vmem_shared>>
        %dma_wait3A_211 = arith.constant 0 : i32
        %dma_wait3A_212 = tpu.memref_slice %arg38[%add3A_179, %dma_wait3A_211] : memref<10000x128xf32, #tpu.memory_space<vmem_shared>> -> memref<16x128xf32, #tpu.memory_space<vmem_shared>>
        tpu.wait_dma2 semaphore(%run_scoped3A : memref<!tpu.dma_semaphore, #tpu.memory_space<semaphore_mem>>) src(%dma_wait3A_212 : memref<16x128xf32, #tpu.memory_space<vmem_shared>>) dst(%arg37 : memref<16x128xf32, #tpu.memory_space<vmem>>)
        tpu.yield
      }) : () -> ()
      %scan3A_196 = arith.constant 0 : i32
      %scan3A_197 = arith.constant 0 : i32
      %scan3A_198 = arith.constant 16 : i32
      %scan3A_199 = arith.addi %scan3A_197, %scan3A_198 : i32
      %scan3A_200 = arith.constant 1 : i32
      scf.for %scan3A_205 = %scan3A_197 to %scan3A_199 step %scan3A_200  : i32 {
        %broadcast_in_dim3A = vector.broadcast %scan3A_205 : i32 to vector<16xi32>
        %lt3A_206 = arith.constant 0 : i32
        %lt3A_207 = vector.broadcast %lt3A_206 : i32 to vector<16xi32>
        %lt3A_208 = arith.cmpi slt, %broadcast_in_dim3A, %lt3A_207 : vector<16xi32>
        %add3A_209 = arith.constant 16 : i32
        %add3A_210 = vector.broadcast %add3A_209 : i32 to vector<16xi32>
        %add3A_211 = arith.addi %broadcast_in_dim3A, %add3A_210 : vector<16xi32>
        %select_n3A_212 = arith.select %lt3A_208, %add3A_211, %broadcast_in_dim3A : vector<16xi1>, vector<16xi32>
        %broadcast_in_dim3A_213 = vector.shape_cast %select_n3A_212 : vector<16xi32> to vector<16x1xi32>
        %gather3A = vector.shape_cast %broadcast_in_dim3A_213 : vector<16x1xi32> to vector<16xi32>
        %gather3A_214 = tpu.dynamic_gather %div3A_195[%gather3A] in [0] : vector<16xf32>, vector<16xi32> -> vector<16xf32>
        %get3A_215 = arith.index_cast %scan3A_205 : i32 to index
        %get3A_216 = arith.constant 0 : index
        %get3A_217 = tpu.vector_load %arg37[%get3A_215, %get3A_216] {strides = array<i32>} : memref<16x128xf32, #tpu.memory_space<vmem>>, vector<16xf32>,
        %mul3A_218 = arith.mulf %get3A_217, %gather3A_214 : vector<16xf32>
        %swap3A_219 = arith.index_cast %scan3A_205 : i32 to index
        %swap3A_220 = arith.constant 0 : index
        %swap3A_221 = tpu.vector_load %arg37[%swap3A_219, %swap3A_220] {strides = array<i32>} : memref<16x128xf32, #tpu.memory_space<vmem>>, vector<16xf32>,
        tpu.vector_store %arg37[%swap3A_219, %swap3A_220], %mul3A_218 {strides = array<i32>} : memref<16x128xf32, #tpu.memory_space<vmem>>, vector<16xf32>,
        %get3A_222 = arith.index_cast %scan3A_205 : i32 to index
        %get3A_223 = arith.constant 16 : index
        %get3A_224 = tpu.vector_load %arg37[%get3A_222, %get3A_223] {strides = array<i32>} : memref<16x128xf32, #tpu.memory_space<vmem>>, vector<16xf32>,
        %mul3A_225 = arith.mulf %get3A_224, %gather3A_214 : vector<16xf32>
        %swap3A_226 = arith.index_cast %scan3A_205 : i32 to index
        %swap3A_227 = arith.constant 16 : index
        %swap3A_228 = tpu.vector_load %arg37[%swap3A_226, %swap3A_227] {strides = array<i32>} : memref<16x128xf32, #tpu.memory_space<vmem>>, vector<16xf32>,
        tpu.vector_store %arg37[%swap3A_226, %swap3A_227], %mul3A_225 {strides = array<i32>} : memref<16x128xf32, #tpu.memory_space<vmem>>, vector<16xf32>,
        %get3A_229 = arith.index_cast %scan3A_205 : i32 to index
        %get3A_230 = arith.constant 32 : index
        %get3A_231 = tpu.vector_load %arg37[%get3A_229, %get3A_230] {strides = array<i32>} : memref<16x128xf32, #tpu.memory_space<vmem>>, vector<16xf32>,
        %mul3A_232 = arith.mulf %get3A_231, %gather3A_214 : vector<16xf32>
        %swap3A_233 = arith.index_cast %scan3A_205 : i32 to index
        %swap3A_234 = arith.constant 32 : index
        %swap3A_235 = tpu.vector_load %arg37[%swap3A_233, %swap3A_234] {strides = array<i32>} : memref<16x128xf32, #tpu.memory_space<vmem>>, vector<16xf32>,
        tpu.vector_store %arg37[%swap3A_233, %swap3A_234], %mul3A_232 {strides = array<i32>} : memref<16x128xf32, #tpu.memory_space<vmem>>, vector<16xf32>,
        %get3A_236 = arith.index_cast %scan3A_205 : i32 to index
        %get3A_237 = arith.constant 48 : index
        %get3A_238 = tpu.vector_load %arg37[%get3A_236, %get3A_237] {strides = array<i32>} : memref<16x128xf32, #tpu.memory_space<vmem>>, vector<16xf32>,
        %mul3A_239 = arith.mulf %get3A_238, %gather3A_214 : vector<16xf32>
        %swap3A_240 = arith.index_cast %scan3A_205 : i32 to index
        %swap3A_241 = arith.constant 48 : index
        %swap3A_242 = tpu.vector_load %arg37[%swap3A_240, %swap3A_241] {strides = array<i32>} : memref<16x128xf32, #tpu.memory_space<vmem>>, vector<16xf32>,
        tpu.vector_store %arg37[%swap3A_240, %swap3A_241], %mul3A_239 {strides = array<i32>} : memref<16x128xf32, #tpu.memory_space<vmem>>, vector<16xf32>,
        %get3A_243 = arith.index_cast %scan3A_205 : i32 to index
        %get3A_244 = arith.constant 64 : index
        %get3A_245 = tpu.vector_load %arg37[%get3A_243, %get3A_244] {strides = array<i32>} : memref<16x128xf32, #tpu.memory_space<vmem>>, vector<16xf32>,
        %mul3A_246 = arith.mulf %get3A_245, %gather3A_214 : vector<16xf32>
        %swap3A_247 = arith.index_cast %scan3A_205 : i32 to index
        %swap3A_248 = arith.constant 64 : index
        %swap3A_249 = tpu.vector_load %arg37[%swap3A_247, %swap3A_248] {strides = array<i32>} : memref<16x128xf32, #tpu.memory_space<vmem>>, vector<16xf32>,
        tpu.vector_store %arg37[%swap3A_247, %swap3A_248], %mul3A_246 {strides = array<i32>} : memref<16x128xf32, #tpu.memory_space<vmem>>, vector<16xf32>,
        %get3A_250 = arith.index_cast %scan3A_205 : i32 to index
        %get3A_251 = arith.constant 80 : index
        %get3A_252 = tpu.vector_load %arg37[%get3A_250, %get3A_251] {strides = array<i32>} : memref<16x128xf32, #tpu.memory_space<vmem>>, vector<16xf32>,
        %mul3A_253 = arith.mulf %get3A_252, %gather3A_214 : vector<16xf32>
        %swap3A_254 = arith.index_cast %scan3A_205 : i32 to index
        %swap3A_255 = arith.constant 80 : index
        %swap3A_256 = tpu.vector_load %arg37[%swap3A_254, %swap3A_255] {strides = array<i32>} : memref<16x128xf32, #tpu.memory_space<vmem>>, vector<16xf32>,
        tpu.vector_store %arg37[%swap3A_254, %swap3A_255], %mul3A_253 {strides = array<i32>} : memref<16x128xf32, #tpu.memory_space<vmem>>, vector<16xf32>,
        %get3A_257 = arith.index_cast %scan3A_205 : i32 to index
        %get3A_258 = arith.constant 96 : index
        %get3A_259 = tpu.vector_load %arg37[%get3A_257, %get3A_258] {strides = array<i32>} : memref<16x128xf32, #tpu.memory_space<vmem>>, vector<16xf32>,
        %mul3A_260 = arith.mulf %get3A_259, %gather3A_214 : vector<16xf32>
        %swap3A_261 = arith.index_cast %scan3A_205 : i32 to index
        %swap3A_262 = arith.constant 96 : index
        %swap3A_263 = tpu.vector_load %arg37[%swap3A_261, %swap3A_262] {strides = array<i32>} : memref<16x128xf32, #tpu.memory_space<vmem>>, vector<16xf32>,
        tpu.vector_store %arg37[%swap3A_261, %swap3A_262], %mul3A_260 {strides = array<i32>} : memref<16x128xf32, #tpu.memory_space<vmem>>, vector<16xf32>,
        %get3A_264 = arith.index_cast %scan3A_205 : i32 to index
        %get3A_265 = arith.constant 112 : index
        %get3A_266 = tpu.vector_load %arg37[%get3A_264, %get3A_265] {strides = array<i32>} : memref<16x128xf32, #tpu.memory_space<vmem>>, vector<16xf32>,
        %mul3A_267 = arith.mulf %get3A_266, %gather3A_214 : vector<16xf32>
        %swap3A_268 = arith.index_cast %scan3A_205 : i32 to index
        %swap3A_269 = arith.constant 112 : index
        %swap3A_270 = tpu.vector_load %arg37[%swap3A_268, %swap3A_269] {strides = array<i32>} : memref<16x128xf32, #tpu.memory_space<vmem>>, vector<16xf32>,
        tpu.vector_store %arg37[%swap3A_268, %swap3A_269], %mul3A_267 {strides = array<i32>} : memref<16x128xf32, #tpu.memory_space<vmem>>, vector<16xf32>,
      }
      %scan3A_201 = arith.constant 16 : i32
      %mul3A_202 = arith.constant 10000 : i32
      %mul3A_203 = arith.muli %arg0, %mul3A_202 : i32
      %add3A_204 = arith.addi %mul3A_203, %add3A_179 : i32
      "tpu.region"() ({
        %run_scoped3A = tpu.sem_alloc : memref<!tpu.dma_semaphore, #tpu.memory_space<semaphore_mem>>
        %dma_start3A_205 = arith.constant 0 : i32
        %dma_start3A_206 = tpu.memref_slice %arg11[%add3A_204, %dma_start3A_205] : memref<20000x128xf32, #tpu.memory_space<hbm>> -> memref<16x128xf32, #tpu.memory_space<hbm>>
        %dma_start3A_207 = arith.constant 0 : i32
        %dma_start3A_208 = tpu.memref_slice %arg11[%add3A_204, %dma_start3A_207] : memref<20000x128xf32, #tpu.memory_space<hbm>> -> memref<16x128xf32, #tpu.memory_space<hbm>>
        tpu.enqueue_dma source(%arg37 : memref<16x128xf32, #tpu.memory_space<vmem>>) target(%dma_start3A_208 : memref<16x128xf32, #tpu.memory_space<hbm>>) target_semaphore(%run_scoped3A : memref<!tpu.dma_semaphore, #tpu.memory_space<semaphore_mem>>)
        %dma_wait3A_209 = arith.constant 0 : i32
        %dma_wait3A_210 = tpu.memref_slice %arg11[%add3A_204, %dma_wait3A_209] : memref<20000x128xf32, #tpu.memory_space<hbm>> -> memref<16x128xf32, #tpu.memory_space<hbm>>
        %dma_wait3A_211 = arith.constant 0 : i32
        %dma_wait3A_212 = tpu.memref_slice %arg11[%add3A_204, %dma_wait3A_211] : memref<20000x128xf32, #tpu.memory_space<hbm>> -> memref<16x128xf32, #tpu.memory_space<hbm>>
        tpu.wait_dma2 semaphore(%run_scoped3A : memref<!tpu.dma_semaphore, #tpu.memory_space<semaphore_mem>>) src(%arg37 : memref<16x128xf32, #tpu.memory_space<vmem>>) dst(%dma_wait3A_212 : memref<16x128xf32, #tpu.memory_space<hbm>>)
        tpu.yield
      }) : () -> ()
    }
    %while3A_175 = arith.constant 1 : i32
    scf.for %while3A_176 = %while3A_173 to %while3A_169 step %while3A_175  : i32 {
      %mul3A_177 = arith.constant 16 : i32
      %mul3A_178 = arith.muli %while3A_176, %mul3A_177 : i32
      %add3A_179 = arith.addi %mul3A_35, %mul3A_178 : i32
      %mul3A_180 = arith.constant 128 : i32
      %mul3A_181 = arith.muli %multiple_of3A, %mul3A_180 : i32
      %sub3A_182 = arith.subi %add3A_179, %mul3A_181 : i32
      %shift_right_logical3A = arith.constant 7 : i32
      %shift_right_logical3A_183 = arith.shrui %sub3A_182, %shift_right_logical3A : i32
      %and3A_184 = arith.constant 127 : i32
      %and3A_185 = arith.andi %sub3A_182, %and3A_184 : i32
      %multiple_of3A_186 = tpu.assume_multiple %and3A_185, 16 : i32
      %get3A_187 = arith.index_cast %shift_right_logical3A_183 : i32 to index
      %get3A_188 = arith.index_cast %multiple_of3A_186 : i32 to index
      %get3A_189 = tpu.vector_load %arg36[%get3A_187, %get3A_188] {strides = array<i32>} : memref<16x128xf32, #tpu.memory_space<vmem>>, vector<16xf32>,
      %add3A_190 = arith.constant 1.000000e-16 : f32
      %add3A_191 = vector.broadcast %add3A_190 : f32 to vector<16xf32>
      %add3A_192 = arith.addf %get3A_189, %add3A_191 : vector<16xf32>
      %div3A_193 = arith.constant 1.000000e+00 : f32
      %div3A_194 = vector.broadcast %div3A_193 : f32 to vector<16xf32>
      %div3A_195 = arith.divf %div3A_194, %add3A_192 : vector<16xf32>
      "tpu.region"() ({
        %run_scoped3A = tpu.sem_alloc : memref<!tpu.dma_semaphore, #tpu.memory_space<semaphore_mem>>
        %dma_start3A_205 = arith.constant 0 : i32
        %dma_start3A_206 = tpu.memref_slice %arg38[%add3A_179, %dma_start3A_205] : memref<10000x128xf32, #tpu.memory_space<vmem_shared>> -> memref<16x128xf32, #tpu.memory_space<vmem_shared>>
        %dma_start3A_207 = arith.constant 0 : i32
        %dma_start3A_208 = tpu.memref_slice %arg38[%add3A_179, %dma_start3A_207] : memref<10000x128xf32, #tpu.memory_space<vmem_shared>> -> memref<16x128xf32, #tpu.memory_space<vmem_shared>>
        tpu.enqueue_dma source(%dma_start3A_208 : memref<16x128xf32, #tpu.memory_space<vmem_shared>>) target(%arg37 : memref<16x128xf32, #tpu.memory_space<vmem>>) target_semaphore(%run_scoped3A : memref<!tpu.dma_semaphore, #tpu.memory_space<semaphore_mem>>)
        %dma_wait3A_209 = arith.constant 0 : i32
        %dma_wait3A_210 = tpu.memref_slice %arg38[%add3A_179, %dma_wait3A_209] : memref<10000x128xf32, #tpu.memory_space<vmem_shared>> -> memref<16x128xf32, #tpu.memory_space<vmem_shared>>
        %dma_wait3A_211 = arith.constant 0 : i32
        %dma_wait3A_212 = tpu.memref_slice %arg38[%add3A_179, %dma_wait3A_211] : memref<10000x128xf32, #tpu.memory_space<vmem_shared>> -> memref<16x128xf32, #tpu.memory_space<vmem_shared>>
        tpu.wait_dma2 semaphore(%run_scoped3A : memref<!tpu.dma_semaphore, #tpu.memory_space<semaphore_mem>>) src(%dma_wait3A_212 : memref<16x128xf32, #tpu.memory_space<vmem_shared>>) dst(%arg37 : memref<16x128xf32, #tpu.memory_space<vmem>>)
        tpu.yield
      }) : () -> ()
      %scan3A_196 = arith.constant 0 : i32
      %scan3A_197 = arith.constant 0 : i32
      %scan3A_198 = arith.constant 16 : i32
      %scan3A_199 = arith.addi %scan3A_197, %scan3A_198 : i32
      %scan3A_200 = arith.constant 1 : i32
      scf.for %scan3A_205 = %scan3A_197 to %scan3A_199 step %scan3A_200  : i32 {
        %broadcast_in_dim3A = vector.broadcast %scan3A_205 : i32 to vector<16xi32>
        %lt3A_206 = arith.constant 0 : i32
        %lt3A_207 = vector.broadcast %lt3A_206 : i32 to vector<16xi32>
        %lt3A_208 = arith.cmpi slt, %broadcast_in_dim3A, %lt3A_207 : vector<16xi32>
        %add3A_209 = arith.constant 16 : i32
        %add3A_210 = vector.broadcast %add3A_209 : i32 to vector<16xi32>
        %add3A_211 = arith.addi %broadcast_in_dim3A, %add3A_210 : vector<16xi32>
        %select_n3A_212 = arith.select %lt3A_208, %add3A_211, %broadcast_in_dim3A : vector<16xi1>, vector<16xi32>
        %broadcast_in_dim3A_213 = vector.shape_cast %select_n3A_212 : vector<16xi32> to vector<16x1xi32>
        %gather3A = vector.shape_cast %broadcast_in_dim3A_213 : vector<16x1xi32> to vector<16xi32>
        %gather3A_214 = tpu.dynamic_gather %div3A_195[%gather3A] in [0] : vector<16xf32>, vector<16xi32> -> vector<16xf32>
        %get3A_215 = arith.index_cast %scan3A_205 : i32 to index
        %get3A_216 = arith.constant 0 : index
        %get3A_217 = tpu.vector_load %arg37[%get3A_215, %get3A_216] {strides = array<i32>} : memref<16x128xf32, #tpu.memory_space<vmem>>, vector<16xf32>,
        %mul3A_218 = arith.mulf %get3A_217, %gather3A_214 : vector<16xf32>
        %swap3A_219 = arith.index_cast %scan3A_205 : i32 to index
        %swap3A_220 = arith.constant 0 : index
        %swap3A_221 = tpu.vector_load %arg37[%swap3A_219, %swap3A_220] {strides = array<i32>} : memref<16x128xf32, #tpu.memory_space<vmem>>, vector<16xf32>,
        tpu.vector_store %arg37[%swap3A_219, %swap3A_220], %mul3A_218 {strides = array<i32>} : memref<16x128xf32, #tpu.memory_space<vmem>>, vector<16xf32>,
        %get3A_222 = arith.index_cast %scan3A_205 : i32 to index
        %get3A_223 = arith.constant 16 : index
        %get3A_224 = tpu.vector_load %arg37[%get3A_222, %get3A_223] {strides = array<i32>} : memref<16x128xf32, #tpu.memory_space<vmem>>, vector<16xf32>,
        %mul3A_225 = arith.mulf %get3A_224, %gather3A_214 : vector<16xf32>
        %swap3A_226 = arith.index_cast %scan3A_205 : i32 to index
        %swap3A_227 = arith.constant 16 : index
        %swap3A_228 = tpu.vector_load %arg37[%swap3A_226, %swap3A_227] {strides = array<i32>} : memref<16x128xf32, #tpu.memory_space<vmem>>, vector<16xf32>,
        tpu.vector_store %arg37[%swap3A_226, %swap3A_227], %mul3A_225 {strides = array<i32>} : memref<16x128xf32, #tpu.memory_space<vmem>>, vector<16xf32>,
        %get3A_229 = arith.index_cast %scan3A_205 : i32 to index
        %get3A_230 = arith.constant 32 : index
        %get3A_231 = tpu.vector_load %arg37[%get3A_229, %get3A_230] {strides = array<i32>} : memref<16x128xf32, #tpu.memory_space<vmem>>, vector<16xf32>,
        %mul3A_232 = arith.mulf %get3A_231, %gather3A_214 : vector<16xf32>
        %swap3A_233 = arith.index_cast %scan3A_205 : i32 to index
        %swap3A_234 = arith.constant 32 : index
        %swap3A_235 = tpu.vector_load %arg37[%swap3A_233, %swap3A_234] {strides = array<i32>} : memref<16x128xf32, #tpu.memory_space<vmem>>, vector<16xf32>,
        tpu.vector_store %arg37[%swap3A_233, %swap3A_234], %mul3A_232 {strides = array<i32>} : memref<16x128xf32, #tpu.memory_space<vmem>>, vector<16xf32>,
        %get3A_236 = arith.index_cast %scan3A_205 : i32 to index
        %get3A_237 = arith.constant 48 : index
        %get3A_238 = tpu.vector_load %arg37[%get3A_236, %get3A_237] {strides = array<i32>} : memref<16x128xf32, #tpu.memory_space<vmem>>, vector<16xf32>,
        %mul3A_239 = arith.mulf %get3A_238, %gather3A_214 : vector<16xf32>
        %swap3A_240 = arith.index_cast %scan3A_205 : i32 to index
        %swap3A_241 = arith.constant 48 : index
        %swap3A_242 = tpu.vector_load %arg37[%swap3A_240, %swap3A_241] {strides = array<i32>} : memref<16x128xf32, #tpu.memory_space<vmem>>, vector<16xf32>,
        tpu.vector_store %arg37[%swap3A_240, %swap3A_241], %mul3A_239 {strides = array<i32>} : memref<16x128xf32, #tpu.memory_space<vmem>>, vector<16xf32>,
        %get3A_243 = arith.index_cast %scan3A_205 : i32 to index
        %get3A_244 = arith.constant 64 : index
        %get3A_245 = tpu.vector_load %arg37[%get3A_243, %get3A_244] {strides = array<i32>} : memref<16x128xf32, #tpu.memory_space<vmem>>, vector<16xf32>,
        %mul3A_246 = arith.mulf %get3A_245, %gather3A_214 : vector<16xf32>
        %swap3A_247 = arith.index_cast %scan3A_205 : i32 to index
        %swap3A_248 = arith.constant 64 : index
        %swap3A_249 = tpu.vector_load %arg37[%swap3A_247, %swap3A_248] {strides = array<i32>} : memref<16x128xf32, #tpu.memory_space<vmem>>, vector<16xf32>,
        tpu.vector_store %arg37[%swap3A_247, %swap3A_248], %mul3A_246 {strides = array<i32>} : memref<16x128xf32, #tpu.memory_space<vmem>>, vector<16xf32>,
        %get3A_250 = arith.index_cast %scan3A_205 : i32 to index
        %get3A_251 = arith.constant 80 : index
        %get3A_252 = tpu.vector_load %arg37[%get3A_250, %get3A_251] {strides = array<i32>} : memref<16x128xf32, #tpu.memory_space<vmem>>, vector<16xf32>,
        %mul3A_253 = arith.mulf %get3A_252, %gather3A_214 : vector<16xf32>
        %swap3A_254 = arith.index_cast %scan3A_205 : i32 to index
        %swap3A_255 = arith.constant 80 : index
        %swap3A_256 = tpu.vector_load %arg37[%swap3A_254, %swap3A_255] {strides = array<i32>} : memref<16x128xf32, #tpu.memory_space<vmem>>, vector<16xf32>,
        tpu.vector_store %arg37[%swap3A_254, %swap3A_255], %mul3A_253 {strides = array<i32>} : memref<16x128xf32, #tpu.memory_space<vmem>>, vector<16xf32>,
        %get3A_257 = arith.index_cast %scan3A_205 : i32 to index
        %get3A_258 = arith.constant 96 : index
        %get3A_259 = tpu.vector_load %arg37[%get3A_257, %get3A_258] {strides = array<i32>} : memref<16x128xf32, #tpu.memory_space<vmem>>, vector<16xf32>,
        %mul3A_260 = arith.mulf %get3A_259, %gather3A_214 : vector<16xf32>
        %swap3A_261 = arith.index_cast %scan3A_205 : i32 to index
        %swap3A_262 = arith.constant 96 : index
        %swap3A_263 = tpu.vector_load %arg37[%swap3A_261, %swap3A_262] {strides = array<i32>} : memref<16x128xf32, #tpu.memory_space<vmem>>, vector<16xf32>,
        tpu.vector_store %arg37[%swap3A_261, %swap3A_262], %mul3A_260 {strides = array<i32>} : memref<16x128xf32, #tpu.memory_space<vmem>>, vector<16xf32>,
        %get3A_264 = arith.index_cast %scan3A_205 : i32 to index
        %get3A_265 = arith.constant 112 : index
        %get3A_266 = tpu.vector_load %arg37[%get3A_264, %get3A_265] {strides = array<i32>} : memref<16x128xf32, #tpu.memory_space<vmem>>, vector<16xf32>,
        %mul3A_267 = arith.mulf %get3A_266, %gather3A_214 : vector<16xf32>
        %swap3A_268 = arith.index_cast %scan3A_205 : i32 to index
        %swap3A_269 = arith.constant 112 : index
        %swap3A_270 = tpu.vector_load %arg37[%swap3A_268, %swap3A_269] {strides = array<i32>} : memref<16x128xf32, #tpu.memory_space<vmem>>, vector<16xf32>,
        tpu.vector_store %arg37[%swap3A_268, %swap3A_269], %mul3A_267 {strides = array<i32>} : memref<16x128xf32, #tpu.memory_space<vmem>>, vector<16xf32>,
      }
      %scan3A_201 = arith.constant 16 : i32
      %mul3A_202 = arith.constant 10000 : i32
      %mul3A_203 = arith.muli %arg0, %mul3A_202 : i32
      %add3A_204 = arith.addi %mul3A_203, %add3A_179 : i32
      "tpu.region"() ({
        %run_scoped3A = tpu.sem_alloc : memref<!tpu.dma_semaphore, #tpu.memory_space<semaphore_mem>>
        %dma_start3A_205 = arith.constant 0 : i32
        %dma_start3A_206 = tpu.memref_slice %arg11[%add3A_204, %dma_start3A_205] : memref<20000x128xf32, #tpu.memory_space<hbm>> -> memref<16x128xf32, #tpu.memory_space<hbm>>
        %dma_start3A_207 = arith.constant 0 : i32
        %dma_start3A_208 = tpu.memref_slice %arg11[%add3A_204, %dma_start3A_207] : memref<20000x128xf32, #tpu.memory_space<hbm>> -> memref<16x128xf32, #tpu.memory_space<hbm>>
        tpu.enqueue_dma source(%arg37 : memref<16x128xf32, #tpu.memory_space<vmem>>) target(%dma_start3A_208 : memref<16x128xf32, #tpu.memory_space<hbm>>) target_semaphore(%run_scoped3A : memref<!tpu.dma_semaphore, #tpu.memory_space<semaphore_mem>>)
        %dma_wait3A_209 = arith.constant 0 : i32
        %dma_wait3A_210 = tpu.memref_slice %arg11[%add3A_204, %dma_wait3A_209] : memref<20000x128xf32, #tpu.memory_space<hbm>> -> memref<16x128xf32, #tpu.memory_space<hbm>>
        %dma_wait3A_211 = arith.constant 0 : i32
        %dma_wait3A_212 = tpu.memref_slice %arg11[%add3A_204, %dma_wait3A_211] : memref<20000x128xf32, #tpu.memory_space<hbm>> -> memref<16x128xf32, #tpu.memory_space<hbm>>
        tpu.wait_dma2 semaphore(%run_scoped3A : memref<!tpu.dma_semaphore, #tpu.memory_space<semaphore_mem>>) src(%arg37 : memref<16x128xf32, #tpu.memory_space<vmem>>) dst(%dma_wait3A_212 : memref<16x128xf32, #tpu.memory_space<hbm>>)
        tpu.yield
      }) : () -> ()
    }
    return
  }
}

module attributes {stable_mosaic.version = 14 : i64} {
  func.func @_final_body(%arg0: i32, %arg1: memref<2x1000x128xf32, #tpu.memory_space<vmem>>, %arg2: memref<1000x256xf32, #tpu.memory_space<vmem>>, %arg3: memref<256x128xf32, #tpu.memory_space<vmem>>, %arg4: memref<1x128xf32, #tpu.memory_space<vmem>>, %arg5: memref<1000x128xf32, #tpu.memory_space<vmem>>) attributes {dimension_semantics = [#tpu.dimension_semantics<arbitrary>], iteration_bounds = array<i64: 10>, scalar_prefetch = 0 : i64, scratch_operands = 0 : i64, tpu.core_type = #tpu.core_type<tc>, window_params = [{transform_indices = @transform_0, window_bounds = array<i64: 2, 1000, 128>}, {transform_indices = @transform_1, window_bounds = array<i64: 1000, 256>}, {pipeline_mode = #tpu.pipeline_mode<synchronous>, transform_indices = @transform_2, window_bounds = array<i64: 256, 128>}, {pipeline_mode = #tpu.pipeline_mode<synchronous>, transform_indices = @transform_3, window_bounds = array<i64: 1, 128>}, {transform_indices = @transform_4, window_bounds = array<i64: 1000, 128>}]} {
    %get3A = arith.constant 0 : index
    %get3A_0 = arith.constant 0 : index
    %get3A_1 = arith.constant 0 : index
    %get3A_2 = vector.load %arg1[%get3A, %get3A_0, %get3A_1] : memref<2x1000x128xf32, #tpu.memory_space<vmem>>, vector<1x1000x128xf32>
    %get3A_3 = vector.shape_cast %get3A_2 : vector<1x1000x128xf32> to vector<1000x128xf32>
    %get3A_4 = arith.constant 1 : index
    %get3A_5 = arith.constant 0 : index
    %get3A_6 = arith.constant 0 : index
    %get3A_7 = vector.load %arg1[%get3A_4, %get3A_5, %get3A_6] : memref<2x1000x128xf32, #tpu.memory_space<vmem>>, vector<1x1000x128xf32>
    %get3A_8 = vector.shape_cast %get3A_7 : vector<1x1000x128xf32> to vector<1000x128xf32>
    %concatenate3A = tpu.concatenate %get3A_3, %get3A_8 in 1 : vector<1000x128xf32>, vector<1000x128xf32> -> vector<1000x256xf32>
    %get3A_9 = arith.constant 0 : index
    %get3A_10 = arith.constant 0 : index
    %get3A_11 = vector.load %arg2[%get3A_9, %get3A_10] : memref<1000x256xf32, #tpu.memory_space<vmem>>, vector<1000x256xf32>
    %add3A = arith.addf %concatenate3A, %get3A_11 : vector<1000x256xf32>
    %max3A = arith.constant 0.000000e+00 : f32
    %max3A_12 = vector.broadcast %max3A : f32 to vector<1000x256xf32>
    %max3A_13 = arith.maximumf %add3A, %max3A_12 : vector<1000x256xf32>
    %get3A_14 = arith.constant 0 : index
    %get3A_15 = arith.constant 0 : index
    %get3A_16 = vector.load %arg3[%get3A_14, %get3A_15] : memref<256x128xf32, #tpu.memory_space<vmem>>, vector<256x128xf32>
    %dot_general3A = arith.constant dense<0.000000e+00> : vector<1000x128xf32>
    %dot_general3A_17 = tpu.matmul %max3A_13, %get3A_16, %dot_general3A {dimension_numbers = #tpu.dot_dimension_numbers<[1], [0], [0], [1], [0, 0, 1, 1], [], []>, transpose_lhs_hint = false} : vector<1000x256xf32>, vector<256x128xf32>, vector<1000x128xf32> -> vector<1000x128xf32>
    %get3A_18 = arith.constant 0 : index
    %get3A_19 = arith.constant 0 : index
    %get3A_20 = vector.load %arg4[%get3A_18, %get3A_19] : memref<1x128xf32, #tpu.memory_space<vmem>>, vector<1x128xf32>
    %add3A_21 = vector.broadcast %get3A_20 : vector<1x128xf32> to vector<1000x128xf32>
    %add3A_22 = arith.addf %dot_general3A_17, %add3A_21 : vector<1000x128xf32>
    %max3A_23 = arith.constant 0.000000e+00 : f32
    %max3A_24 = vector.broadcast %max3A_23 : f32 to vector<1000x128xf32>
    %max3A_25 = arith.maximumf %add3A_22, %max3A_24 : vector<1000x128xf32>
    %swap3A = arith.constant 0 : index
    %swap3A_26 = arith.constant 0 : index
    %swap3A_27 = vector.load %arg5[%swap3A, %swap3A_26] : memref<1000x128xf32, #tpu.memory_space<vmem>>, vector<1000x128xf32>
    tpu.vector_store %arg5[%swap3A, %swap3A_26], %max3A_25 {strides = array<i32>} : memref<1000x128xf32, #tpu.memory_space<vmem>>, vector<1000x128xf32>,
    return
  }
  func.func @transform_0(%arg0: i32) -> (i32, i32, i32) {
    %c0_i32 = arith.constant 0 : i32
    %c0_i32_0 = arith.constant 0 : i32
    %c0_i32_1 = arith.constant 0 : i32
    return %c0_i32, %arg0, %c0_i32_0 : i32, i32, i32
  }
  func.func @transform_1(%arg0: i32) -> (i32, i32) {
    %c0_i32 = arith.constant 0 : i32
    %c0_i32_0 = arith.constant 0 : i32
    return %arg0, %c0_i32 : i32, i32
  }
  func.func @transform_2(%arg0: i32) -> (i32, i32) {
    %c0_i32 = arith.constant 0 : i32
    %c0_i32_0 = arith.constant 0 : i32
    %c0_i32_1 = arith.constant 0 : i32
    return %c0_i32, %c0_i32_0 : i32, i32
  }
  func.func @transform_3(%arg0: i32) -> (i32, i32) {
    %c0_i32 = arith.constant 0 : i32
    %c0_i32_0 = arith.constant 0 : i32
    %c0_i32_1 = arith.constant 0 : i32
    return %c0_i32, %c0_i32_0 : i32, i32
  }
  func.func @transform_4(%arg0: i32) -> (i32, i32) {
    %c0_i32 = arith.constant 0 : i32
    %c0_i32_0 = arith.constant 0 : i32
    return %arg0, %c0_i32 : i32, i32
  }
}

module attributes {stable_mosaic.version = 14 : i64} {
  func.func @_table_body(%arg0: i32, %arg1: i32, %arg2: memref<2000x128xf32, #tpu.memory_space<vmem>>, %arg3: memref<128x128xf32, #tpu.memory_space<vmem>>, %arg4: memref<1x128xf32, #tpu.memory_space<vmem>>, %arg5: memref<128x128xf32, #tpu.memory_space<vmem>>, %arg6: memref<1x128xf32, #tpu.memory_space<vmem>>, %arg7: memref<128x128xf32, #tpu.memory_space<vmem>>, %arg8: memref<1x128xf32, #tpu.memory_space<vmem>>, %arg9: memref<128x128xf32, #tpu.memory_space<vmem>>, %arg10: memref<128x256xf32, #tpu.memory_space<vmem>>, %arg11: memref<1x256xf32, #tpu.memory_space<vmem>>, %arg12: memref<1x2000x128xf32, #tpu.memory_space<vmem>>, %arg13: memref<1x2000x256xf32, #tpu.memory_space<vmem>>, %arg14: memref<1x2000x128xf32, #tpu.memory_space<vmem>>, %arg15: memref<2000x256xf32, #tpu.memory_space<vmem>>) attributes {dimension_semantics = [#tpu.dimension_semantics<arbitrary>, #tpu.dimension_semantics<arbitrary>], iteration_bounds = array<i64: 5, 2>, scalar_prefetch = 0 : i64, scratch_operands = 0 : i64, tpu.core_type = #tpu.core_type<tc>, window_params = [{transform_indices = @transform_0, window_bounds = array<i64: 2000, 128>}, {transform_indices = @transform_1, window_bounds = array<i64: 128, 128>}, {transform_indices = @transform_2, window_bounds = array<i64: 1, 128>}, {transform_indices = @transform_3, window_bounds = array<i64: 128, 128>}, {transform_indices = @transform_4, window_bounds = array<i64: 1, 128>}, {transform_indices = @transform_5, window_bounds = array<i64: 128, 128>}, {transform_indices = @transform_6, window_bounds = array<i64: 1, 128>}, {transform_indices = @transform_7, window_bounds = array<i64: 128, 128>}, {pipeline_mode = #tpu.pipeline_mode<synchronous>, transform_indices = @transform_8, window_bounds = array<i64: 128, 256>}, {pipeline_mode = #tpu.pipeline_mode<synchronous>, transform_indices = @transform_9, window_bounds = array<i64: 1, 256>}, {transform_indices = @transform_10, window_bounds = array<i64: 1, 2000, 128>}, {transform_indices = @transform_11, window_bounds = array<i64: 1, 2000, 256>}, {transform_indices = @transform_12, window_bounds = array<i64: 1, 2000, 128>}, {transform_indices = @transform_13, window_bounds = array<i64: 2000, 256>}]} {
    %get3A = arith.constant 0 : index
    %get3A_0 = arith.constant 0 : index
    %get3A_1 = vector.load %arg2[%get3A, %get3A_0] : memref<2000x128xf32, #tpu.memory_space<vmem>>, vector<2000x128xf32>
    %get3A_2 = arith.constant 0 : index
    %get3A_3 = arith.constant 0 : index
    %get3A_4 = vector.load %arg3[%get3A_2, %get3A_3] : memref<128x128xf32, #tpu.memory_space<vmem>>, vector<128x128xf32>
    %dot_general3A = arith.constant dense<0.000000e+00> : vector<2000x128xf32>
    %dot_general3A_5 = tpu.matmul %get3A_1, %get3A_4, %dot_general3A {dimension_numbers = #tpu.dot_dimension_numbers<[1], [0], [0], [1], [0, 0, 1, 1], [], []>, transpose_lhs_hint = false} : vector<2000x128xf32>, vector<128x128xf32>, vector<2000x128xf32> -> vector<2000x128xf32>
    %get3A_6 = arith.constant 0 : index
    %get3A_7 = arith.constant 0 : index
    %get3A_8 = vector.load %arg4[%get3A_6, %get3A_7] : memref<1x128xf32, #tpu.memory_space<vmem>>, vector<1x128xf32>
    %add3A = vector.broadcast %get3A_8 : vector<1x128xf32> to vector<2000x128xf32>
    %add3A_9 = arith.addf %dot_general3A_5, %add3A : vector<2000x128xf32>
    %swap3A = arith.constant 0 : index
    %swap3A_10 = arith.constant 0 : index
    %swap3A_11 = arith.constant 0 : index
    %swap3A_12 = vector.load %arg12[%swap3A, %swap3A_10, %swap3A_11] : memref<1x2000x128xf32, #tpu.memory_space<vmem>>, vector<1x2000x128xf32>
    %swap3A_13 = vector.shape_cast %swap3A_12 : vector<1x2000x128xf32> to vector<2000x128xf32>
    %swap3A_14 = vector.shape_cast %add3A_9 : vector<2000x128xf32> to vector<1x2000x128xf32>
    tpu.vector_store %arg12[%swap3A, %swap3A_10, %swap3A_11], %swap3A_14 {strides = array<i32>} : memref<1x2000x128xf32, #tpu.memory_space<vmem>>, vector<1x2000x128xf32>,
    %get3A_15 = arith.constant 0 : index
    %get3A_16 = arith.constant 0 : index
    %get3A_17 = vector.load %arg5[%get3A_15, %get3A_16] : memref<128x128xf32, #tpu.memory_space<vmem>>, vector<128x128xf32>
    %dot_general3A_18 = arith.constant dense<0.000000e+00> : vector<2000x128xf32>
    %dot_general3A_19 = tpu.matmul %get3A_1, %get3A_17, %dot_general3A_18 {dimension_numbers = #tpu.dot_dimension_numbers<[1], [0], [0], [1], [0, 0, 1, 1], [], []>, transpose_lhs_hint = false} : vector<2000x128xf32>, vector<128x128xf32>, vector<2000x128xf32> -> vector<2000x128xf32>
    %get3A_20 = arith.constant 0 : index
    %get3A_21 = arith.constant 0 : index
    %get3A_22 = vector.load %arg6[%get3A_20, %get3A_21] : memref<1x128xf32, #tpu.memory_space<vmem>>, vector<1x128xf32>
    %add3A_23 = vector.broadcast %get3A_22 : vector<1x128xf32> to vector<2000x128xf32>
    %add3A_24 = arith.addf %dot_general3A_19, %add3A_23 : vector<2000x128xf32>
    %get3A_25 = arith.constant 0 : index
    %get3A_26 = arith.constant 0 : index
    %get3A_27 = vector.load %arg7[%get3A_25, %get3A_26] : memref<128x128xf32, #tpu.memory_space<vmem>>, vector<128x128xf32>
    %dot_general3A_28 = arith.constant dense<0.000000e+00> : vector<2000x128xf32>
    %dot_general3A_29 = tpu.matmul %get3A_1, %get3A_27, %dot_general3A_28 {dimension_numbers = #tpu.dot_dimension_numbers<[1], [0], [0], [1], [0, 0, 1, 1], [], []>, transpose_lhs_hint = false} : vector<2000x128xf32>, vector<128x128xf32>, vector<2000x128xf32> -> vector<2000x128xf32>
    %get3A_30 = arith.constant 0 : index
    %get3A_31 = arith.constant 0 : index
    %get3A_32 = vector.load %arg8[%get3A_30, %get3A_31] : memref<1x128xf32, #tpu.memory_space<vmem>>, vector<1x128xf32>
    %add3A_33 = vector.broadcast %get3A_32 : vector<1x128xf32> to vector<2000x128xf32>
    %add3A_34 = arith.addf %dot_general3A_29, %add3A_33 : vector<2000x128xf32>
    %concatenate3A = tpu.concatenate %add3A_24, %add3A_34 in 1 : vector<2000x128xf32>, vector<2000x128xf32> -> vector<2000x256xf32>
    %swap3A_35 = arith.constant 0 : index
    %swap3A_36 = arith.constant 0 : index
    %swap3A_37 = arith.constant 0 : index
    %swap3A_38 = vector.load %arg13[%swap3A_35, %swap3A_36, %swap3A_37] : memref<1x2000x256xf32, #tpu.memory_space<vmem>>, vector<1x2000x256xf32>
    %swap3A_39 = vector.shape_cast %swap3A_38 : vector<1x2000x256xf32> to vector<2000x256xf32>
    %swap3A_40 = vector.shape_cast %concatenate3A : vector<2000x256xf32> to vector<1x2000x256xf32>
    tpu.vector_store %arg13[%swap3A_35, %swap3A_36, %swap3A_37], %swap3A_40 {strides = array<i32>} : memref<1x2000x256xf32, #tpu.memory_space<vmem>>, vector<1x2000x256xf32>,
    %get3A_41 = arith.constant 0 : index
    %get3A_42 = arith.constant 0 : index
    %get3A_43 = vector.load %arg9[%get3A_41, %get3A_42] : memref<128x128xf32, #tpu.memory_space<vmem>>, vector<128x128xf32>
    %dot_general3A_44 = arith.constant dense<0.000000e+00> : vector<2000x128xf32>
    %dot_general3A_45 = tpu.matmul %get3A_1, %get3A_43, %dot_general3A_44 {dimension_numbers = #tpu.dot_dimension_numbers<[1], [0], [0], [1], [0, 0, 1, 1], [], []>, transpose_lhs_hint = false} : vector<2000x128xf32>, vector<128x128xf32>, vector<2000x128xf32> -> vector<2000x128xf32>
    %swap3A_46 = arith.constant 0 : index
    %swap3A_47 = arith.constant 0 : index
    %swap3A_48 = arith.constant 0 : index
    %swap3A_49 = vector.load %arg14[%swap3A_46, %swap3A_47, %swap3A_48] : memref<1x2000x128xf32, #tpu.memory_space<vmem>>, vector<1x2000x128xf32>
    %swap3A_50 = vector.shape_cast %swap3A_49 : vector<1x2000x128xf32> to vector<2000x128xf32>
    %swap3A_51 = vector.shape_cast %dot_general3A_45 : vector<2000x128xf32> to vector<1x2000x128xf32>
    tpu.vector_store %arg14[%swap3A_46, %swap3A_47, %swap3A_48], %swap3A_51 {strides = array<i32>} : memref<1x2000x128xf32, #tpu.memory_space<vmem>>, vector<1x2000x128xf32>,
    %get3A_52 = arith.constant 0 : index
    %get3A_53 = arith.constant 0 : index
    %get3A_54 = vector.load %arg10[%get3A_52, %get3A_53] : memref<128x256xf32, #tpu.memory_space<vmem>>, vector<128x256xf32>
    %dot_general3A_55 = arith.constant dense<0.000000e+00> : vector<2000x256xf32>
    %dot_general3A_56 = tpu.matmul %get3A_1, %get3A_54, %dot_general3A_55 {dimension_numbers = #tpu.dot_dimension_numbers<[1], [0], [0], [1], [0, 0, 1, 1], [], []>, transpose_lhs_hint = false} : vector<2000x128xf32>, vector<128x256xf32>, vector<2000x256xf32> -> vector<2000x256xf32>
    %get3A_57 = arith.constant 0 : index
    %get3A_58 = arith.constant 0 : index
    %get3A_59 = vector.load %arg11[%get3A_57, %get3A_58] : memref<1x256xf32, #tpu.memory_space<vmem>>, vector<1x256xf32>
    %add3A_60 = vector.broadcast %get3A_59 : vector<1x256xf32> to vector<2000x256xf32>
    %add3A_61 = arith.addf %dot_general3A_56, %add3A_60 : vector<2000x256xf32>
    %swap3A_62 = arith.constant 0 : index
    %swap3A_63 = arith.constant 0 : index
    %swap3A_64 = vector.load %arg15[%swap3A_62, %swap3A_63] : memref<2000x256xf32, #tpu.memory_space<vmem>>, vector<2000x256xf32>
    tpu.vector_store %arg15[%swap3A_62, %swap3A_63], %add3A_61 {strides = array<i32>} : memref<2000x256xf32, #tpu.memory_space<vmem>>, vector<2000x256xf32>,
    return
  }
  func.func @transform_0(%arg0: i32, %arg1: i32) -> (i32, i32) {
    %c0_i32 = arith.constant 0 : i32
    %c0_i32_0 = arith.constant 0 : i32
    return %arg0, %c0_i32 : i32, i32
  }
  func.func @transform_1(%arg0: i32, %arg1: i32) -> (i32, i32) {
    %c0_i32 = arith.constant 0 : i32
    %c0_i32_0 = arith.constant 0 : i32
    return %c0_i32, %arg1 : i32, i32
  }
  func.func @transform_2(%arg0: i32, %arg1: i32) -> (i32, i32) {
    %c0_i32 = arith.constant 0 : i32
    %c0_i32_0 = arith.constant 0 : i32
    return %c0_i32, %arg1 : i32, i32
  }
  func.func @transform_3(%arg0: i32, %arg1: i32) -> (i32, i32) {
    %c0_i32 = arith.constant 0 : i32
    %c0_i32_0 = arith.constant 0 : i32
    return %c0_i32, %arg1 : i32, i32
  }
  func.func @transform_4(%arg0: i32, %arg1: i32) -> (i32, i32) {
    %c0_i32 = arith.constant 0 : i32
    %c0_i32_0 = arith.constant 0 : i32
    return %c0_i32, %arg1 : i32, i32
  }
  func.func @transform_5(%arg0: i32, %arg1: i32) -> (i32, i32) {
    %c0_i32 = arith.constant 0 : i32
    %c0_i32_0 = arith.constant 0 : i32
    return %c0_i32, %arg1 : i32, i32
  }
  func.func @transform_6(%arg0: i32, %arg1: i32) -> (i32, i32) {
    %c0_i32 = arith.constant 0 : i32
    %c0_i32_0 = arith.constant 0 : i32
    return %c0_i32, %arg1 : i32, i32
  }
  func.func @transform_7(%arg0: i32, %arg1: i32) -> (i32, i32) {
    %c0_i32 = arith.constant 0 : i32
    %c0_i32_0 = arith.constant 0 : i32
    return %c0_i32, %arg1 : i32, i32
  }
  func.func @transform_8(%arg0: i32, %arg1: i32) -> (i32, i32) {
    %c0_i32 = arith.constant 0 : i32
    %c0_i32_0 = arith.constant 0 : i32
    %c0_i32_1 = arith.constant 0 : i32
    return %c0_i32, %c0_i32_0 : i32, i32
  }
  func.func @transform_9(%arg0: i32, %arg1: i32) -> (i32, i32) {
    %c0_i32 = arith.constant 0 : i32
    %c0_i32_0 = arith.constant 0 : i32
    %c0_i32_1 = arith.constant 0 : i32
    return %c0_i32, %c0_i32_0 : i32, i32
  }
  func.func @transform_10(%arg0: i32, %arg1: i32) -> (i32, i32, i32) {
    %c0_i32 = arith.constant 0 : i32
    %c0_i32_0 = arith.constant 0 : i32
    return %arg1, %arg0, %c0_i32 : i32, i32, i32
  }
  func.func @transform_11(%arg0: i32, %arg1: i32) -> (i32, i32, i32) {
    %c0_i32 = arith.constant 0 : i32
    %c0_i32_0 = arith.constant 0 : i32
    return %arg1, %arg0, %c0_i32 : i32, i32, i32
  }
  func.func @transform_12(%arg0: i32, %arg1: i32) -> (i32, i32, i32) {
    %c0_i32 = arith.constant 0 : i32
    %c0_i32_0 = arith.constant 0 : i32
    return %arg1, %arg0, %c0_i32 : i32, i32, i32
  }
  func.func @transform_13(%arg0: i32, %arg1: i32) -> (i32, i32) {
    %c0_i32 = arith.constant 0 : i32
    %c0_i32_0 = arith.constant 0 : i32
    return %arg0, %c0_i32 : i32, i32
  }
}

</mosaic_0001>

<sc_bundles>
// kernel: kernel.5.cloned.1.call-start
scs
__scs_entry_jumppad:
0x0: {  	(pc) =	sbr.rel $0x88, $3  }
0x1: {  	(tag) =	ssettag $0x0;
	lr =	simm.s32 $0x1  }
0x2: {  	[smem:$0x3F92] =	sst lr;
	_ =	strace $0xD0000000  }
0x3: {  	_ = 	snop  }
0x4: {  	_ = 	snop  }
0x5: {  	_ = 	snop  }
0x6: {  	_ = 	snop  }
0x7: {  	_ = 	snop  }
__scs_overlays_trampoline_lowered:
0x8: {  	[smem:$0x3FA1] =	sst s0  }
0x9: {  	[smem:$0x3FA2] =	sst s1  }
0xa: {  	[smem:$0x3FA3] =	sst s2  }
0xb: {  	[smem:$0x3FA4] =	sst s3  }
0xc: {  	[smem:$0x3FA5] =	sst s4  }
0xd: {  	[smem:$0x3FA6] =	sst s5  }
0xe: {  	[smem:$0x3FA7] =	sst s6  }
0xf: {  	[smem:$0x3FA8] =	sst s7  }
0x10: {  	[smem:$0x3FA9] =	sst s8  }
0x11: {  	[smem:$0x3FAA] =	sst s9;
	s0 =	simm.s32 @!p0 $0x0  }
0x12: {  	s1 =	sld [smem:$0x3F90];
	s0 =	simm.s32 @p0 $0x1  }
0x13: {  	[smem:$0x3FAB] =	sst s0;
	s0 =	simm.s32 @!p1 $0x0  }
0x14: {  	s2 =	sld [smem:$0x3F8F];
	s0 =	simm.s32 @p1 $0x1  }
0x15: {  	[smem:$0x3FAC] =	sst s0;
	s0 =	simm.s32 @!p2 $0x0  }
0x16: {  	s3 =	sld [smem:$0x3FDB];
	s0 =	simm.s32 @p2 $0x1  }
0x17: {  	s4 =	simm.s32 $0x1BF5;
	[smem:$0x3FAE] =	sst s0  }
0x18: {  	s0 =	sld [smem:$0x3F91];
	_ =	swait.ge [sflag:s4], $0x0  }
0x19: {  	s7 =	sld [smem:$0x3F92]  }
0x1a: {  	s8 =	sadd.s32 $0xFFFFE003, lr  }
0x1b: {  	s9 =	sadd.s32 $0xFFFFFEF7, lr;
	s5 =	simm.s32 $0xFFFFFFFF;
	p2 =	slt.u32 s8, $0xFFFFF086  }
0x1c: {  	p1 =	slt.u32 s9, $0xF7A;
	s5 =	simm.s32 @!p2 $0x0  }
0x1d: {  	s5 =	simm.s32 @p1 $0x1;
	p0 =	seq.s32 s7, s2  }
0x1e: {  	s7 =	smul.u32 @!p0 $0xF7A, s2;
	p2 =	seq.s32 @!p0 s5, $0x0  }
0x1f: {  	s9 =	smul.u32 $0xF7A, s1;
	s8 =	simm.s32 @!p0 $0x1BF5;
	p2 =	por !p2, p0  }
0x20: {  	[sflag:s8] =	ssyncset.s32 @!p0 $0xFFFFF086;
	s6 =	sadd.s32 @!p0 s3, s7;
	s7 =	simm.s32 @!p0 $0x108  }
0x21: {  	s3 =	sadd.s32 s3, s9;
	s6 =	sadd.s32 @!p0 $0x88, s6;
	s7 =	simm.s32 @p2 $0x1082  }
0x22: {  	[simem:s7], [sflag:s8] =	dma.local @!p0 [hbm:s6], $0xF7A  }
0x23: {  	s9 =	sor.u32 $0xD0000000, s2;
	s6 =	simm.s32 $0x108;
	_ =	swait.ge @!p0 [sflag:s8], $0x0  }
0x24: {  	s3 =	sadd.s32 $0x88, s3;
	s6 =	simm.s32 @!p1 $0x1082;
	[sflag:s4] =	ssyncset.s32 $0xFFFFF086  }
0x25: {  	[simem:s6], [sflag:s4] =	dma.local [hbm:s3], $0xF7A  }
0x26: {  	[smem:$0x3F92] =	sst s1;
	(tag) =	ssettag s2;
	_ =	strace s9  }
0x27: {  	s1 =	sld [smem:$0x3FA2]  }
0x28: {  	s2 =	sld [smem:$0x3FA3]  }
0x29: {  	s4 =	sld [smem:$0x3FA5]  }
0x2a: {  	p0 =	seq.s32 s5, $0x0;
	s5 =	sld [smem:$0x3FA6]  }
0x2b: {  	s6 =	sld [smem:$0x3FA7]  }
0x2c: {  	s7 =	sld [smem:$0x3FA8]  }
0x2d: {  	s3 =	simm.s32 $0x108;
	s8 =	sld [smem:$0x3FA9]  }
0x2e: {  	s3 =	simm.s32 @!p0 $0x1082;
	s9 =	sld [smem:$0x3FAA]  }
0x2f: {  	lr =	sadd.s32 s0, s3;
	s0 =	sld [smem:$0x3FA1]  }
0x30: {  	s3 =	sld [smem:$0x3FA4]  }
0x31: {  	[smem:$0x3FAD] =	sst s10  }
0x32: {  	s10 =	sld [smem:$0x3FAB];
	_ =	sdelay $0x3  }
0x33: {  	p0 =	seq.s32 s10, $0x1;
	s10 =	sld [smem:$0x3FAD];
	_ =	sdelay $0x3  }
0x34: {  	[smem:$0x3FAD] =	sst s10  }
0x35: {  	s10 =	sld [smem:$0x3FAC];
	_ =	sdelay $0x3  }
0x36: {  	p1 =	seq.s32 s10, $0x1;
	s10 =	sld [smem:$0x3FAD];
	_ =	sdelay $0x3  }
0x37: {  	[smem:$0x3FAD] =	sst s10  }
0x38: {  	s10 =	sld [smem:$0x3FAE]  }
0x39: {  	_ = 	snop;
	(pc) =	sbr.ind lr, $3  }
0x3a: {  	_ = 	snop  }
0x3b: {  	_ = 	snop  }
0x3c: {  	p2 =	seq.s32 s10, $0x1;
	s10 =	sld [smem:$0x3FAD]  }
0x3d: {  	_ =	shalt  }
0x3e: {  	_ =	shalt  }
0x3f: {  	_ =	shalt  }
0x40: {  	_ =	shalt  }
0x41: {  	_ =	shalt  }
0x42: {  	_ =	shalt  }
0x43: {  	_ =	shalt  }
0x44: {  	_ =	shalt  }
0x45: {  	_ =	shalt  }
0x46: {  	_ =	shalt  }
0x47: {  	_ =	shalt  }
0x48: {  	_ =	shalt  }
0x49: {  	_ =	shalt  }
0x4a: {  	_ =	shalt  }
0x4b: {  	_ =	shalt  }
0x4c: {  	_ =	shalt  }
0x4d: {  	_ =	shalt  }
0x4e: {  	_ =	shalt  }
0x4f: {  	_ =	shalt  }
0x50: {  	_ =	shalt  }
0x51: {  	_ =	shalt  }
0x52: {  	_ =	shalt  }
0x53: {  	_ =	shalt  }
0x54: {  	_ =	shalt  }
0x55: {  	_ =	shalt  }
0x56: {  	_ =	shalt  }
0x57: {  	_ =	shalt  }
0x58: {  	_ =	shalt  }
0x59: {  	_ =	shalt  }
0x5a: {  	_ =	shalt  }
0x5b: {  	_ =	shalt  }
0x5c: {  	_ =	shalt  }
0x5d: {  	_ =	shalt  }
0x5e: {  	_ =	shalt  }
0x5f: {  	_ =	shalt  }
0x60: {  	_ =	shalt  }
0x61: {  	_ =	shalt  }
0x62: {  	_ =	shalt  }
0x63: {  	_ =	shalt  }
0x64: {  	_ =	shalt  }
0x65: {  	_ =	shalt  }
0x66: {  	_ =	shalt  }
0x67: {  	_ =	shalt  }
0x68: {  	_ =	shalt  }
0x69: {  	_ =	shalt  }
0x6a: {  	_ =	shalt  }
0x6b: {  	_ =	shalt  }
0x6c: {  	_ =	shalt  }
0x6d: {  	_ =	shalt  }
0x6e: {  	_ =	shalt  }
0x6f: {  	_ =	shalt  }
0x70: {  	_ =	shalt  }
0x71: {  	_ =	shalt  }
0x72: {  	_ =	shalt  }
0x73: {  	_ =	shalt  }
0x74: {  	_ =	shalt  }
0x75: {  	_ =	shalt  }
0x76: {  	_ =	shalt  }
0x77: {  	_ =	shalt  }
0x78: {  	_ =	shalt  }
0x79: {  	_ =	shalt  }
0x7a: {  	_ =	shalt  }
0x7b: {  	_ =	shalt  }
0x7c: {  	_ =	shalt  }
0x7d: {  	_ =	shalt  }
0x7e: {  	_ =	shalt  }
0x7f: {  	_ =	shalt  }
0x80: {  	_ =	shalt  }
0x81: {  	_ =	shalt  }
0x82: {  	_ =	shalt  }
0x83: {  	_ =	shalt  }
0x84: {  	_ =	shalt  }
0x85: {  	_ =	shalt  }
0x86: {  	_ =	shalt  }
0x87: {  	_ =	shalt  }
.Lfunc_end0:
.L_simem_size_0:
called_computation_lowered:
.L_overlay_start_0:
0x88: {  	s2 =	sld [smem:$0x3FD9]  }
0x89: {  	s3 =	sld [smem:$0x3FFE];
	_ =	sdelay $0x1  }
0x8a: {  	s1 =	srdreg.scid  }
0x8b: {  	s0 =	sand.u32 $0x1, s1  }
0x8c: {  	s17 =	sshll.u32 s0, $0xA;
	s2 =	sadd.s32 s3, s2  }
0x8d: {  	s2 =	sadd.s32 s2, s17  }
0x8e: {  	[smem:$0x3FB9] =	sst s2  }
0x8f: {  	_ = 	snop  }
0x90: {  	s2 =	sld [smem:$0x3FC9]  }
0x91: {  	s18 =	sld [smem:$0x3FC7]  }
0x92: {  	s4 =	sld [smem:$0x3FD0];
	(tm) =	ssettm $0x1  }
0x93: {  	s5 =	sld [smem:$0x3FFB];
	_ =	sdelay $0x3  }
0x94: {  	_ =	strace s5  }
0x95: {  	s5 =	sld [smem:$0x3FFC];
	_ =	sdelay $0x3  }
0x96: {  	_ =	strace s5  }
0x97: {  	s5 =	sld [smem:$0x3FFD];
	_ =	sdelay $0x3  }
0x98: {  	_ =	strace s5  }
0x99: {  	_ =	strace $0x8FFFFFFF  }
0x9a: {  	s19 =	sld [smem:$0x3FDB];
	_ =	sdelay $0x1  }
0x9b: {  	s6 =	simm.s32 $_scs_section_size  }
0x9c: {  	s7 =	simm.s32 $_size__tile_overlayer_lowered;
	s8 =	simm.s32 $_tile_overlayer_lowered  }
0x9d: {  	s22 =	simm.s32 $0x1BFF;
	s21 =	sshll.u32 s8, $0x1;
	s5 =	sadd.s32 s6, s19  }
0x9e: {  	s9 =	simm.s32 $0x0;
	s20 =	sshll.u32 s7, $0x1;
	s7 =	sadd.s32 s21, s5  }
0x9f: {  	[timem:s9], [sflag:s22] =	dma.local [hbm:s7], s20  }
0xa0: {  	_ =	swait.ge [sflag:s22], s20  }
0xa1: {  	s6 =	ssub.s32 $0x0, s20;
	[sflag:s22] =	ssyncset.done $0x0  }
0xa2: {  	[sflag:s22] =	ssyncadd.s32 s6;
	_ =	sdelay $0x1  }
0xa3: {  	s23 =	simm.s32 $0x1B8B  }
0xa4: {  	_ =	swait.ge [sflag:s23], $0x1  }
0xa5: {  	[sflag:s23] =	ssyncset.done $0x0  }
0xa6: {  	s25 =	simm.s32 $0x1B8E;
	s24 =	sld [smem:$0x3FFE];
	[sflag:s23] =	ssyncadd.s32 $0xFFFFFFFF  }
0xa7: {  	s26 =	simm.s32 $execute0_lowered;
	[smem:$0x3FD2] =	sst s25  }
0xa8: {  	s7 =	sshll.u32 s26, $0x1;
	_ =	strace $0x80000046;
	[dreg:$0x1] =	wrdreg $0xFFFFFFFF  }
0xa9: {  	s28 =	simm.s32 $_size_execute0_lowered;
	s5 =	sadd.s32 s5, s7;
	[dreg:$0x0] =	wrdreg $0x0  }
0xaa: {  	s7 =	sshll.u32 s28, $0x1;
	[dreg:$0x2] =	wrdreg s5  }
0xab: {  	[dreg:$0x3] =	wrdreg s7  }
0xac: {  	[dreg:$0x4] =	wrdreg $0xC0  }
0xad: {  	_ =	task [dreg:s9], $0x5FFFF  }
0xae: {  	[dreg:$0x1] =	wrdreg $0xFFFFFFFF  }
0xaf: {  	[dreg:$0x0] =	wrdreg $0x60  }
0xb0: {  	[dreg:$0x2] =	wrdreg s24  }
0xb1: {  	[dreg:$0x3] =	wrdreg s4  }
0xb2: {  	[dreg:$0x4] =	wrdreg s18  }
0xb3: {  	[dreg:$0x5] =	wrdreg s2  }
0xb4: {  	[dreg:$0x6] =	wrdreg $0xAF800  }
0xb5: {  	[dreg:$0x7] =	wrdreg $0x1E8000  }
0xb6: {  	[dreg:$0x8] =	wrdreg $0x9  }
0xb7: {  	_ =	task.clear_ibuf [dreg:s9], $0x9FFFF;
	_ =	strace $0x90000046  }
0xb8: {  	s29 =	simm.s32 $0x9;
	_ =	strace $0x80000048  }
0xb9: {  	_ =	swait.ge [sflag:s29], $0x1  }
0xba: {  	[sflag:s29] =	ssyncadd.s32 $0xFFFFFFFF  }
0xbb: {  	_ =	strace $0x90000048  }
0xbc: {  	_ =	sfence  }
0xbd: {  	s30 =	sld [smem:$0x0];
	_ =	sdelay $0x2  }
0xbe: {  	s31 =	sshll.u32 s1, $0xD;
	s1 =	sshrl.u32 s1, $0x2  }
0xbf: {  	s3 =	sand.u32 $0x4000, s31;
	s1 =	sadd.s32 s1, s30  }
0xc0: {  	s0 =	sor.u32 s3, s0;
	s1 =	sshll.u32 s1, $0x11  }
0xc1: {  	s0 =	sor.u32 s1, s0  }
0xc2: {  	s0 =	sadd.s32 $0x8F2B, s0  }
0xc3: {  	[sflag:s0] =	ssyncadd.remote.s32 $0x1  }
0xc4: {  	_ =	sfence.sel $0xFFFF  }
0xc5: {  	[dreg:$0x0] =	wrdreg $0xFFFFFFFF;
	(pc) =	sbr.abs _section_cstart, $3  }
0xc6: {  	[dreg:$0x1] =	wrdreg $0xFFFFFFFF  }
0xc7: {  	_ =	task.clear_ibuf [dreg:s9], $0x2FFFF;
	_ =	strace $0x9FFFFFFF  }
0xc8: {  	(tm) =	ssettm $0x7FFFFFFF  }
0xc9: {  	_ =	shalt  }
tec
execute0_lowered:
.L_overlay_start_1:
0x0: {  	(tag) =	ssettag $0x1  }
0x1: {  	s0 =	rddreg [dreg:$0x0]  }
0x2: {  	s14 =	rddreg [dreg:$0x1]  }
0x3: {  	s15 =	rddreg [dreg:$0x2]  }
0x4: {  	s1 =	rddreg [dreg:$0x3]  }
0x5: {  	s16 =	rddreg [dreg:$0x4]  }
0x6: {  	s17 =	rddreg [dreg:$0x5];
	s6 =	simm.s32 $0x0  }
0x7: {  	s18 =	stileid.u32;
	s3 =	srdreg.scid;
	s28 =	simm.s32 $0x7780  }
0x8: {  	s30 =	simm.s32 $0x2780;
	[smem:$0x7FF] =	sst s6;
	s2 =	smul.u32 $0x4E00, s18  }
0x9: {  	s19 =	sadd.s32 $0x2000, s0;
	s22 =	sadd.s32 $0x144600, s0;
	s7 =	smul.u32 $0x4E000, s18  }
0xa: {  	s9 =	sadd.s32 $0xBE00, s0;
	s3 =	sand.u32 $0x1, s3;
	s25 =	smul.u32 $0x4E, s18  }
0xb: {  	s21 =	sadd.s32 $0x195000, s0;
	s11 =	sadd.s32 $0x1E3200, s0;
	s26 =	smul.u32 $0x2700, s18  }
0xc: {  	s24 =	sshll.u32 s18, $0x6;
	p1 =	seq.s32 s18, $0xF;
	s23 =	smul.u32 $0x2710, s3  }
0xd: {  	s12 =	sshll.u32 s18, $0xA;
	_ =	strace $0x80000047;
	s10 =	smul.u32 $0x4E200, s3  }
0xe: {  	s5 =	ssub.s32 $0x2, s3;
	s13 =	smul.u32 $0x27100, s3;
	[smem:$0x7FA] =	sst s21  }
0xf: {  	s12 =	sadd.s32 s12, s17;
	[dreg:$0x7] =	wrdreg s19;
	s8 =	sshrl.u32 s5, $0x1  }
0x10: {  	[dreg:$0x8] =	wrdreg s22;
	s5 =	ssub.s32 s5, s8;
	s8 =	sor.u32 $0x1C07, s24  }
0x11: {  	s10 =	sadd.s32 s10, s11;
	s29 =	sadd.s32 $0x2700, s23;
	[dreg:$0x9] =	wrdreg s23  }
0x12: {  	s31 =	sadd.s32 s13, s21;
	[dreg:$0xa] =	wrdreg s8;
	s8 =	sadd.s32 s25, s1  }
0x13: {  	s1 =	sadd.s32 $0x4E0, s1;
	s13 =	sshll.u32 s29, $0x4;
	[dreg:$0xc] =	wrdreg s8  }
0x14: {  	s20 =	sshll.u32 s29, $0x5;
	s29 =	sadd.s32 $0xA8200, s0;
	[dreg:$0xd] =	wrdreg s1  }
0x15: {  	p0 =	sne.s32 s3, $0x0;
	s24 =	sadd.s32 s2, s10;
	[dreg:$0x11] =	wrdreg s29  }
0x16: {  	s4 =	sadd.s32 s2, s0;
	s8 =	sadd.s32 s26, s31;
	[dreg:$0xb] =	wrdreg s24  }
0x17: {  	s7 =	sshrl.u32 s7, $0x2;
	s1 =	sadd.s32 s21, s13;
	[dreg:$0xe] =	wrdreg s8  }
0x18: {  	s7 =	sadd.s32 s7, s16;
	s26 =	sadd.s32 s11, s20;
	[dreg:$0xf] =	wrdreg s1  }
0x19: {  	s25 =	smul.u32 $0x4E20, s18;
	s31 =	sadd.s32 $0x192800, s0;
	[dreg:$0x10] =	wrdreg s26  }
0x1a: {  	s21 =	sadd.s32 $0xF6400, s0;
	s29 =	sshrl.u32 s7, $0x3;
	[dreg:$0x12] =	wrdreg s31  }
0x1b: {  	s8 =	sadd.s32 $0x27F600, s0;
	s0 =	sadd.s32 $0x31B800, s0;
	[dreg:$0x1e] =	wrdreg s29  }
0x1c: {  	s3 =	simm.s32 $0x0;
	s20 =	sadd.s32 $0x20, s25;
	[dreg:$0x14] =	wrdreg s0  }
0x1d: {  	s2 =	sshrl.u32 s25, $0x3;
	s25 =	sadd.s32 $0x40, s25;
	[dreg:$0x19] =	wrdreg s20  }
0x1e: {  	s7 =	simm.s32 $0x4780;
	s26 =	smax.u32 s5, $0x1;
	[dreg:$0x1a] =	wrdreg s25  }
0x1f: {  	s5 =	simm.s32 $0x3780;
	s13 =	sadd.s32 s19, s2;
	[dreg:$0x1b] =	wrdreg s26  }
0x20: {  	s14 =	sadd.s32 s14, s2;
	s19 =	sadd.s32 s15, s2;
	[dreg:$0x13] =	wrdreg s8  }
0x21: {  	s25 =	smul.u32 $0x270, s18;
	s0 =	sadd.s32 $0x138000, s16;
	[dreg:$0x15] =	wrdreg s13  }
0x22: {  	s26 =	simm.s32 $0x7;
	s15 =	simm.s32 $0x8;
	[dreg:$0x16] =	wrdreg s14  }
0x23: {  	s16 =	simm.s32 $0x18;
	s2 =	simm.s32 $0x2;
	[dreg:$0x17] =	wrdreg s19  }
0x24: {  	s19 =	simm.s32 $0x28;
	s13 =	sadd.s32 $0x2CD800, s4;
	[dreg:$0x1c] =	wrdreg s25  }
0x25: {  	s14 =	simm.s32 $0x6;
	s19 =	simm.s32 @!p1 $0x27;
	[dreg:$0x1d] =	wrdreg s13  }
0x26: {  	p1 =	sne.s32 s18, $0xF;
	s29 =	sand.u32 $0x3C00, s25;
	[dreg:$0x18] =	wrdreg s19  }
0x27: {  	v1 =	vlaneseq.u32;
	vm0 =	vmmov $0xffff;
	p2 =	sgt.u32 @p1 s18, $0xA;
	s0 =	sshrl.u32 @!p1 s0, $0x3;
	[dreg:$0x1f] =	wrdreg s29  }
0x28: {  	v2 =	vor.u32 $0x10, v1;
	v3 =	vor.u32 $0x20, v1;
	v4 =	vor.u32 $0x30, v1;
	s31 =	sadd.s32 s29, s17;
	p2 =	por p2, !p1;
	[smem:$0x7FC] =	sst s0  }
0x29: {  	v5 =	vor.u32 $0x40, v1;
	v6 =	vand.u32 $0x7, v1;
	v7 =	vshrl.u32 v1, $0x3;
	s17 =	simm.s32 $0x300;
	[smem:$0x7FD] =	sst s31;
	s1 =	sshrl.u32 @!p2 s12, $0x3  }
0x2a: {  	v8 =	vor.u32 $0x8, v1;
	v7 =	vmul.u32 $0x8, v7;
	v0 =	vmov s23;
	s12 =	simm.s32 $0x3;
	[smem:$0x7FB] =	sst s1;
	s1 =	simm.s32 $0x1  }
.LBB2_1:
0x2b: {  	[smem:$0x7F9] =	sst s3  }
0x2c: {  	s3 =	rddreg [dreg:$0xa]  }
0x2d: {  	s4 =	rddreg [dreg:$0x12]  }
0x2e: {  	s0 =	rddreg [dreg:$0x1e]  }
0x2f: {  	[spmem:s0], [sflag:s3] =	dma.local [hbm:s4], $0x2700  }
0x30: {  	_ =	swait.ge [sflag:s26], $0x2700  }
0x31: {  	s0 =	sld [smem:$0x7FB]  }
0x32: {  	[sflag:s26] =	ssyncset.done $0x0  }
0x33: {  	[sflag:s26] =	ssyncadd.s32 $0xFFFFD900  }
0x34: {  	[spmem:s0], [sflag:s3] =	dma.local @!p2 [hbm:s4], $0x80  }
0x35: {  	s0 =	simm.s32 @!p2 $0x7  }
0x36: {  	_ =	swait.ge @!p2 [sflag:s0], $0x80  }
0x37: {  	[sflag:s0] =	ssyncset.done @!p2 $0x0  }
0x38: {  	[sflag:s0] =	ssyncadd.s32 @!p2 $0xFFFFFF80;
	s0 =	sld [smem:$0x7FC];
	_ =	sdelay $0x2  }
0x39: {  	[spmem:s0], [sflag:s3] =	dma.local @!p1 [hbm:s4], $0x100  }
0x3a: {  	s0 =	simm.s32 @!p1 $0x7  }
0x3b: {  	_ =	swait.ge @!p1 [sflag:s0], $0x100  }
0x3c: {  	[sflag:s0] =	ssyncset.done @!p1 $0x0  }
0x3d: {  	[sflag:s0] =	ssyncadd.s32 @!p1 $0xFFFFFF00  }
0x3e: {  	[tilespmem:s28], [sflag:$0x7] =	stream.linear.gather [hbm4b:s4+s6], $0x2800, $0x38;
	[tilespmem:$0x1EAC0] =	vst v63  }
0x3f: {  	_ =	swait.ge [sflag:s26], $0x2800  }
0x40: {  	[sflag:s26] =	ssyncset.done $0x0  }
0x41: {  	[sflag:s26] =	ssyncadd.s32 $0xFFFFD800  }
0x42: {  	[tilespmem:$0x700] =	vst v1  }
0x43: {  	[tilespmem:$0x710] =	vst v2  }
0x44: {  	s31 =	simm.s32 $0x780;
	[tilespmem:$0x720] =	vst v3  }
0x45: {  	s18 =	simm.s32 $0x5780;
	s8 =	simm.s32 $0x2F80;
	s0 =	rddreg [dreg:$0xe];
	[tilespmem:$0x730] =	vst v4  }
0x46: {  	s20 =	simm.s32 $0x4F80;
	s4 =	simm.s32 $0x0;
	s3 =	rddreg [dreg:$0xc];
	[tilespmem:$0x740] =	vst v5  }
.LBB2_2:
0x47: {  	[tilespmem:s6], [sflag:$0x8] =	stream.linear.gather [hbm4b:s3+s6], $0x18, $0x38;
	[tilespmem:$0x1EAC0] =	vst v63  }
0x48: {  	_ =	swait.ge [sflag:s15], $0x18  }
0x49: {  	[sflag:s15] =	ssyncset.done $0x0  }
0x4a: {  	[sflag:s15] =	ssyncadd.s32 $0xFFFFFFE8  }
0x4b: {  	v9 =	vld [tilespmem:$0x0]  }
0x4c: {  	v10 =	vld [tilespmem:$0x8];
	_ =	sdelay $0x3  }
0x4d: {  	v9 =	vadd.s32 v0, v9  }
0x4e: {  	[tilespmem:$0x300] =	vst v9;
	v9 =	vadd.s32 v0, v10  }
0x4f: {  	[tilespmem:$0x308] =	vst v9  }
0x50: {  	[tilespmem:s31], [sflag:$0x1] =	stream.indirect.gather [hbm4b:s22+s16], $0x80, s17, s16, $0xb8;
	[tilespmem:$0x1EAC0] =	vst v63  }
0x51: {  	v9 =	vld [tilespmem:$0x300];
	_ =	sdelay $0x4  }
0x52: {  	v10 =	vshll.u32 v9, $0x1  }
0x53: {  	v9 =	vand.u32 $0x7, v9;
	v10 =	vand.u32 $0xFFFFFFF0, v10  }
0x54: {  	v9 =	vor.u32 v9, v10  }
0x55: {  	v10 =	vperm.xlane v9, v6;
	_ =	sdelay $0x1  }
0x56: {  	v9 =	vperm.xlane v9, v8;
	v10 =	vadd.s32 v7, v10;
	_ =	sdelay $0x1  }
0x57: {  	v9 =	vadd.s32 v7, v9;
	_ =	sdelay $0x2  }
0x58: {  	[tilespmem:s30], [sflag:$0x2] =	stream.indirect_vreg.gather [hbm4b:s9+s6], $0x80, v10, vm0, $0xb8;
	[tilespmem:$0x1EAC0] =	vst v63  }
0x59: {  	_ = 	snop  }
0x5a: {  	[tilespmem:s8], [sflag:$0x2] =	stream.indirect_vreg.gather [hbm4b:s9+s6], $0x80, v9, vm0, $0xb8;
	[tilespmem:$0x1EAC0] =	vst v63  }
0x5b: {  	v9 =	vld.msk [tilespmem:$0x310], $0xff;
	_ =	sdelay $0x4  }
0x5c: {  	v10 =	vshll.u32 v9, $0x1  }
0x5d: {  	v9 =	vand.u32 $0x7, v9;
	v10 =	vand.u32 $0xFFFFFFF0, v10  }
0x5e: {  	v9 =	vor.u32 v9, v10  }
0x5f: {  	v9 =	vperm.xlane v9, v6;
	_ =	sdelay $0x1  }
0x60: {  	v9 =	vadd.s32 v7, v9;
	_ =	sdelay $0x4  }
0x61: {  	[tilespmem:s5], [sflag:$0x2] =	stream.indirect_vreg.gather [hbm4b:s9+s6], $0x80, v9, vm0, $0xb8;
	[tilespmem:$0x1EAC0] =	vst v63  }
0x62: {  	v9 =	vld [tilespmem:$0x0];
	_ =	sdelay $0x4  }
0x63: {  	v10 =	vshll.u32 v9, $0x1  }
0x64: {  	v9 =	vand.u32 $0x7, v9;
	v10 =	vand.u32 $0xFFFFFFF0, v10  }
0x65: {  	v9 =	vor.u32 v9, v10  }
0x66: {  	v10 =	vperm.xlane v9, v6;
	_ =	sdelay $0x1  }
0x67: {  	v9 =	vperm.xlane v9, v8;
	v10 =	vadd.s32 v7, v10;
	_ =	sdelay $0x1  }
0x68: {  	v9 =	vadd.s32 v7, v9;
	_ =	sdelay $0x2  }
0x69: {  	[tilespmem:s7], [sflag:$0x3] =	stream.indirect_vreg.gather [hbm4b:s21+s6], $0x80, v10, vm0, $0xb8;
	[tilespmem:$0x1EAC0] =	vst v63  }
0x6a: {  	_ = 	snop  }
0x6b: {  	[tilespmem:s20], [sflag:$0x3] =	stream.indirect_vreg.gather [hbm4b:s21+s6], $0x80, v9, vm0, $0xb8;
	[tilespmem:$0x1EAC0] =	vst v63  }
0x6c: {  	v9 =	vld.msk [tilespmem:$0x10], $0xff;
	_ =	sdelay $0x4  }
0x6d: {  	v10 =	vshll.u32 v9, $0x1  }
0x6e: {  	v9 =	vand.u32 $0x7, v9;
	v10 =	vand.u32 $0xFFFFFFF0, v10  }
0x6f: {  	v9 =	vor.u32 v9, v10  }
0x70: {  	v9 =	vperm.xlane v9, v6;
	_ =	sdelay $0x1  }
0x71: {  	v9 =	vadd.s32 v7, v9;
	_ =	sdelay $0x4  }
0x72: {  	[tilespmem:s18], [sflag:$0x3] =	stream.indirect_vreg.gather [hbm4b:s21+s6], $0x80, v9, vm0, $0xb8;
	[tilespmem:$0x1EAC0] =	vst v63  }
0x73: {  	_ =	swait.ge [sflag:s1], $0xC00  }
0x74: {  	[sflag:s1] =	ssyncset.done $0x0  }
0x75: {  	[sflag:s1] =	ssyncadd.s32 $0xFFFFF400  }
0x76: {  	_ =	swait.ge [sflag:s2], $0x1800  }
0x77: {  	[sflag:s2] =	ssyncset.done $0x0  }
0x78: {  	[sflag:s2] =	ssyncadd.s32 $0xFFFFE800  }
0x79: {  	_ =	swait.ge [sflag:s12], $0x1800  }
0x7a: {  	[sflag:s12] =	ssyncset.done $0x0  }
0x7b: {  	[sflag:s12] =	ssyncadd.s32 $0xFFFFE800  }
0x7c: {  	[hbm4b:s0+s6] =	stream.linear.scatter [tilespmem:s31], [sflag:$0x8], $0xC00, $0x38;
	[tilespmem:$0x1EAC0] =	vst v63  }
0x7d: {  	_ =	swait.ge [sflag:s15], $0xC00  }
0x7e: {  	[sflag:s15] =	ssyncset.done $0x0  }
0x7f: {  	s29 =	sadd.s32 s4, s24;
	[sflag:s15] =	ssyncadd.s32 $0xFFFFF400  }
0x80: {  	[hbm4b:s29+s6] =	stream.linear.scatter [tilespmem:s30], [sflag:$0x8], $0x1800, $0x38;
	[tilespmem:$0x1EAC0] =	vst v63  }
0x81: {  	s10 =	simm.s32 @!p0 $0x4780;
	_ =	swait.ge [sflag:s15], $0x1800  }
0x82: {  	s5 =	sadd.s32 @!p0 s4, s13;
	s4 =	sadd.s32 $0x300, s4;
	[sflag:s15] =	ssyncset.done $0x0  }
0x83: {  	p3 =	sne.s32 s4, $0x4E00;
	s7 =	simm.s32 @!p0 $0x0;
	[sflag:s15] =	ssyncadd.s32 $0xFFFFE800  }
0x84: {  	[hbm4b:s5+s7] =	stream.linear.scatter @!p0 [tilespmem:s10], [sflag:$0x7], $0x1800, $0x38;
	[tilespmem:$0x1EAC0] =	vst v63  }
.Ltmp0:
0x85: {  	_ = 	snop;
	(pc) =	sbr.rel @p3 .LBB2_2-.Ltmp0, $4  }
0x86: {  	s5 =	simm.s32 @!p0 $0x7  }
0x87: {  	_ =	swait.ge @!p0 [sflag:s5], $0x1800  }
0x88: {  	s3 =	sadd.s32 $0x3, s3;
	s0 =	sadd.s32 $0x180, s0;
	[sflag:s5] =	ssyncset.done @!p0 $0x0  }
0x89: {  	s7 =	simm.s32 $0x4780;
	[sflag:s5] =	ssyncadd.s32 @!p0 $0xFFFFE800;
	s5 =	simm.s32 $0x3780  }
.Ltmp1:
0x8a: {  	(pc) =	sbr.rel @p1 .LBB2_5-.Ltmp1, $2  }
0x8b: {  	_ =	sdelay $0x2  }
0x8c: {  	s10 =	simm.s32 $0x4F80;
	s18 =	simm.s32 $0x780;
	s13 =	simm.s32 $0x2F80  }
0x8d: {  	s0 =	rddreg [dreg:$0xd]  }
0x8e: {  	[tilespmem:s6], [sflag:$0x7] =	stream.linear.gather [hbm4b:s0+s6], $0x10, $0x38;
	[tilespmem:$0x1EAC0] =	vst v63  }
0x8f: {  	_ =	swait.ge [sflag:s26], $0x10  }
0x90: {  	[sflag:s26] =	ssyncset.done $0x0  }
0x91: {  	[sflag:s26] =	ssyncadd.s32 $0xFFFFFFF0  }
0x92: {  	v9 =	vld [tilespmem:$0x0]  }
0x93: {  	v10 =	vld [tilespmem:$0x0];
	_ =	sdelay $0x3  }
0x94: {  	v9 =	vadd.s32 v0, v9  }
0x95: {  	[tilespmem:$0x300] =	vst v9;
	v9 =	vadd.s32 v0, v10  }
0x96: {  	s25 =	simm.s32 $0x10;
	[tilespmem:$0x300] =	vst v9  }
0x97: {  	[tilespmem:s18], [sflag:$0x1] =	stream.indirect.gather [hbm4b:s22+s25], $0x80, s17, s25, $0xb8;
	[tilespmem:$0x1EAC0] =	vst v63  }
0x98: {  	v9 =	vld [tilespmem:$0x300];
	_ =	sdelay $0x4  }
0x99: {  	v10 =	vshll.u32 v9, $0x1  }
0x9a: {  	v9 =	vand.u32 $0x7, v9;
	v10 =	vand.u32 $0xFFFFFFF0, v10  }
0x9b: {  	v9 =	vor.u32 v9, v10  }
0x9c: {  	v10 =	vperm.xlane v9, v6;
	_ =	sdelay $0x1  }
0x9d: {  	v9 =	vperm.xlane v9, v8;
	v10 =	vadd.s32 v7, v10;
	_ =	sdelay $0x1  }
0x9e: {  	v9 =	vadd.s32 v7, v9;
	_ =	sdelay $0x2  }
0x9f: {  	[tilespmem:s30], [sflag:$0x2] =	stream.indirect_vreg.gather [hbm4b:s9+s6], $0x80, v10, vm0, $0xb8;
	[tilespmem:$0x1EAC0] =	vst v63  }
0xa0: {  	_ = 	snop  }
0xa1: {  	[tilespmem:s13], [sflag:$0x2] =	stream.indirect_vreg.gather [hbm4b:s9+s6], $0x80, v9, vm0, $0xb8;
	[tilespmem:$0x1EAC0] =	vst v63  }
0xa2: {  	v9 =	vld [tilespmem:$0x0];
	_ =	sdelay $0x4  }
0xa3: {  	v10 =	vshll.u32 v9, $0x1  }
0xa4: {  	v9 =	vand.u32 $0x7, v9;
	v10 =	vand.u32 $0xFFFFFFF0, v10  }
0xa5: {  	v9 =	vor.u32 v9, v10  }
0xa6: {  	v10 =	vperm.xlane v9, v6;
	_ =	sdelay $0x1  }
0xa7: {  	v9 =	vperm.xlane v9, v8;
	v10 =	vadd.s32 v7, v10;
	_ =	sdelay $0x1  }
0xa8: {  	v9 =	vadd.s32 v7, v9;
	_ =	sdelay $0x2  }
0xa9: {  	[tilespmem:s7], [sflag:$0x3] =	stream.indirect_vreg.gather [hbm4b:s21+s6], $0x80, v10, vm0, $0xb8;
	[tilespmem:$0x1EAC0] =	vst v63  }
0xaa: {  	_ = 	snop  }
0xab: {  	[tilespmem:s10], [sflag:$0x3] =	stream.indirect_vreg.gather [hbm4b:s21+s6], $0x80, v9, vm0, $0xb8;
	[tilespmem:$0x1EAC0] =	vst v63  }
0xac: {  	_ =	swait.ge [sflag:s1], $0x800  }
0xad: {  	[sflag:s1] =	ssyncset.done $0x0  }
0xae: {  	[sflag:s1] =	ssyncadd.s32 $0xFFFFF800  }
0xaf: {  	_ =	swait.ge [sflag:s2], $0x1000  }
0xb0: {  	[sflag:s2] =	ssyncset.done $0x0  }
0xb1: {  	[sflag:s2] =	ssyncadd.s32 $0xFFFFF000  }
0xb2: {  	_ =	swait.ge [sflag:s12], $0x1000  }
0xb3: {  	[sflag:s12] =	ssyncset.done $0x0  }
0xb4: {  	s29 =	rddreg [dreg:$0xf];
	[sflag:s12] =	ssyncadd.s32 $0xFFFFF000  }
0xb5: {  	[hbm4b:s29+s6] =	stream.linear.scatter [tilespmem:s18], [sflag:$0x7], $0x800, $0x38;
	[tilespmem:$0x1EAC0] =	vst v63  }
0xb6: {  	_ =	swait.ge [sflag:s26], $0x800  }
0xb7: {  	[sflag:s26] =	ssyncset.done $0x0  }
0xb8: {  	s31 =	rddreg [dreg:$0x10];
	[sflag:s26] =	ssyncadd.s32 $0xFFFFF800  }
0xb9: {  	[hbm4b:s31+s6] =	stream.linear.scatter [tilespmem:s30], [sflag:$0x7], $0x1000, $0x38;
	[tilespmem:$0x1EAC0] =	vst v63  }
0xba: {  	_ =	swait.ge [sflag:s26], $0x1000  }
0xbb: {  	s3 =	simm.s32 @!p0 $0x4780;
	[sflag:s26] =	ssyncset.done $0x0  }
0xbc: {  	s0 =	simm.s32 @!p0 $0x0;
	s4 =	rddreg [dreg:$0x14];
	[sflag:s26] =	ssyncadd.s32 $0xFFFFF000  }
0xbd: {  	[hbm4b:s4+s0] =	stream.linear.scatter @!p0 [tilespmem:s3], [sflag:$0x7], $0x1000, $0x38;
	[tilespmem:$0x1EAC0] =	vst v63  }
0xbe: {  	s0 =	simm.s32 @!p0 $0x7  }
0xbf: {  	_ =	swait.ge @!p0 [sflag:s0], $0x1000  }
0xc0: {  	[sflag:s0] =	ssyncset.done @!p0 $0x0  }
0xc1: {  	[sflag:s0] =	ssyncadd.s32 @!p0 $0xFFFFF000  }
.LBB2_5:
0xc2: {  	[bflag:$0x0] =	sbarrier.arrive $0xFFFF  }
0xc3: {  	s16 =	simm.s32 $0x0;
	s0 =	rddreg [dreg:$0x15]  }
0xc4: {  	[tilespmem:s16], [sflag:$0x6] =	stream.linear.gather [hbm4b:s0+s16], $0x20, $0x38;
	[tilespmem:$0x1EAC0] =	vst v63  }
0xc5: {  	s3 =	simm.s32 $0x80;
	s23 =	rddreg [dreg:$0x16]  }
0xc6: {  	[tilespmem:s3], [sflag:$0x6] =	stream.linear.gather [hbm4b:s23+s16], $0x20, $0x38;
	[tilespmem:$0x1EAC0] =	vst v63  }
0xc7: {  	s25 =	simm.s32 $0x100;
	s24 =	rddreg [dreg:$0x17]  }
0xc8: {  	[tilespmem:s25], [sflag:$0x6] =	stream.linear.gather [hbm4b:s24+s16], $0x20, $0x38;
	[tilespmem:$0x1EAC0] =	vst v63  }
0xc9: {  	_ =	swait.ge [sflag:s14], $0x20  }
0xca: {  	[sflag:s14] =	ssyncset.done $0x0  }
0xcb: {  	[sflag:s14] =	ssyncadd.s32 $0xFFFFFFE0  }
0xcc: {  	_ =	swait.ge [sflag:s14], $0x20  }
0xcd: {  	[sflag:s14] =	ssyncset.done $0x0  }
0xce: {  	[sflag:s14] =	ssyncadd.s32 $0xFFFFFFE0  }
0xcf: {  	_ =	swait.ge [sflag:s14], $0x20  }
0xd0: {  	[sflag:s14] =	ssyncset.done $0x0  }
0xd1: {  	[sflag:s14] =	ssyncadd.s32 $0xFFFFFFE0  }
0xd2: {  	v9 =	vld [tilespmem:$0x0]  }
0xd3: {  	v10 =	vld [tilespmem:$0x80]  }
0xd4: {  	v11 =	vld [tilespmem:$0x100]  }
0xd5: {  	v12 =	vld [tilespmem:$0x10]  }
0xd6: {  	v13 =	vld [tilespmem:$0x90]  }
0xd7: {  	v14 =	vld [tilespmem:$0x110];
	v9 =	vadd.s32 v0, v9  }
0xd8: {  	[tilespmem:$0x380] =	vst v9;
	v9 =	vadd.s32 v0, v10  }
0xd9: {  	[tilespmem:$0x300] =	vst v9;
	v9 =	vadd.s32 v0, v11  }
0xda: {  	[tilespmem:$0x400] =	vst v9;
	v9 =	vadd.s32 v0, v12  }
0xdb: {  	s29 =	sld [smem:$0x7FA];
	[tilespmem:$0x390] =	vst v9;
	v9 =	vadd.s32 v0, v13  }
0xdc: {  	[tilespmem:$0x310] =	vst v9;
	v9 =	vadd.s32 v0, v14  }
0xdd: {  	s8 =	simm.s32 $0x20;
	[tilespmem:$0x410] =	vst v9  }
0xde: {  	[tilespmem:s18], [sflag:$0x1] =	stream.indirect.gather [hbm4b:s29+s8], $0x80, s17, s8, $0xb8;
	[tilespmem:$0x1EAC0] =	vst v63  }
0xdf: {  	v9 =	vld [tilespmem:$0x380];
	_ =	sdelay $0x4  }
0xe0: {  	v10 =	vshll.u32 v9, $0x1  }
0xe1: {  	v9 =	vand.u32 $0x7, v9;
	v10 =	vand.u32 $0xFFFFFFF0, v10  }
0xe2: {  	v9 =	vor.u32 v9, v10  }
0xe3: {  	v10 =	vperm.xlane v9, v6;
	_ =	sdelay $0x1  }
0xe4: {  	v9 =	vperm.xlane v9, v8;
	v10 =	vadd.s32 v7, v10;
	_ =	sdelay $0x1  }
0xe5: {  	v9 =	vadd.s32 v7, v9;
	_ =	sdelay $0x2  }
0xe6: {  	[tilespmem:s30], [sflag:$0x1] =	stream.indirect_vreg.gather [hbm4b:s11+s16], $0x80, v10, vm0, $0xb8;
	[tilespmem:$0x1EAC0] =	vst v63  }
0xe7: {  	_ = 	snop  }
0xe8: {  	[tilespmem:s13], [sflag:$0x1] =	stream.indirect_vreg.gather [hbm4b:s11+s16], $0x80, v9, vm0, $0xb8;
	[tilespmem:$0x1EAC0] =	vst v63  }
0xe9: {  	v9 =	vld [tilespmem:$0x390];
	_ =	sdelay $0x4  }
0xea: {  	v10 =	vshll.u32 v9, $0x1  }
0xeb: {  	v9 =	vand.u32 $0x7, v9;
	v10 =	vand.u32 $0xFFFFFFF0, v10  }
0xec: {  	v9 =	vor.u32 v9, v10  }
0xed: {  	v10 =	vperm.xlane v9, v6;
	_ =	sdelay $0x1  }
0xee: {  	v9 =	vperm.xlane v9, v8;
	v10 =	vadd.s32 v7, v10;
	_ =	sdelay $0x1  }
0xef: {  	v9 =	vadd.s32 v7, v9;
	_ =	sdelay $0x1  }
0xf0: {  	s31 =	simm.s32 $0x3F80  }
0xf1: {  	[tilespmem:s5], [sflag:$0x1] =	stream.indirect_vreg.gather [hbm4b:s11+s16], $0x80, v10, vm0, $0xb8;
	[tilespmem:$0x1EAC0] =	vst v63  }
0xf2: {  	s20 =	simm.s32 $0x5780;
	s13 =	simm.s32 $0x1780;
	s5 =	simm.s32 $0x0  }
0xf3: {  	[tilespmem:s31], [sflag:$0x1] =	stream.indirect_vreg.gather [hbm4b:s11+s16], $0x80, v9, vm0, $0xb8;
	[tilespmem:$0x1EAC0] =	vst v63  }
.LBB2_6:
0xf4: {  	s0 =	rddreg [dreg:$0x11]  }
0xf5: {  	s3 =	simm.s32 $0x400;
	s4 =	simm.s32 $0x6780;
	p3 =	seq.s32 s5, $0x0  }
0xf6: {  	[tilespmem:s4], [sflag:$0x3] =	stream.indirect.gather [hbm4b:s0+s8], $0x80, s3, s8, $0xb8;
	[tilespmem:$0x1EAC0] =	vst v63  }
0xf7: {  	s0 =	simm.s32 @!p3 $0x5  }
0xf8: {  	_ =	swait.ge @!p3 [sflag:s0], $0x1000  }
0xf9: {  	s19 =	sshll.u32 s5, $0x6;
	s25 =	rddreg [dreg:$0x19]  }
0xfa: {  	[sflag:s0] =	ssyncset.done @!p3 $0x0;
	s3 =	sadd.s32 s19, s25  }
0xfb: {  	s29 =	rddreg [dreg:$0x7];
	[sflag:s0] =	ssyncadd.s32 @!p3 $0xFFFFF000;
	s3 =	sshrl.u32 s3, $0x3  }
0xfc: {  	s31 =	simm.s32 $0x180;
	s17 =	rddreg [dreg:$0x1];
	s0 =	sadd.s32 s29, s3  }
0xfd: {  	[tilespmem:s31], [sflag:$0x6] =	stream.linear.gather [hbm4b:s0+s16], $0x20, $0x38;
	[tilespmem:$0x1EAC0] =	vst v63  }
0xfe: {  	s22 =	simm.s32 $0x200;
	s23 =	rddreg [dreg:$0x2];
	s0 =	sadd.s32 s17, s3  }
0xff: {  	[tilespmem:s22], [sflag:$0x6] =	stream.linear.gather [hbm4b:s0+s16], $0x20, $0x38;
	[tilespmem:$0x1EAC0] =	vst v63  }
0x100: {  	s24 =	simm.s32 $0x280;
	s0 =	sadd.s32 s23, s3  }
0x101: {  	[tilespmem:s24], [sflag:$0x6] =	stream.linear.gather [hbm4b:s0+s16], $0x20, $0x38;
	[tilespmem:$0x1EAC0] =	vst v63  }
0x102: {  	_ =	swait.ge [sflag:s14], $0x20  }
0x103: {  	[sflag:s14] =	ssyncset.done $0x0  }
0x104: {  	[sflag:s14] =	ssyncadd.s32 $0xFFFFFFE0  }
0x105: {  	_ =	swait.ge [sflag:s14], $0x20  }
0x106: {  	[sflag:s14] =	ssyncset.done $0x0  }
0x107: {  	[sflag:s14] =	ssyncadd.s32 $0xFFFFFFE0  }
0x108: {  	_ =	swait.ge [sflag:s14], $0x20  }
0x109: {  	[sflag:s14] =	ssyncset.done $0x0  }
0x10a: {  	[sflag:s14] =	ssyncadd.s32 $0xFFFFFFE0  }
0x10b: {  	v9 =	vld [tilespmem:$0x180]  }
0x10c: {  	v10 =	vld [tilespmem:$0x200]  }
0x10d: {  	v11 =	vld [tilespmem:$0x280]  }
0x10e: {  	v12 =	vld [tilespmem:$0x190]  }
0x10f: {  	v13 =	vld [tilespmem:$0x210]  }
0x110: {  	v14 =	vld [tilespmem:$0x290];
	v9 =	vadd.s32 v0, v9  }
0x111: {  	[tilespmem:$0x500] =	vst v9;
	v9 =	vadd.s32 v0, v10  }
0x112: {  	[tilespmem:$0x480] =	vst v9;
	v9 =	vadd.s32 v0, v11  }
0x113: {  	[tilespmem:$0x580] =	vst v9;
	v9 =	vadd.s32 v0, v12  }
0x114: {  	s25 =	sld [smem:$0x7FA];
	[tilespmem:$0x510] =	vst v9;
	v9 =	vadd.s32 v0, v13  }
0x115: {  	[tilespmem:$0x490] =	vst v9;
	v9 =	vadd.s32 v0, v14  }
0x116: {  	s29 =	simm.s32 $0x480;
	[tilespmem:$0x590] =	vst v9  }
0x117: {  	[tilespmem:s13], [sflag:$0x2] =	stream.indirect.gather [hbm4b:s25+s8], $0x80, s29, s8, $0xb8;
	[tilespmem:$0x1EAC0] =	vst v63  }
0x118: {  	v9 =	vld [tilespmem:$0x500];
	_ =	sdelay $0x4  }
0x119: {  	v10 =	vshll.u32 v9, $0x1  }
0x11a: {  	v9 =	vand.u32 $0x7, v9;
	v10 =	vand.u32 $0xFFFFFFF0, v10  }
0x11b: {  	v9 =	vor.u32 v9, v10  }
0x11c: {  	v10 =	vperm.xlane v9, v6;
	_ =	sdelay $0x1  }
0x11d: {  	v9 =	vperm.xlane v9, v8;
	v10 =	vadd.s32 v7, v10;
	_ =	sdelay $0x1  }
0x11e: {  	v9 =	vadd.s32 v7, v9;
	_ =	sdelay $0x2  }
0x11f: {  	[tilespmem:s7], [sflag:$0x2] =	stream.indirect_vreg.gather [hbm4b:s11+s16], $0x80, v10, vm0, $0xb8;
	[tilespmem:$0x1EAC0] =	vst v63  }
0x120: {  	_ = 	snop  }
0x121: {  	[tilespmem:s10], [sflag:$0x2] =	stream.indirect_vreg.gather [hbm4b:s11+s16], $0x80, v9, vm0, $0xb8;
	[tilespmem:$0x1EAC0] =	vst v63  }
0x122: {  	v9 =	vld [tilespmem:$0x510];
	_ =	sdelay $0x4  }
0x123: {  	v10 =	vshll.u32 v9, $0x1  }
0x124: {  	v9 =	vand.u32 $0x7, v9;
	v10 =	vand.u32 $0xFFFFFFF0, v10  }
0x125: {  	v9 =	vor.u32 v9, v10  }
0x126: {  	v10 =	vperm.xlane v9, v6;
	_ =	sdelay $0x1  }
0x127: {  	v9 =	vperm.xlane v9, v8;
	v10 =	vadd.s32 v7, v10;
	_ =	sdelay $0x1  }
0x128: {  	v9 =	vadd.s32 v7, v9;
	_ =	sdelay $0x2  }
0x129: {  	[tilespmem:s20], [sflag:$0x2] =	stream.indirect_vreg.gather [hbm4b:s11+s16], $0x80, v10, vm0, $0xb8;
	[tilespmem:$0x1EAC0] =	vst v63  }
0x12a: {  	s31 =	simm.s32 $0x5F80  }
0x12b: {  	[tilespmem:s31], [sflag:$0x2] =	stream.indirect_vreg.gather [hbm4b:s11+s16], $0x80, v9, vm0, $0xb8;
	[tilespmem:$0x1EAC0] =	vst v63  }
0x12c: {  	_ =	swait.ge [sflag:s1], $0x1000  }
0x12d: {  	[sflag:s1] =	ssyncset.done $0x0  }
0x12e: {  	[sflag:s1] =	ssyncadd.s32 $0xFFFFF000  }
0x12f: {  	_ =	swait.ge [sflag:s1], $0x2000  }
0x130: {  	[sflag:s1] =	ssyncset.done $0x0  }
0x131: {  	[sflag:s1] =	ssyncadd.s32 $0xFFFFE000  }
0x132: {  	_ =	swait.ge [sflag:s12], $0x1000  }
0x133: {  	[sflag:s12] =	ssyncset.done $0x0  }
0x134: {  	p4 =	por $0x1, $0x1;
	s30 =	simm.s32 $0x0;
	[sflag:s12] =	ssyncadd.s32 $0xFFFFF000  }
.LBB2_7:
0x135: {  	s0 =	sshll.u32 s30, $0x9  }
0x136: {  	s3 =	sshra.s32 s0, $0x2  }
0x137: {  	s17 =	sadd.s32 $0x7C0, s3  }
0x138: {  	v9 =	vld [tilespmem:s17+$0x20]  }
0x139: {  	v12 =	vld [tilespmem:s17+$0x10]  }
0x13a: {  	v10 =	vld [tilespmem:s17+$0x0]  }
0x13b: {  	v11 =	vld [tilespmem:s17+$0xFFFFFFF0]  }
0x13c: {  	v13 =	vld [tilespmem:s17+$0xFFFFFFE0]  }
0x13d: {  	s13 =	sshll.u32 s30, $0x8;
	s0 =	simm.s32 $0x0;
	v14 =	vld [tilespmem:s17+$0xFFFFFFD0]  }
0x13e: {  	s25 =	sand.u32 $0x1800, s13;
	s22 =	sadd.s32 $0x67C0, s3;
	s24 =	sand.u32 $0x380, s0;
	v15 =	vld [tilespmem:s17+$0xFFFFFFC0]  }
0x13f: {  	s3 =	sor.u32 s24, s25;
	v16 =	vld [tilespmem:s22+$0xFFFFFFC0]  }
0x140: {  	v17 =	vld [tilespmem:s3+$0x2780]  }
0x141: {  	v18 =	vld [tilespmem:s22+$0xFFFFFFD0]  }
0x142: {  	v19 =	vld [tilespmem:s3+$0x2790]  }
0x143: {  	v20 =	vld [tilespmem:s22+$0xFFFFFFE0]  }
0x144: {  	v21 =	vld [tilespmem:s3+$0x27A0]  }
0x145: {  	v22 =	vld [tilespmem:s22+$0xFFFFFFF0];
	v16 =	vadd.f32 v16, v17  }
0x146: {  	v17 =	vld [tilespmem:s3+$0x27B0]  }
0x147: {  	v23 =	vld [tilespmem:s22+$0x0];
	v15 =	vmul.f32 v16, v15;
	v16 =	vadd.f32 v18, v19  }
0x148: {  	v18 =	vld [tilespmem:s3+$0x27C0]  }
0x149: {  	v19 =	vld [tilespmem:s22+$0x10];
	v15 =	vadd.f32 $0.0e+00, v15;
	v14 =	vmul.f32 v16, v14;
	v16 =	vadd.f32 v20, v21  }
0x14a: {  	v20 =	vld [tilespmem:s3+$0x27D0]  }
0x14b: {  	v63 =	vld [tilespmem:s22+$0x20];
	v14 =	vadd.f32 v14, v15;
	v13 =	vmul.f32 v16, v13;
	v15 =	vadd.f32 v22, v17  }
0x14c: {  	v16 =	vld [tilespmem:s3+$0x27E0]  }
0x14d: {  	v17 =	vld [tilespmem:s22+$0x30];
	v13 =	vadd.f32 v13, v14;
	v11 =	vmul.f32 v15, v11;
	v14 =	vadd.f32 v23, v18  }
0x14e: {  	v15 =	vld [tilespmem:s3+$0x27F0]  }
0x14f: {  	s4 =	sadd.s32 $0x80, s17;
	v18 =	vld [tilespmem:s17+$0x30];
	v19 =	vadd.f32 v19, v20;
	v13 =	vadd.f32 v11, v13;
	v14 =	vmul.f32 v14, v10  }
0x150: {  	v11 =	vld [tilespmem:s4+$0x20]  }
0x151: {  	v10 =	vld [tilespmem:s4+$0x10];
	v19 =	vmul.f32 v19, v12;
	v16 =	vadd.f32 v63, v16;
	v14 =	vadd.f32 v14, v13  }
0x152: {  	v12 =	vld [tilespmem:s4+$0x0]  }
0x153: {  	v13 =	vld [tilespmem:s4+$0xFFFFFFF0];
	v16 =	vmul.f32 v16, v9;
	v17 =	vadd.f32 v17, v15;
	v19 =	vadd.f32 v19, v14  }
0x154: {  	s29 =	simm.s32 $0x1;
	p3 =	por p4, p4;
	v15 =	vld [tilespmem:s4+$0xFFFFFFD0]  }
0x155: {  	s31 =	simm.s32 $0x2;
	s24 =	sadd.s32 $0x100, s13;
	s3 =	simm.s32 $0x80;
	v14 =	vld [tilespmem:s4+$0xFFFFFFE0];
	v17 =	vmul.f32 v17, v18;
	v16 =	vadd.f32 v16, v19  }
0x156: {  	s23 =	sadd.s32 $0x80, s22;
	s7 =	sand.u32 $0x1800, s24;
	s10 =	sand.u32 $0x380, s3;
	v9 =	vimm.f32 $0.0e+00;
	v18 =	vld [tilespmem:s4+$0xFFFFFFC0]  }
.LBB2_8:
0x157: {  	p4 =	sne.s32 s31, $0xF;
	s7 =	sor.u32 s10, s7;
	v19 =	vld [tilespmem:s23+$0xFFFFFFC0];
	v16 =	vadd.f32 v17, v16  }
0x158: {  	v17 =	vld [tilespmem:s7+$0x2780]  }
0x159: {  	v20 =	vld [tilespmem:s23+$0xFFFFFFD0];
	(xrf2) =	vadd.scan.msk.f32 $0xffff, v16  }
0x15a: {  	v16 =	vld [tilespmem:s7+$0x2790]  }
0x15b: {  	v21 =	vld [tilespmem:s23+$0xFFFFFFE0]  }
0x15c: {  	v22 =	vld [tilespmem:s7+$0x27A0]  }
0x15d: {  	v17 =	vadd.f32 v19, v17;
	v19 =	vld [tilespmem:s23+$0xFFFFFFF0]  }
0x15e: {  	v23 =	vld [tilespmem:s7+$0x27B0]  }
0x15f: {  	v17 =	vmul.f32 v17, v18;
	v16 =	vadd.f32 v20, v16;
	v18 =	vld [tilespmem:s23+$0x0]  }
0x160: {  	v20 =	vld [tilespmem:s7+$0x27C0]  }
0x161: {  	v17 =	vadd.f32 $0.0e+00, v17;
	v15 =	vmul.f32 v16, v15;
	v16 =	vadd.f32 v21, v22;
	v21 =	vld [tilespmem:s23+$0x10]  }
0x162: {  	v24 =	vmov s0;
	s0 =	smov.u32 s29;
	s29 =	smov.u32 s31;
	v22 =	vld [tilespmem:s7+$0x27D0]  }
0x163: {  	v15 =	vadd.f32 v15, v17;
	v14 =	vmul.f32 v16, v14;
	v16 =	vadd.f32 v19, v23;
	v17 =	vld [tilespmem:s23+$0x20];
	v19, _, _ =	vpop (xrf2)  }
0x164: {  	vm1 =	veq.s32 v24, v1;
	v23 =	vld [tilespmem:s7+$0x27E0];
	v19 =	vbroadcast v19, $0xF  }
0x165: {  	v14 =	vadd.f32 v14, v15;
	v13 =	vmul.f32 v16, v13;
	v15 =	vadd.f32 v18, v20;
	v16 =	vld [tilespmem:s23+$0x30]  }
0x166: {  	v18 =	vld [tilespmem:s7+$0x27F0];
	v9 =	vsel vm1, v19, v9  }
0x167: {  	v13 =	vadd.f32 v13, v14;
	v12 =	vmul.f32 v15, v12;
	v14 =	vadd.f32 v21, v22;
	v19 =	vld [tilespmem:s4+$0x30];
	s4 =	sadd.s32 $0x80, s4  }
0x168: {  	v20 =	vld [tilespmem:s4+$0x20]  }
0x169: {  	v15 =	vadd.f32 v12, v13;
	v14 =	vmul.f32 v14, v10;
	v10 =	vld [tilespmem:s4+$0x10];
	v17 =	vadd.f32 v17, v23  }
.Ltmp2:
0x16a: {  	v12 =	vld [tilespmem:s4+$0x0];
	(pc) =	sbr.rel @p4 .LBB2_8-.Ltmp2, $4  }
0x16b: {  	v13 =	vld [tilespmem:s4+$0xFFFFFFF0];
	v21 =	vadd.f32 v14, v15;
	v22 =	vmul.f32 v17, v11;
	v17 =	vadd.f32 v16, v18  }
0x16c: {  	v14 =	vld [tilespmem:s4+$0xFFFFFFE0]  }
0x16d: {  	s3 =	sadd.s32 $0x80, s3;
	s24 =	sadd.s32 $0x100, s24;
	s23 =	sadd.s32 $0x80, s23;
	v15 =	vld [tilespmem:s4+$0xFFFFFFD0];
	v16 =	vadd.f32 v22, v21;
	v17 =	vmul.f32 v17, v19;
	v11 =	vmov v20  }
0x16e: {  	s31 =	sadd.s32 $0x1, s31;
	s10 =	sand.u32 $0x380, s3;
	s7 =	sand.u32 $0x1800, s24;
	v18 =	vld [tilespmem:s4+$0xFFFFFFC0]  }
0x16f: {  	s3 =	sor.u32 s10, s7;
	v19 =	vld [tilespmem:s23+$0xFFFFFFC0]  }
0x170: {  	v20 =	vld [tilespmem:s3+$0x2780]  }
0x171: {  	v21 =	vld [tilespmem:s23+$0xFFFFFFD0]  }
0x172: {  	v22 =	vld [tilespmem:s3+$0x2790]  }
0x173: {  	v23 =	vld [tilespmem:s23+$0xFFFFFFE0]  }
0x174: {  	v24 =	vld [tilespmem:s3+$0x27A0]  }
0x175: {  	v52 =	vld [tilespmem:s23+$0xFFFFFFF0];
	v19 =	vadd.f32 v19, v20  }
0x176: {  	v25 =	vld [tilespmem:s3+$0x27B0]  }
0x177: {  	v54 =	vld [tilespmem:s23+$0x0];
	v53 =	vadd.f32 v21, v22;
	v18 =	vmul.f32 v19, v18  }
0x178: {  	v55 =	vld [tilespmem:s3+$0x27C0]  }
0x179: {  	v57 =	vld [tilespmem:s23+$0x10];
	v56 =	vadd.f32 v23, v24;
	v15 =	vmul.f32 v53, v15;
	v18 =	vadd.f32 $0.0e+00, v18  }
0x17a: {  	v58 =	vld [tilespmem:s3+$0x27D0]  }
0x17b: {  	v60 =	vld [tilespmem:s23+$0x20];
	v59 =	vadd.f32 v52, v25;
	v14 =	vmul.f32 v56, v14;
	v15 =	vadd.f32 v15, v18  }
0x17c: {  	v61 =	vld [tilespmem:s3+$0x27E0]  }
0x17d: {  	v62 =	vld [tilespmem:s23+$0x30];
	v13 =	vmul.f32 v59, v13;
	v14 =	vadd.f32 v14, v15;
	v15 =	vadd.f32 v54, v55  }
0x17e: {  	v63 =	vld [tilespmem:s3+$0x27F0]  }
0x17f: {  	v13 =	vadd.f32 v13, v14;
	v12 =	vmul.f32 v15, v12;
	v14 =	vadd.f32 v57, v58  }
0x180: {  	v15 =	vld [tilespmem:s4+$0x30]  }
0x181: {  	v12 =	vadd.f32 v12, v13;
	v10 =	vmul.f32 v14, v10;
	v13 =	vadd.f32 v60, v61;
	_ =	sdelay $0x1  }
0x182: {  	v10 =	vadd.f32 v10, v12;
	v11 =	vmul.f32 v13, v11;
	v12 =	vadd.f32 v62, v63;
	_ =	sdelay $0x1  }
0x183: {  	v10 =	vadd.f32 v11, v10;
	v11 =	vmul.f32 v12, v15  }
0x184: {  	v12 =	vadd.f32 v17, v16  }
0x185: {  	v10 =	vadd.f32 v11, v10  }
0x186: {  	(xrf2) =	vadd.scan.msk.f32 $0xffff, v12  }
0x187: {  	(xrf2) =	vadd.scan.msk.f32 $0xffff, v10;
	_ =	sdelay $0x8  }
0x188: {  	v10, _, _ =	vpop (xrf2)  }
0x189: {  	v11 =	vmov s0;
	v10 =	vbroadcast v10, $0xF;
	v12, _, _ =	vpop (xrf2)  }
0x18a: {  	vm1 =	veq.s32 v11, v1;
	v11 =	vmov s29;
	v12 =	vbroadcast v12, $0xF  }
0x18b: {  	v9 =	vsel vm1, v10, v9;
	vm1 =	veq.s32 v11, v1  }
0x18c: {  	v9 =	vsel vm1, v12, v9  }
0x18d: {  	v9 =	vmul.f32 $8.838834610e-02, v9;
	_ =	sdelay $0x1  }
0x18e: {  	v9 =	vmul.f32 $1.442695020e+00, v9;
	_ =	sdelay $0x1  }
0x18f: {  	(erf) = vpow2.f32 v9;
	_ =	sdelay $0x1  }
0x190: {  	s0 =	simm.s32 $0x0;
	v9 =	vld [tilespmem:s30+$0x80]  }
0x191: {  	v11 =	vmov s0  }
0x192: {  	vm1 =	veq.s32 v11, v1;
	_ =	sdelay $0x4  }
0x193: {  	s31 =	sand.u32 $0x380, s0;
	v10 =	vpop (erf)  }
0x194: {  	s3 =	sor.u32 s31, s25;
	[tilespmem:v9+s28+$0x0] =	vst.idx.add.f32.msk vm1, v10  }
0x195: {  	v12 =	vld [tilespmem:s3+$0x2B80]  }
0x196: {  	v13 =	vld [tilespmem:s22+$0xFFFFFFC0];
	_ =	sdelay $0x4  }
0x197: {  	v11 =	vperm.xlane v10, v11;
	v12 =	vadd.f32 v13, v12;
	_ =	sdelay $0x1  }
0x198: {  	v12 =	vmul.f32 v12, v11;
	_ =	sdelay $0x1  }
0x199: {  	[tilespmem:s17+$0xFFFFFFC0] =	vst v12  }
0x19a: {  	v12 =	vld [tilespmem:s3+$0x2B90]  }
0x19b: {  	v13 =	vld [tilespmem:s22+$0xFFFFFFD0];
	_ =	sdelay $0x4  }
0x19c: {  	v12 =	vadd.f32 v13, v12;
	_ =	sdelay $0x1  }
0x19d: {  	v12 =	vmul.f32 v12, v11;
	_ =	sdelay $0x1  }
0x19e: {  	[tilespmem:s17+$0xFFFFFFD0] =	vst v12  }
0x19f: {  	v12 =	vld [tilespmem:s3+$0x2BA0]  }
0x1a0: {  	v13 =	vld [tilespmem:s22+$0xFFFFFFE0];
	_ =	sdelay $0x4  }
0x1a1: {  	v12 =	vadd.f32 v13, v12;
	_ =	sdelay $0x1  }
0x1a2: {  	v12 =	vmul.f32 v12, v11;
	_ =	sdelay $0x1  }
0x1a3: {  	[tilespmem:s17+$0xFFFFFFE0] =	vst v12  }
0x1a4: {  	v12 =	vld [tilespmem:s3+$0x2BB0]  }
0x1a5: {  	v13 =	vld [tilespmem:s22+$0xFFFFFFF0];
	_ =	sdelay $0x4  }
0x1a6: {  	v12 =	vadd.f32 v13, v12;
	_ =	sdelay $0x1  }
0x1a7: {  	v12 =	vmul.f32 v12, v11;
	_ =	sdelay $0x1  }
0x1a8: {  	[tilespmem:s17+$0xFFFFFFF0] =	vst v12  }
0x1a9: {  	v12 =	vld [tilespmem:s3+$0x2BC0]  }
0x1aa: {  	v13 =	vld [tilespmem:s22+$0x0];
	_ =	sdelay $0x4  }
0x1ab: {  	v12 =	vadd.f32 v13, v12;
	_ =	sdelay $0x1  }
0x1ac: {  	v12 =	vmul.f32 v12, v11;
	_ =	sdelay $0x1  }
0x1ad: {  	[tilespmem:s17+$0x0] =	vst v12  }
0x1ae: {  	v12 =	vld [tilespmem:s3+$0x2BD0]  }
0x1af: {  	v13 =	vld [tilespmem:s22+$0x10];
	_ =	sdelay $0x4  }
0x1b0: {  	v12 =	vadd.f32 v13, v12;
	_ =	sdelay $0x1  }
0x1b1: {  	v12 =	vmul.f32 v12, v11;
	_ =	sdelay $0x1  }
0x1b2: {  	[tilespmem:s17+$0x10] =	vst v12  }
0x1b3: {  	v12 =	vld [tilespmem:s3+$0x2BE0]  }
0x1b4: {  	v13 =	vld [tilespmem:s22+$0x20];
	_ =	sdelay $0x4  }
0x1b5: {  	v12 =	vadd.f32 v13, v12;
	_ =	sdelay $0x1  }
0x1b6: {  	v12 =	vmul.f32 v12, v11;
	_ =	sdelay $0x1  }
0x1b7: {  	[tilespmem:s17+$0x20] =	vst v12  }
0x1b8: {  	v12 =	vld [tilespmem:s3+$0x2BF0]  }
0x1b9: {  	s4 =	simm.s32 $0x1;
	s25 =	sadd.s32 $0x80, s17;
	v13 =	vld [tilespmem:s22+$0x30]  }
.LBB2_10:
0x1ba: {  	s0 =	sadd.s32 $0x80, s0;
	s13 =	sadd.s32 $0x100, s13;
	s22 =	sadd.s32 $0x80, s22  }
0x1bb: {  	p4 =	sne.s32 s4, $0xF;
	s3 =	smov.u32 s4;
	s4 =	sadd.s32 $0x1, s4  }
0x1bc: {  	v14 =	vmov s3  }
0x1bd: {  	vm1 =	veq.s32 v14, v1  }
0x1be: {  	v12 =	vadd.f32 v13, v12;
	_ =	sdelay $0x1  }
0x1bf: {  	v11 =	vmul.f32 v12, v11;
	_ =	sdelay $0x1  }
0x1c0: {  	s3 =	sand.u32 $0x1800, s13;
	s7 =	sand.u32 $0x380, s0;
	[tilespmem:s17+$0x30] =	vst v11;
	s17 =	smov.u32 s25  }
0x1c1: {  	s23 =	sor.u32 s7, s3;
	[tilespmem:v9+s28+$0x0] =	vst.idx.add.f32.msk vm1, v10  }
0x1c2: {  	v12 =	vld [tilespmem:s23+$0x2B80]  }
0x1c3: {  	v13 =	vld [tilespmem:s22+$0xFFFFFFC0];
	_ =	sdelay $0x3  }
0x1c4: {  	v11 =	vperm.xlane v10, v14  }
0x1c5: {  	v12 =	vadd.f32 v13, v12;
	_ =	sdelay $0x1  }
0x1c6: {  	v12 =	vmul.f32 v12, v11;
	_ =	sdelay $0x1  }
0x1c7: {  	[tilespmem:s25+$0xFFFFFFC0] =	vst v12  }
0x1c8: {  	v12 =	vld [tilespmem:s23+$0x2B90]  }
0x1c9: {  	v13 =	vld [tilespmem:s22+$0xFFFFFFD0];
	_ =	sdelay $0x4  }
0x1ca: {  	v12 =	vadd.f32 v13, v12;
	_ =	sdelay $0x1  }
0x1cb: {  	v12 =	vmul.f32 v12, v11;
	_ =	sdelay $0x1  }
0x1cc: {  	[tilespmem:s25+$0xFFFFFFD0] =	vst v12  }
0x1cd: {  	v12 =	vld [tilespmem:s23+$0x2BA0]  }
0x1ce: {  	v13 =	vld [tilespmem:s22+$0xFFFFFFE0];
	_ =	sdelay $0x4  }
0x1cf: {  	v12 =	vadd.f32 v13, v12;
	_ =	sdelay $0x1  }
0x1d0: {  	v12 =	vmul.f32 v12, v11;
	_ =	sdelay $0x1  }
0x1d1: {  	[tilespmem:s25+$0xFFFFFFE0] =	vst v12  }
0x1d2: {  	v12 =	vld [tilespmem:s23+$0x2BB0]  }
0x1d3: {  	v13 =	vld [tilespmem:s22+$0xFFFFFFF0];
	_ =	sdelay $0x4  }
0x1d4: {  	v12 =	vadd.f32 v13, v12;
	_ =	sdelay $0x1  }
0x1d5: {  	v12 =	vmul.f32 v12, v11;
	_ =	sdelay $0x1  }
0x1d6: {  	[tilespmem:s25+$0xFFFFFFF0] =	vst v12  }
0x1d7: {  	v12 =	vld [tilespmem:s23+$0x2BC0]  }
0x1d8: {  	v13 =	vld [tilespmem:s22+$0x0];
	_ =	sdelay $0x4  }
0x1d9: {  	v12 =	vadd.f32 v13, v12;
	_ =	sdelay $0x1  }
0x1da: {  	v12 =	vmul.f32 v12, v11;
	_ =	sdelay $0x1  }
0x1db: {  	[tilespmem:s25+$0x0] =	vst v12  }
0x1dc: {  	v12 =	vld [tilespmem:s23+$0x2BD0]  }
0x1dd: {  	v13 =	vld [tilespmem:s22+$0x10];
	_ =	sdelay $0x4  }
0x1de: {  	v12 =	vadd.f32 v13, v12;
	_ =	sdelay $0x1  }
0x1df: {  	v12 =	vmul.f32 v12, v11;
	_ =	sdelay $0x1  }
0x1e0: {  	[tilespmem:s25+$0x10] =	vst v12  }
0x1e1: {  	v12 =	vld [tilespmem:s23+$0x2BE0]  }
0x1e2: {  	v13 =	vld [tilespmem:s22+$0x20];
	_ =	sdelay $0x4  }
0x1e3: {  	v12 =	vadd.f32 v13, v12;
	_ =	sdelay $0x1  }
.Ltmp3:
0x1e4: {  	v12 =	vmul.f32 v12, v11;
	(pc) =	sbr.rel @p4 .LBB2_10-.Ltmp3, $4  }
0x1e5: {  	_ = 	snop  }
0x1e6: {  	[tilespmem:s25+$0x20] =	vst v12  }
0x1e7: {  	v12 =	vld [tilespmem:s23+$0x2BF0]  }
0x1e8: {  	s25 =	sadd.s32 $0x80, s25;
	v13 =	vld [tilespmem:s22+$0x30]  }
0x1e9: {  	_ =	sdelay $0x3  }
.Ltmp4:
0x1ea: {  	v9 =	vadd.f32 v13, v12;
	(pc) =	sbr.rel @p3 .LBB2_7-.Ltmp4, $3  }
0x1eb: {  	_ = 	snop  }
0x1ec: {  	v9 =	vmul.f32 v9, v11;
	_ =	sdelay $0x1  }
0x1ed: {  	s30 =	simm.s32 $0x10;
	p4 =	por $0x0, $0x0;
	[tilespmem:s17+$0x30] =	vst v9  }
0x1ee: {  	v9 =	vld [tilespmem:$0x80]  }
0x1ef: {  	v10 =	vld [tilespmem:$0x90];
	_ =	sdelay $0x3  }
0x1f0: {  	s0 =	rddreg [dreg:$0x4];
	[tilespmem:$0x600] =	vst v9  }
0x1f1: {  	s3 =	simm.s32 $0x600;
	s24 =	rddreg [dreg:$0x11];
	[tilespmem:$0x610] =	vst v10  }
0x1f2: {  	[spmem:s0] =	stream.indirect.scatter.add.f32 [tilespmem:s18], [sflag:$0x4], $0x80, s3, s8, $0xb8;
	[tilespmem:$0x1EAC0] =	vst v63  }
0x1f3: {  	s25 =	simm.s32 $0x6780;
	s4 =	simm.s32 $0x580;
	s29 =	simm.s32 $0x4  }
0x1f4: {  	[tilespmem:s25], [sflag:$0x3] =	stream.indirect.gather [hbm4b:s24+s8], $0x80, s4, s8, $0xb8;
	[tilespmem:$0x1EAC0] =	vst v63  }
0x1f5: {  	_ =	swait.ge [sflag:s29], $0x1000  }
0x1f6: {  	s31 =	rddreg [dreg:$0x1a]  }
0x1f7: {  	[sflag:s29] =	ssyncset.done $0x0;
	s0 =	sadd.s32 s19, s31  }
0x1f8: {  	s4 =	rddreg [dreg:$0x7];
	[sflag:s29] =	ssyncadd.s32 $0xFFFFF000;
	s0 =	sshrl.u32 s0, $0x3  }
0x1f9: {  	s19 =	simm.s32 $0x0;
	s7 =	rddreg [dreg:$0x1];
	s3 =	sadd.s32 s4, s0  }
0x1fa: {  	[tilespmem:s19], [sflag:$0x6] =	stream.linear.gather [hbm4b:s3+s19], $0x20, $0x38;
	[tilespmem:$0x1EAC0] =	vst v63  }
0x1fb: {  	s10 =	simm.s32 $0x80;
	s13 =	rddreg [dreg:$0x2];
	s3 =	sadd.s32 s7, s0  }
0x1fc: {  	[tilespmem:s10], [sflag:$0x6] =	stream.linear.gather [hbm4b:s3+s19], $0x20, $0x38;
	[tilespmem:$0x1EAC0] =	vst v63  }
0x1fd: {  	s17 =	simm.s32 $0x100;
	s0 =	sadd.s32 s13, s0  }
0x1fe: {  	[tilespmem:s17], [sflag:$0x6] =	stream.linear.gather [hbm4b:s0+s19], $0x20, $0x38;
	[tilespmem:$0x1EAC0] =	vst v63  }
0x1ff: {  	_ =	swait.ge [sflag:s14], $0x20  }
0x200: {  	[sflag:s14] =	ssyncset.done $0x0  }
0x201: {  	[sflag:s14] =	ssyncadd.s32 $0xFFFFFFE0  }
0x202: {  	_ =	swait.ge [sflag:s14], $0x20  }
0x203: {  	[sflag:s14] =	ssyncset.done $0x0  }
0x204: {  	[sflag:s14] =	ssyncadd.s32 $0xFFFFFFE0  }
0x205: {  	_ =	swait.ge [sflag:s14], $0x20  }
0x206: {  	[sflag:s14] =	ssyncset.done $0x0  }
0x207: {  	[sflag:s14] =	ssyncadd.s32 $0xFFFFFFE0  }
0x208: {  	v9 =	vld [tilespmem:$0x0]  }
0x209: {  	v10 =	vld [tilespmem:$0x80]  }
0x20a: {  	v11 =	vld [tilespmem:$0x100]  }
0x20b: {  	v12 =	vld [tilespmem:$0x10]  }
0x20c: {  	v13 =	vld [tilespmem:$0x90]  }
0x20d: {  	v14 =	vld [tilespmem:$0x110];
	v9 =	vadd.s32 v0, v9  }
0x20e: {  	[tilespmem:$0x380] =	vst v9;
	v9 =	vadd.s32 v0, v10  }
0x20f: {  	[tilespmem:$0x300] =	vst v9;
	v9 =	vadd.s32 v0, v11  }
0x210: {  	[tilespmem:$0x400] =	vst v9;
	v9 =	vadd.s32 v0, v12  }
0x211: {  	s23 =	sld [smem:$0x7FA];
	[tilespmem:$0x390] =	vst v9;
	v9 =	vadd.s32 v0, v13  }
0x212: {  	[tilespmem:$0x310] =	vst v9;
	v9 =	vadd.s32 v0, v14  }
0x213: {  	s22 =	simm.s32 $0x300;
	[tilespmem:$0x410] =	vst v9  }
0x214: {  	[tilespmem:s18], [sflag:$0x1] =	stream.indirect.gather [hbm4b:s23+s8], $0x80, s22, s8, $0xb8;
	[tilespmem:$0x1EAC0] =	vst v63  }
0x215: {  	v9 =	vld [tilespmem:$0x380];
	_ =	sdelay $0x4  }
0x216: {  	v10 =	vshll.u32 v9, $0x1  }
0x217: {  	v9 =	vand.u32 $0x7, v9;
	v10 =	vand.u32 $0xFFFFFFF0, v10  }
0x218: {  	v9 =	vor.u32 v9, v10  }
0x219: {  	v10 =	vperm.xlane v9, v6;
	_ =	sdelay $0x1  }
0x21a: {  	v9 =	vperm.xlane v9, v8;
	v10 =	vadd.s32 v7, v10;
	_ =	sdelay $0x1  }
0x21b: {  	v9 =	vadd.s32 v7, v9;
	_ =	sdelay $0x1  }
0x21c: {  	s24 =	simm.s32 $0x2780  }
0x21d: {  	[tilespmem:s24], [sflag:$0x1] =	stream.indirect_vreg.gather [hbm4b:s11+s19], $0x80, v10, vm0, $0xb8;
	[tilespmem:$0x1EAC0] =	vst v63  }
0x21e: {  	s25 =	simm.s32 $0x2F80  }
0x21f: {  	[tilespmem:s25], [sflag:$0x1] =	stream.indirect_vreg.gather [hbm4b:s11+s19], $0x80, v9, vm0, $0xb8;
	[tilespmem:$0x1EAC0] =	vst v63  }
0x220: {  	v9 =	vld [tilespmem:$0x390];
	_ =	sdelay $0x4  }
0x221: {  	v10 =	vshll.u32 v9, $0x1  }
0x222: {  	v9 =	vand.u32 $0x7, v9;
	v10 =	vand.u32 $0xFFFFFFF0, v10  }
0x223: {  	v9 =	vor.u32 v9, v10  }
0x224: {  	v10 =	vperm.xlane v9, v6;
	_ =	sdelay $0x1  }
0x225: {  	v9 =	vperm.xlane v9, v8;
	v10 =	vadd.s32 v7, v10;
	_ =	sdelay $0x1  }
0x226: {  	v9 =	vadd.s32 v7, v9;
	_ =	sdelay $0x1  }
0x227: {  	s29 =	simm.s32 $0x3780  }
0x228: {  	[tilespmem:s29], [sflag:$0x1] =	stream.indirect_vreg.gather [hbm4b:s11+s19], $0x80, v10, vm0, $0xb8;
	[tilespmem:$0x1EAC0] =	vst v63  }
0x229: {  	s31 =	simm.s32 $0x3F80  }
0x22a: {  	[tilespmem:s31], [sflag:$0x1] =	stream.indirect_vreg.gather [hbm4b:s11+s19], $0x80, v9, vm0, $0xb8;
	[tilespmem:$0x1EAC0] =	vst v63  }
0x22b: {  	_ =	swait.ge [sflag:s2], $0x1000  }
0x22c: {  	[sflag:s2] =	ssyncset.done $0x0  }
0x22d: {  	[sflag:s2] =	ssyncadd.s32 $0xFFFFF000  }
0x22e: {  	_ =	swait.ge [sflag:s2], $0x2000  }
0x22f: {  	[sflag:s2] =	ssyncset.done $0x0  }
0x230: {  	[sflag:s2] =	ssyncadd.s32 $0xFFFFE000  }
0x231: {  	_ =	swait.ge [sflag:s12], $0x1000  }
0x232: {  	[sflag:s12] =	ssyncset.done $0x0  }
0x233: {  	p4 =	por $0x1, $0x1;
	s30 =	simm.s32 $0x0;
	[sflag:s12] =	ssyncadd.s32 $0xFFFFF000  }
.LBB2_13:
0x234: {  	s0 =	sshll.u32 s30, $0x9  }
0x235: {  	s0 =	sshra.s32 s0, $0x2  }
0x236: {  	s17 =	sadd.s32 $0x17C0, s0  }
0x237: {  	v9 =	vld [tilespmem:s17+$0x20]  }
0x238: {  	v12 =	vld [tilespmem:s17+$0x10]  }
0x239: {  	v10 =	vld [tilespmem:s17+$0x0]  }
0x23a: {  	v11 =	vld [tilespmem:s17+$0xFFFFFFF0]  }
0x23b: {  	v13 =	vld [tilespmem:s17+$0xFFFFFFE0]  }
0x23c: {  	s13 =	sshll.u32 s30, $0x8;
	v14 =	vld [tilespmem:s17+$0xFFFFFFD0]  }
0x23d: {  	s24 =	sand.u32 $0x380, s19;
	s25 =	sand.u32 $0x1800, s13;
	s22 =	sadd.s32 $0x67C0, s0;
	v15 =	vld [tilespmem:s17+$0xFFFFFFC0]  }
0x23e: {  	s0 =	sor.u32 s24, s25;
	v16 =	vld [tilespmem:s22+$0xFFFFFFC0]  }
0x23f: {  	v17 =	vld [tilespmem:s0+$0x4780]  }
0x240: {  	v18 =	vld [tilespmem:s22+$0xFFFFFFD0]  }
0x241: {  	v19 =	vld [tilespmem:s0+$0x4790]  }
0x242: {  	v20 =	vld [tilespmem:s22+$0xFFFFFFE0]  }
0x243: {  	v21 =	vld [tilespmem:s0+$0x47A0]  }
0x244: {  	v22 =	vld [tilespmem:s22+$0xFFFFFFF0];
	v16 =	vadd.f32 v16, v17  }
0x245: {  	v17 =	vld [tilespmem:s0+$0x47B0]  }
0x246: {  	v23 =	vld [tilespmem:s22+$0x0];
	v15 =	vmul.f32 v16, v15;
	v16 =	vadd.f32 v18, v19  }
0x247: {  	v18 =	vld [tilespmem:s0+$0x47C0]  }
0x248: {  	v19 =	vld [tilespmem:s22+$0x10];
	v15 =	vadd.f32 $0.0e+00, v15;
	v14 =	vmul.f32 v16, v14;
	v16 =	vadd.f32 v20, v21  }
0x249: {  	v20 =	vld [tilespmem:s0+$0x47D0]  }
0x24a: {  	v63 =	vld [tilespmem:s22+$0x20];
	v14 =	vadd.f32 v14, v15;
	v13 =	vmul.f32 v16, v13;
	v15 =	vadd.f32 v22, v17  }
0x24b: {  	v16 =	vld [tilespmem:s0+$0x47E0]  }
0x24c: {  	v17 =	vld [tilespmem:s22+$0x30];
	v13 =	vadd.f32 v13, v14;
	v11 =	vmul.f32 v15, v11;
	v14 =	vadd.f32 v23, v18  }
0x24d: {  	v15 =	vld [tilespmem:s0+$0x47F0]  }
0x24e: {  	s29 =	sadd.s32 $0x80, s17;
	v18 =	vld [tilespmem:s17+$0x30];
	v19 =	vadd.f32 v19, v20;
	v13 =	vadd.f32 v11, v13;
	v14 =	vmul.f32 v14, v10  }
0x24f: {  	v11 =	vld [tilespmem:s29+$0x20]  }
0x250: {  	v10 =	vld [tilespmem:s29+$0x10];
	v19 =	vmul.f32 v19, v12;
	v16 =	vadd.f32 v63, v16;
	v14 =	vadd.f32 v14, v13  }
0x251: {  	v12 =	vld [tilespmem:s29+$0x0]  }
0x252: {  	v13 =	vld [tilespmem:s29+$0xFFFFFFF0];
	v16 =	vmul.f32 v16, v9;
	v17 =	vadd.f32 v17, v15;
	v19 =	vadd.f32 v19, v14  }
0x253: {  	p3 =	por p4, p4;
	s31 =	simm.s32 $0x2;
	s3 =	sadd.s32 $0x100, s13;
	v15 =	vld [tilespmem:s29+$0xFFFFFFD0]  }
0x254: {  	s4 =	simm.s32 $0x0;
	s24 =	simm.s32 $0x80;
	s7 =	sand.u32 $0x1800, s3;
	v14 =	vld [tilespmem:s29+$0xFFFFFFE0];
	v17 =	vmul.f32 v17, v18;
	v16 =	vadd.f32 v16, v19  }
0x255: {  	s23 =	sadd.s32 $0x80, s22;
	s10 =	sand.u32 $0x380, s24;
	s0 =	simm.s32 $0x1;
	v9 =	vimm.f32 $0.0e+00;
	v18 =	vld [tilespmem:s29+$0xFFFFFFC0]  }
.LBB2_14:
0x256: {  	p4 =	sne.s32 s31, $0xF;
	s7 =	sor.u32 s10, s7;
	v19 =	vld [tilespmem:s23+$0xFFFFFFC0];
	v16 =	vadd.f32 v17, v16  }
0x257: {  	v17 =	vld [tilespmem:s7+$0x4780]  }
0x258: {  	v20 =	vld [tilespmem:s23+$0xFFFFFFD0];
	(xrf2) =	vadd.scan.msk.f32 $0xffff, v16  }
0x259: {  	v16 =	vld [tilespmem:s7+$0x4790]  }
0x25a: {  	v21 =	vld [tilespmem:s23+$0xFFFFFFE0]  }
0x25b: {  	v22 =	vld [tilespmem:s7+$0x47A0]  }
0x25c: {  	v17 =	vadd.f32 v19, v17;
	v19 =	vld [tilespmem:s23+$0xFFFFFFF0]  }
0x25d: {  	v23 =	vld [tilespmem:s7+$0x47B0]  }
0x25e: {  	v17 =	vmul.f32 v17, v18;
	v16 =	vadd.f32 v20, v16;
	v18 =	vld [tilespmem:s23+$0x0]  }
0x25f: {  	v20 =	vld [tilespmem:s7+$0x47C0]  }
0x260: {  	v17 =	vadd.f32 $0.0e+00, v17;
	v15 =	vmul.f32 v16, v15;
	v16 =	vadd.f32 v21, v22;
	v21 =	vld [tilespmem:s23+$0x10]  }
0x261: {  	v24 =	vmov s4;
	s4 =	smov.u32 s0;
	s0 =	smov.u32 s31;
	v22 =	vld [tilespmem:s7+$0x47D0]  }
0x262: {  	v15 =	vadd.f32 v15, v17;
	v14 =	vmul.f32 v16, v14;
	v16 =	vadd.f32 v19, v23;
	v17 =	vld [tilespmem:s23+$0x20];
	v19, _, _ =	vpop (xrf2)  }
0x263: {  	vm1 =	veq.s32 v24, v1;
	v23 =	vld [tilespmem:s7+$0x47E0];
	v19 =	vbroadcast v19, $0xF  }
0x264: {  	v14 =	vadd.f32 v14, v15;
	v13 =	vmul.f32 v16, v13;
	v15 =	vadd.f32 v18, v20;
	v16 =	vld [tilespmem:s23+$0x30]  }
0x265: {  	v18 =	vld [tilespmem:s7+$0x47F0];
	v9 =	vsel vm1, v19, v9  }
0x266: {  	v13 =	vadd.f32 v13, v14;
	v12 =	vmul.f32 v15, v12;
	v14 =	vadd.f32 v21, v22;
	v19 =	vld [tilespmem:s29+$0x30];
	s29 =	sadd.s32 $0x80, s29  }
0x267: {  	v20 =	vld [tilespmem:s29+$0x20]  }
0x268: {  	v15 =	vadd.f32 v12, v13;
	v14 =	vmul.f32 v14, v10;
	v10 =	vld [tilespmem:s29+$0x10];
	v17 =	vadd.f32 v17, v23  }
.Ltmp5:
0x269: {  	v12 =	vld [tilespmem:s29+$0x0];
	(pc) =	sbr.rel @p4 .LBB2_14-.Ltmp5, $4  }
0x26a: {  	v13 =	vld [tilespmem:s29+$0xFFFFFFF0];
	v21 =	vadd.f32 v14, v15;
	v22 =	vmul.f32 v17, v11;
	v17 =	vadd.f32 v16, v18  }
0x26b: {  	v14 =	vld [tilespmem:s29+$0xFFFFFFE0]  }
0x26c: {  	s24 =	sadd.s32 $0x80, s24;
	s3 =	sadd.s32 $0x100, s3;
	s23 =	sadd.s32 $0x80, s23;
	v15 =	vld [tilespmem:s29+$0xFFFFFFD0];
	v16 =	vadd.f32 v22, v21;
	v17 =	vmul.f32 v17, v19;
	v11 =	vmov v20  }
0x26d: {  	s31 =	sadd.s32 $0x1, s31;
	s10 =	sand.u32 $0x380, s24;
	s7 =	sand.u32 $0x1800, s3;
	v18 =	vld [tilespmem:s29+$0xFFFFFFC0]  }
0x26e: {  	s3 =	sor.u32 s10, s7;
	v19 =	vld [tilespmem:s23+$0xFFFFFFC0]  }
0x26f: {  	v20 =	vld [tilespmem:s3+$0x4780]  }
0x270: {  	v21 =	vld [tilespmem:s23+$0xFFFFFFD0]  }
0x271: {  	v22 =	vld [tilespmem:s3+$0x4790]  }
0x272: {  	v23 =	vld [tilespmem:s23+$0xFFFFFFE0]  }
0x273: {  	v24 =	vld [tilespmem:s3+$0x47A0]  }
0x274: {  	v52 =	vld [tilespmem:s23+$0xFFFFFFF0];
	v19 =	vadd.f32 v19, v20  }
0x275: {  	v25 =	vld [tilespmem:s3+$0x47B0]  }
0x276: {  	v54 =	vld [tilespmem:s23+$0x0];
	v53 =	vadd.f32 v21, v22;
	v18 =	vmul.f32 v19, v18  }
0x277: {  	v55 =	vld [tilespmem:s3+$0x47C0]  }
0x278: {  	v57 =	vld [tilespmem:s23+$0x10];
	v56 =	vadd.f32 v23, v24;
	v15 =	vmul.f32 v53, v15;
	v18 =	vadd.f32 $0.0e+00, v18  }
0x279: {  	v58 =	vld [tilespmem:s3+$0x47D0]  }
0x27a: {  	v60 =	vld [tilespmem:s23+$0x20];
	v59 =	vadd.f32 v52, v25;
	v14 =	vmul.f32 v56, v14;
	v15 =	vadd.f32 v15, v18  }
0x27b: {  	v61 =	vld [tilespmem:s3+$0x47E0]  }
0x27c: {  	v62 =	vld [tilespmem:s23+$0x30];
	v13 =	vmul.f32 v59, v13;
	v14 =	vadd.f32 v14, v15;
	v15 =	vadd.f32 v54, v55  }
0x27d: {  	v63 =	vld [tilespmem:s3+$0x47F0]  }
0x27e: {  	v13 =	vadd.f32 v13, v14;
	v12 =	vmul.f32 v15, v12;
	v14 =	vadd.f32 v57, v58  }
0x27f: {  	v15 =	vld [tilespmem:s29+$0x30]  }
0x280: {  	v12 =	vadd.f32 v12, v13;
	v10 =	vmul.f32 v14, v10;
	v13 =	vadd.f32 v60, v61;
	_ =	sdelay $0x1  }
0x281: {  	v10 =	vadd.f32 v10, v12;
	v11 =	vmul.f32 v13, v11;
	v12 =	vadd.f32 v62, v63;
	_ =	sdelay $0x1  }
0x282: {  	v10 =	vadd.f32 v11, v10;
	v11 =	vmul.f32 v12, v15  }
0x283: {  	v12 =	vadd.f32 v17, v16  }
0x284: {  	v10 =	vadd.f32 v11, v10  }
0x285: {  	(xrf2) =	vadd.scan.msk.f32 $0xffff, v12  }
0x286: {  	(xrf2) =	vadd.scan.msk.f32 $0xffff, v10;
	_ =	sdelay $0x8  }
0x287: {  	v10, _, _ =	vpop (xrf2)  }
0x288: {  	v11 =	vmov s4;
	v10 =	vbroadcast v10, $0xF;
	v12, _, _ =	vpop (xrf2)  }
0x289: {  	vm1 =	veq.s32 v11, v1;
	v11 =	vmov s0;
	v12 =	vbroadcast v12, $0xF  }
0x28a: {  	v9 =	vsel vm1, v10, v9;
	vm1 =	veq.s32 v11, v1  }
0x28b: {  	v9 =	vsel vm1, v12, v9  }
0x28c: {  	v9 =	vmul.f32 $8.838834610e-02, v9;
	_ =	sdelay $0x1  }
0x28d: {  	v9 =	vmul.f32 $1.442695020e+00, v9;
	_ =	sdelay $0x1  }
0x28e: {  	(erf) = vpow2.f32 v9;
	_ =	sdelay $0x1  }
0x28f: {  	s0 =	simm.s32 $0x0;
	v9 =	vld [tilespmem:s30+$0x200]  }
0x290: {  	v11 =	vmov s0  }
0x291: {  	vm1 =	veq.s32 v11, v1;
	_ =	sdelay $0x4  }
0x292: {  	s31 =	sand.u32 $0x380, s0;
	v10 =	vpop (erf)  }
0x293: {  	s3 =	sor.u32 s31, s25;
	[tilespmem:v9+s28+$0x0] =	vst.idx.add.f32.msk vm1, v10  }
0x294: {  	v12 =	vld [tilespmem:s3+$0x4B80]  }
0x295: {  	v13 =	vld [tilespmem:s22+$0xFFFFFFC0];
	_ =	sdelay $0x4  }
0x296: {  	v11 =	vperm.xlane v10, v11;
	v12 =	vadd.f32 v13, v12;
	_ =	sdelay $0x1  }
0x297: {  	v12 =	vmul.f32 v12, v11;
	_ =	sdelay $0x1  }
0x298: {  	[tilespmem:s17+$0xFFFFFFC0] =	vst v12  }
0x299: {  	v12 =	vld [tilespmem:s3+$0x4B90]  }
0x29a: {  	v13 =	vld [tilespmem:s22+$0xFFFFFFD0];
	_ =	sdelay $0x4  }
0x29b: {  	v12 =	vadd.f32 v13, v12;
	_ =	sdelay $0x1  }
0x29c: {  	v12 =	vmul.f32 v12, v11;
	_ =	sdelay $0x1  }
0x29d: {  	[tilespmem:s17+$0xFFFFFFD0] =	vst v12  }
0x29e: {  	v12 =	vld [tilespmem:s3+$0x4BA0]  }
0x29f: {  	v13 =	vld [tilespmem:s22+$0xFFFFFFE0];
	_ =	sdelay $0x4  }
0x2a0: {  	v12 =	vadd.f32 v13, v12;
	_ =	sdelay $0x1  }
0x2a1: {  	v12 =	vmul.f32 v12, v11;
	_ =	sdelay $0x1  }
0x2a2: {  	[tilespmem:s17+$0xFFFFFFE0] =	vst v12  }
0x2a3: {  	v12 =	vld [tilespmem:s3+$0x4BB0]  }
0x2a4: {  	v13 =	vld [tilespmem:s22+$0xFFFFFFF0];
	_ =	sdelay $0x4  }
0x2a5: {  	v12 =	vadd.f32 v13, v12;
	_ =	sdelay $0x1  }
0x2a6: {  	v12 =	vmul.f32 v12, v11;
	_ =	sdelay $0x1  }
0x2a7: {  	[tilespmem:s17+$0xFFFFFFF0] =	vst v12  }
0x2a8: {  	v12 =	vld [tilespmem:s3+$0x4BC0]  }
0x2a9: {  	v13 =	vld [tilespmem:s22+$0x0];
	_ =	sdelay $0x4  }
0x2aa: {  	v12 =	vadd.f32 v13, v12;
	_ =	sdelay $0x1  }
0x2ab: {  	v12 =	vmul.f32 v12, v11;
	_ =	sdelay $0x1  }
0x2ac: {  	[tilespmem:s17+$0x0] =	vst v12  }
0x2ad: {  	v12 =	vld [tilespmem:s3+$0x4BD0]  }
0x2ae: {  	v13 =	vld [tilespmem:s22+$0x10];
	_ =	sdelay $0x4  }
0x2af: {  	v12 =	vadd.f32 v13, v12;
	_ =	sdelay $0x1  }
0x2b0: {  	v12 =	vmul.f32 v12, v11;
	_ =	sdelay $0x1  }
0x2b1: {  	[tilespmem:s17+$0x10] =	vst v12  }
0x2b2: {  	v12 =	vld [tilespmem:s3+$0x4BE0]  }
0x2b3: {  	v13 =	vld [tilespmem:s22+$0x20];
	_ =	sdelay $0x4  }
0x2b4: {  	v12 =	vadd.f32 v13, v12;
	_ =	sdelay $0x1  }
0x2b5: {  	v12 =	vmul.f32 v12, v11;
	_ =	sdelay $0x1  }
0x2b6: {  	[tilespmem:s17+$0x20] =	vst v12  }
0x2b7: {  	v12 =	vld [tilespmem:s3+$0x4BF0]  }
0x2b8: {  	s4 =	simm.s32 $0x1;
	s25 =	sadd.s32 $0x80, s17;
	v13 =	vld [tilespmem:s22+$0x30]  }
.LBB2_16:
0x2b9: {  	s0 =	sadd.s32 $0x80, s0;
	s13 =	sadd.s32 $0x100, s13;
	s22 =	sadd.s32 $0x80, s22  }
0x2ba: {  	p4 =	sne.s32 s4, $0xF;
	s3 =	smov.u32 s4;
	s4 =	sadd.s32 $0x1, s4  }
0x2bb: {  	v14 =	vmov s3  }
0x2bc: {  	vm1 =	veq.s32 v14, v1  }
0x2bd: {  	v12 =	vadd.f32 v13, v12;
	_ =	sdelay $0x1  }
0x2be: {  	v11 =	vmul.f32 v12, v11;
	_ =	sdelay $0x1  }
0x2bf: {  	s3 =	sand.u32 $0x1800, s13;
	s7 =	sand.u32 $0x380, s0;
	[tilespmem:s17+$0x30] =	vst v11;
	s17 =	smov.u32 s25  }
0x2c0: {  	s23 =	sor.u32 s7, s3;
	[tilespmem:v9+s28+$0x0] =	vst.idx.add.f32.msk vm1, v10  }
0x2c1: {  	v12 =	vld [tilespmem:s23+$0x4B80]  }
0x2c2: {  	v13 =	vld [tilespmem:s22+$0xFFFFFFC0];
	_ =	sdelay $0x3  }
0x2c3: {  	v11 =	vperm.xlane v10, v14  }
0x2c4: {  	v12 =	vadd.f32 v13, v12;
	_ =	sdelay $0x1  }
0x2c5: {  	v12 =	vmul.f32 v12, v11;
	_ =	sdelay $0x1  }
0x2c6: {  	[tilespmem:s25+$0xFFFFFFC0] =	vst v12  }
0x2c7: {  	v12 =	vld [tilespmem:s23+$0x4B90]  }
0x2c8: {  	v13 =	vld [tilespmem:s22+$0xFFFFFFD0];
	_ =	sdelay $0x4  }
0x2c9: {  	v12 =	vadd.f32 v13, v12;
	_ =	sdelay $0x1  }
0x2ca: {  	v12 =	vmul.f32 v12, v11;
	_ =	sdelay $0x1  }
0x2cb: {  	[tilespmem:s25+$0xFFFFFFD0] =	vst v12  }
0x2cc: {  	v12 =	vld [tilespmem:s23+$0x4BA0]  }
0x2cd: {  	v13 =	vld [tilespmem:s22+$0xFFFFFFE0];
	_ =	sdelay $0x4  }
0x2ce: {  	v12 =	vadd.f32 v13, v12;
	_ =	sdelay $0x1  }
0x2cf: {  	v12 =	vmul.f32 v12, v11;
	_ =	sdelay $0x1  }
0x2d0: {  	[tilespmem:s25+$0xFFFFFFE0] =	vst v12  }
0x2d1: {  	v12 =	vld [tilespmem:s23+$0x4BB0]  }
0x2d2: {  	v13 =	vld [tilespmem:s22+$0xFFFFFFF0];
	_ =	sdelay $0x4  }
0x2d3: {  	v12 =	vadd.f32 v13, v12;
	_ =	sdelay $0x1  }
0x2d4: {  	v12 =	vmul.f32 v12, v11;
	_ =	sdelay $0x1  }
0x2d5: {  	[tilespmem:s25+$0xFFFFFFF0] =	vst v12  }
0x2d6: {  	v12 =	vld [tilespmem:s23+$0x4BC0]  }
0x2d7: {  	v13 =	vld [tilespmem:s22+$0x0];
	_ =	sdelay $0x4  }
0x2d8: {  	v12 =	vadd.f32 v13, v12;
	_ =	sdelay $0x1  }
0x2d9: {  	v12 =	vmul.f32 v12, v11;
	_ =	sdelay $0x1  }
0x2da: {  	[tilespmem:s25+$0x0] =	vst v12  }
0x2db: {  	v12 =	vld [tilespmem:s23+$0x4BD0]  }
0x2dc: {  	v13 =	vld [tilespmem:s22+$0x10];
	_ =	sdelay $0x4  }
0x2dd: {  	v12 =	vadd.f32 v13, v12;
	_ =	sdelay $0x1  }
0x2de: {  	v12 =	vmul.f32 v12, v11;
	_ =	sdelay $0x1  }
0x2df: {  	[tilespmem:s25+$0x10] =	vst v12  }
0x2e0: {  	v12 =	vld [tilespmem:s23+$0x4BE0]  }
0x2e1: {  	v13 =	vld [tilespmem:s22+$0x20];
	_ =	sdelay $0x4  }
0x2e2: {  	v12 =	vadd.f32 v13, v12;
	_ =	sdelay $0x1  }
.Ltmp6:
0x2e3: {  	v12 =	vmul.f32 v12, v11;
	(pc) =	sbr.rel @p4 .LBB2_16-.Ltmp6, $4  }
0x2e4: {  	_ = 	snop  }
0x2e5: {  	[tilespmem:s25+$0x20] =	vst v12  }
0x2e6: {  	v12 =	vld [tilespmem:s23+$0x4BF0]  }
0x2e7: {  	s25 =	sadd.s32 $0x80, s25;
	v13 =	vld [tilespmem:s22+$0x30]  }
0x2e8: {  	_ =	sdelay $0x3  }
.Ltmp7:
0x2e9: {  	v9 =	vadd.f32 v13, v12;
	(pc) =	sbr.rel @p3 .LBB2_13-.Ltmp7, $3  }
0x2ea: {  	_ = 	snop  }
0x2eb: {  	v9 =	vmul.f32 v9, v11;
	_ =	sdelay $0x1  }
0x2ec: {  	s30 =	simm.s32 $0x10;
	p4 =	por $0x0, $0x0;
	[tilespmem:s17+$0x30] =	vst v9  }
0x2ed: {  	v9 =	vld [tilespmem:$0x200]  }
0x2ee: {  	v10 =	vld [tilespmem:$0x210];
	s5 =	sadd.s32 $0x1, s5  }
0x2ef: {  	p3 =	sne.s32 s5, $0x138  }
.Ltmp8:
0x2f0: {  	_ = 	snop;
	(pc) =	sbr.rel @p3 .LBB2_6-.Ltmp8, $4  }
0x2f1: {  	_ = 	snop  }
0x2f2: {  	s0 =	rddreg [dreg:$0x4];
	s13 =	simm.s32 $0x1780;
	[tilespmem:$0x680] =	vst v9  }
0x2f3: {  	s3 =	simm.s32 $0x680;
	s7 =	simm.s32 $0x4780;
	s10 =	simm.s32 $0x4F80;
	[tilespmem:$0x690] =	vst v10  }
0x2f4: {  	[spmem:s0] =	stream.indirect.scatter.add.f32 [tilespmem:s13], [sflag:$0x5], $0x80, s3, s8, $0xb8;
	[tilespmem:$0x1EAC0] =	vst v63  }
0x2f5: {  	s0 =	rddreg [dreg:$0x11]  }
0x2f6: {  	s3 =	simm.s32 $0x400;
	s4 =	simm.s32 $0x6780;
	s31 =	simm.s32 $0x5  }
0x2f7: {  	[tilespmem:s4], [sflag:$0x3] =	stream.indirect.gather [hbm4b:s0+s8], $0x80, s3, s8, $0xb8;
	[tilespmem:$0x1EAC0] =	vst v63  }
0x2f8: {  	_ =	swait.ge [sflag:s31], $0x1000  }
0x2f9: {  	[sflag:s31] =	ssyncset.done $0x0  }
0x2fa: {  	[sflag:s31] =	ssyncadd.s32 $0xFFFFF000  }
0x2fb: {  	_ =	swait.ge [sflag:s1], $0x1000  }
0x2fc: {  	[sflag:s1] =	ssyncset.done $0x0  }
0x2fd: {  	[sflag:s1] =	ssyncadd.s32 $0xFFFFF000  }
0x2fe: {  	_ =	swait.ge [sflag:s1], $0x2000  }
0x2ff: {  	[sflag:s1] =	ssyncset.done $0x0  }
0x300: {  	[sflag:s1] =	ssyncadd.s32 $0xFFFFE000  }
0x301: {  	_ =	swait.ge [sflag:s12], $0x1000  }
0x302: {  	s5 =	simm.s32 $0x0;
	[sflag:s12] =	ssyncset.done $0x0  }
0x303: {  	p4 =	por $0x1, $0x1;
	s19 =	simm.s32 $0x0;
	[sflag:s12] =	ssyncadd.s32 $0xFFFFF000  }
.LBB2_20:
0x304: {  	s0 =	sshll.u32 s19, $0x9  }
0x305: {  	s0 =	sshra.s32 s0, $0x2  }
0x306: {  	s16 =	sadd.s32 $0x7C0, s0  }
0x307: {  	v9 =	vld [tilespmem:s16+$0x20]  }
0x308: {  	v12 =	vld [tilespmem:s16+$0x10]  }
0x309: {  	v10 =	vld [tilespmem:s16+$0x0]  }
0x30a: {  	v11 =	vld [tilespmem:s16+$0xFFFFFFF0]  }
0x30b: {  	v13 =	vld [tilespmem:s16+$0xFFFFFFE0]  }
0x30c: {  	s13 =	sshll.u32 s19, $0x8;
	v14 =	vld [tilespmem:s16+$0xFFFFFFD0]  }
0x30d: {  	s31 =	sand.u32 $0x380, s5;
	s22 =	sand.u32 $0x1800, s13;
	s17 =	sadd.s32 $0x67C0, s0;
	v15 =	vld [tilespmem:s16+$0xFFFFFFC0]  }
0x30e: {  	s0 =	sor.u32 s31, s22;
	v16 =	vld [tilespmem:s17+$0xFFFFFFC0]  }
0x30f: {  	v17 =	vld [tilespmem:s0+$0x2780]  }
0x310: {  	v18 =	vld [tilespmem:s17+$0xFFFFFFD0]  }
0x311: {  	v19 =	vld [tilespmem:s0+$0x2790]  }
0x312: {  	v20 =	vld [tilespmem:s17+$0xFFFFFFE0]  }
0x313: {  	v21 =	vld [tilespmem:s0+$0x27A0]  }
0x314: {  	v22 =	vld [tilespmem:s17+$0xFFFFFFF0];
	v16 =	vadd.f32 v16, v17  }
0x315: {  	v17 =	vld [tilespmem:s0+$0x27B0]  }
0x316: {  	v23 =	vld [tilespmem:s17+$0x0];
	v15 =	vmul.f32 v16, v15;
	v16 =	vadd.f32 v18, v19  }
0x317: {  	v18 =	vld [tilespmem:s0+$0x27C0]  }
0x318: {  	v19 =	vld [tilespmem:s17+$0x10];
	v15 =	vadd.f32 $0.0e+00, v15;
	v14 =	vmul.f32 v16, v14;
	v16 =	vadd.f32 v20, v21  }
0x319: {  	v20 =	vld [tilespmem:s0+$0x27D0]  }
0x31a: {  	v63 =	vld [tilespmem:s17+$0x20];
	v14 =	vadd.f32 v14, v15;
	v13 =	vmul.f32 v16, v13;
	v15 =	vadd.f32 v22, v17  }
0x31b: {  	v16 =	vld [tilespmem:s0+$0x27E0]  }
0x31c: {  	v17 =	vld [tilespmem:s17+$0x30];
	v13 =	vadd.f32 v13, v14;
	v11 =	vmul.f32 v15, v11;
	v14 =	vadd.f32 v23, v18  }
0x31d: {  	v15 =	vld [tilespmem:s0+$0x27F0]  }
0x31e: {  	s25 =	sadd.s32 $0x80, s16;
	v18 =	vld [tilespmem:s16+$0x30];
	v19 =	vadd.f32 v19, v20;
	v13 =	vadd.f32 v11, v13;
	v14 =	vmul.f32 v14, v10  }
0x31f: {  	v11 =	vld [tilespmem:s25+$0x20]  }
0x320: {  	v10 =	vld [tilespmem:s25+$0x10];
	v19 =	vmul.f32 v19, v12;
	v16 =	vadd.f32 v63, v16;
	v14 =	vadd.f32 v14, v13  }
0x321: {  	v12 =	vld [tilespmem:s25+$0x0]  }
0x322: {  	v13 =	vld [tilespmem:s25+$0xFFFFFFF0];
	v16 =	vmul.f32 v16, v9;
	v17 =	vadd.f32 v17, v15;
	v19 =	vadd.f32 v19, v14  }
0x323: {  	s24 =	simm.s32 $0x80;
	p3 =	por p4, p4;
	s29 =	simm.s32 $0x2;
	v15 =	vld [tilespmem:s25+$0xFFFFFFD0]  }
0x324: {  	s4 =	simm.s32 $0x0;
	s3 =	sadd.s32 $0x100, s13;
	s10 =	sand.u32 $0x380, s24;
	v14 =	vld [tilespmem:s25+$0xFFFFFFE0];
	v17 =	vmul.f32 v17, v18;
	v16 =	vadd.f32 v16, v19  }
0x325: {  	s7 =	sand.u32 $0x1800, s3;
	s23 =	sadd.s32 $0x80, s17;
	s0 =	simm.s32 $0x1;
	v9 =	vimm.f32 $0.0e+00;
	v18 =	vld [tilespmem:s25+$0xFFFFFFC0]  }
.LBB2_21:
0x326: {  	p4 =	sne.s32 s29, $0xF;
	s7 =	sor.u32 s10, s7;
	v19 =	vld [tilespmem:s23+$0xFFFFFFC0];
	v16 =	vadd.f32 v17, v16  }
0x327: {  	v17 =	vld [tilespmem:s7+$0x2780]  }
0x328: {  	v20 =	vld [tilespmem:s23+$0xFFFFFFD0];
	(xrf2) =	vadd.scan.msk.f32 $0xffff, v16  }
0x329: {  	v16 =	vld [tilespmem:s7+$0x2790]  }
0x32a: {  	v21 =	vld [tilespmem:s23+$0xFFFFFFE0]  }
0x32b: {  	v22 =	vld [tilespmem:s7+$0x27A0]  }
0x32c: {  	v17 =	vadd.f32 v19, v17;
	v19 =	vld [tilespmem:s23+$0xFFFFFFF0]  }
0x32d: {  	v23 =	vld [tilespmem:s7+$0x27B0]  }
0x32e: {  	v17 =	vmul.f32 v17, v18;
	v16 =	vadd.f32 v20, v16;
	v18 =	vld [tilespmem:s23+$0x0]  }
0x32f: {  	v20 =	vld [tilespmem:s7+$0x27C0]  }
0x330: {  	v17 =	vadd.f32 $0.0e+00, v17;
	v15 =	vmul.f32 v16, v15;
	v16 =	vadd.f32 v21, v22;
	v21 =	vld [tilespmem:s23+$0x10]  }
0x331: {  	v24 =	vmov s4;
	s4 =	smov.u32 s0;
	s0 =	smov.u32 s29;
	v22 =	vld [tilespmem:s7+$0x27D0]  }
0x332: {  	v15 =	vadd.f32 v15, v17;
	v14 =	vmul.f32 v16, v14;
	v16 =	vadd.f32 v19, v23;
	v17 =	vld [tilespmem:s23+$0x20];
	v19, _, _ =	vpop (xrf2)  }
0x333: {  	vm1 =	veq.s32 v24, v1;
	v23 =	vld [tilespmem:s7+$0x27E0];
	v19 =	vbroadcast v19, $0xF  }
0x334: {  	v14 =	vadd.f32 v14, v15;
	v13 =	vmul.f32 v16, v13;
	v15 =	vadd.f32 v18, v20;
	v16 =	vld [tilespmem:s23+$0x30]  }
0x335: {  	v18 =	vld [tilespmem:s7+$0x27F0];
	v9 =	vsel vm1, v19, v9  }
0x336: {  	v13 =	vadd.f32 v13, v14;
	v12 =	vmul.f32 v15, v12;
	v14 =	vadd.f32 v21, v22;
	v19 =	vld [tilespmem:s25+$0x30];
	s25 =	sadd.s32 $0x80, s25  }
0x337: {  	v20 =	vld [tilespmem:s25+$0x20]  }
0x338: {  	v15 =	vadd.f32 v12, v13;
	v14 =	vmul.f32 v14, v10;
	v10 =	vld [tilespmem:s25+$0x10];
	v17 =	vadd.f32 v17, v23  }
.Ltmp9:
0x339: {  	v12 =	vld [tilespmem:s25+$0x0];
	(pc) =	sbr.rel @p4 .LBB2_21-.Ltmp9, $4  }
0x33a: {  	v13 =	vld [tilespmem:s25+$0xFFFFFFF0];
	v21 =	vadd.f32 v14, v15;
	v22 =	vmul.f32 v17, v11;
	v17 =	vadd.f32 v16, v18  }
0x33b: {  	v14 =	vld [tilespmem:s25+$0xFFFFFFE0]  }
0x33c: {  	s24 =	sadd.s32 $0x80, s24;
	s3 =	sadd.s32 $0x100, s3;
	s23 =	sadd.s32 $0x80, s23;
	v15 =	vld [tilespmem:s25+$0xFFFFFFD0];
	v16 =	vadd.f32 v22, v21;
	v17 =	vmul.f32 v17, v19;
	v11 =	vmov v20  }
0x33d: {  	s29 =	sadd.s32 $0x1, s29;
	s10 =	sand.u32 $0x380, s24;
	s7 =	sand.u32 $0x1800, s3;
	v18 =	vld [tilespmem:s25+$0xFFFFFFC0]  }
0x33e: {  	s3 =	sor.u32 s10, s7;
	v19 =	vld [tilespmem:s23+$0xFFFFFFC0]  }
0x33f: {  	v20 =	vld [tilespmem:s3+$0x2780]  }
0x340: {  	v21 =	vld [tilespmem:s23+$0xFFFFFFD0]  }
0x341: {  	v22 =	vld [tilespmem:s3+$0x2790]  }
0x342: {  	v23 =	vld [tilespmem:s23+$0xFFFFFFE0]  }
0x343: {  	v24 =	vld [tilespmem:s3+$0x27A0]  }
0x344: {  	v52 =	vld [tilespmem:s23+$0xFFFFFFF0];
	v19 =	vadd.f32 v19, v20  }
0x345: {  	v25 =	vld [tilespmem:s3+$0x27B0]  }
0x346: {  	v54 =	vld [tilespmem:s23+$0x0];
	v53 =	vadd.f32 v21, v22;
	v18 =	vmul.f32 v19, v18  }
0x347: {  	v55 =	vld [tilespmem:s3+$0x27C0]  }
0x348: {  	v57 =	vld [tilespmem:s23+$0x10];
	v56 =	vadd.f32 v23, v24;
	v15 =	vmul.f32 v53, v15;
	v18 =	vadd.f32 $0.0e+00, v18  }
0x349: {  	v58 =	vld [tilespmem:s3+$0x27D0]  }
0x34a: {  	v60 =	vld [tilespmem:s23+$0x20];
	v59 =	vadd.f32 v52, v25;
	v14 =	vmul.f32 v56, v14;
	v15 =	vadd.f32 v15, v18  }
0x34b: {  	v61 =	vld [tilespmem:s3+$0x27E0]  }
0x34c: {  	v62 =	vld [tilespmem:s23+$0x30];
	v13 =	vmul.f32 v59, v13;
	v14 =	vadd.f32 v14, v15;
	v15 =	vadd.f32 v54, v55  }
0x34d: {  	v63 =	vld [tilespmem:s3+$0x27F0]  }
0x34e: {  	v13 =	vadd.f32 v13, v14;
	v12 =	vmul.f32 v15, v12;
	v14 =	vadd.f32 v57, v58  }
0x34f: {  	v15 =	vld [tilespmem:s25+$0x30]  }
0x350: {  	v12 =	vadd.f32 v12, v13;
	v10 =	vmul.f32 v14, v10;
	v13 =	vadd.f32 v60, v61;
	_ =	sdelay $0x1  }
0x351: {  	v10 =	vadd.f32 v10, v12;
	v11 =	vmul.f32 v13, v11;
	v12 =	vadd.f32 v62, v63;
	_ =	sdelay $0x1  }
0x352: {  	v10 =	vadd.f32 v11, v10;
	v11 =	vmul.f32 v12, v15  }
0x353: {  	v12 =	vadd.f32 v17, v16  }
0x354: {  	v10 =	vadd.f32 v11, v10  }
0x355: {  	(xrf2) =	vadd.scan.msk.f32 $0xffff, v12  }
0x356: {  	(xrf2) =	vadd.scan.msk.f32 $0xffff, v10;
	_ =	sdelay $0x8  }
0x357: {  	v10, _, _ =	vpop (xrf2)  }
0x358: {  	v11 =	vmov s4;
	v10 =	vbroadcast v10, $0xF;
	v12, _, _ =	vpop (xrf2)  }
0x359: {  	vm1 =	veq.s32 v11, v1;
	v11 =	vmov s0;
	v12 =	vbroadcast v12, $0xF  }
0x35a: {  	v9 =	vsel vm1, v10, v9;
	vm1 =	veq.s32 v11, v1  }
0x35b: {  	v9 =	vsel vm1, v12, v9  }
0x35c: {  	v9 =	vmul.f32 $8.838834610e-02, v9;
	_ =	sdelay $0x1  }
0x35d: {  	v9 =	vmul.f32 $1.442695020e+00, v9;
	_ =	sdelay $0x1  }
0x35e: {  	(erf) = vpow2.f32 v9;
	_ =	sdelay $0x1  }
0x35f: {  	s0 =	simm.s32 $0x0;
	v9 =	vld [tilespmem:s19+$0x80]  }
0x360: {  	v11 =	vmov s0  }
0x361: {  	vm1 =	veq.s32 v11, v1;
	_ =	sdelay $0x4  }
0x362: {  	s31 =	sand.u32 $0x380, s0;
	v10 =	vpop (erf)  }
0x363: {  	s3 =	sor.u32 s31, s22;
	[tilespmem:v9+s28+$0x0] =	vst.idx.add.f32.msk vm1, v10  }
0x364: {  	v12 =	vld [tilespmem:s3+$0x2B80]  }
0x365: {  	v13 =	vld [tilespmem:s17+$0xFFFFFFC0];
	_ =	sdelay $0x4  }
0x366: {  	v11 =	vperm.xlane v10, v11;
	v12 =	vadd.f32 v13, v12;
	_ =	sdelay $0x1  }
0x367: {  	v12 =	vmul.f32 v12, v11;
	_ =	sdelay $0x1  }
0x368: {  	[tilespmem:s16+$0xFFFFFFC0] =	vst v12  }
0x369: {  	v12 =	vld [tilespmem:s3+$0x2B90]  }
0x36a: {  	v13 =	vld [tilespmem:s17+$0xFFFFFFD0];
	_ =	sdelay $0x4  }
0x36b: {  	v12 =	vadd.f32 v13, v12;
	_ =	sdelay $0x1  }
0x36c: {  	v12 =	vmul.f32 v12, v11;
	_ =	sdelay $0x1  }
0x36d: {  	[tilespmem:s16+$0xFFFFFFD0] =	vst v12  }
0x36e: {  	v12 =	vld [tilespmem:s3+$0x2BA0]  }
0x36f: {  	v13 =	vld [tilespmem:s17+$0xFFFFFFE0];
	_ =	sdelay $0x4  }
0x370: {  	v12 =	vadd.f32 v13, v12;
	_ =	sdelay $0x1  }
0x371: {  	v12 =	vmul.f32 v12, v11;
	_ =	sdelay $0x1  }
0x372: {  	[tilespmem:s16+$0xFFFFFFE0] =	vst v12  }
0x373: {  	v12 =	vld [tilespmem:s3+$0x2BB0]  }
0x374: {  	v13 =	vld [tilespmem:s17+$0xFFFFFFF0];
	_ =	sdelay $0x4  }
0x375: {  	v12 =	vadd.f32 v13, v12;
	_ =	sdelay $0x1  }
0x376: {  	v12 =	vmul.f32 v12, v11;
	_ =	sdelay $0x1  }
0x377: {  	[tilespmem:s16+$0xFFFFFFF0] =	vst v12  }
0x378: {  	v12 =	vld [tilespmem:s3+$0x2BC0]  }
0x379: {  	v13 =	vld [tilespmem:s17+$0x0];
	_ =	sdelay $0x4  }
0x37a: {  	v12 =	vadd.f32 v13, v12;
	_ =	sdelay $0x1  }
0x37b: {  	v12 =	vmul.f32 v12, v11;
	_ =	sdelay $0x1  }
0x37c: {  	[tilespmem:s16+$0x0] =	vst v12  }
0x37d: {  	v12 =	vld [tilespmem:s3+$0x2BD0]  }
0x37e: {  	v13 =	vld [tilespmem:s17+$0x10];
	_ =	sdelay $0x4  }
0x37f: {  	v12 =	vadd.f32 v13, v12;
	_ =	sdelay $0x1  }
0x380: {  	v12 =	vmul.f32 v12, v11;
	_ =	sdelay $0x1  }
0x381: {  	[tilespmem:s16+$0x10] =	vst v12  }
0x382: {  	v12 =	vld [tilespmem:s3+$0x2BE0]  }
0x383: {  	v13 =	vld [tilespmem:s17+$0x20];
	_ =	sdelay $0x4  }
0x384: {  	v12 =	vadd.f32 v13, v12;
	_ =	sdelay $0x1  }
0x385: {  	v12 =	vmul.f32 v12, v11;
	_ =	sdelay $0x1  }
0x386: {  	[tilespmem:s16+$0x20] =	vst v12  }
0x387: {  	v12 =	vld [tilespmem:s3+$0x2BF0]  }
0x388: {  	s4 =	simm.s32 $0x1;
	s19 =	sadd.s32 $0x80, s16;
	v13 =	vld [tilespmem:s17+$0x30]  }
.LBB2_23:
0x389: {  	s0 =	sadd.s32 $0x80, s0;
	s13 =	sadd.s32 $0x100, s13;
	s17 =	sadd.s32 $0x80, s17  }
0x38a: {  	p4 =	sne.s32 s4, $0xF;
	s3 =	smov.u32 s4;
	s4 =	sadd.s32 $0x1, s4  }
0x38b: {  	v14 =	vmov s3  }
0x38c: {  	vm1 =	veq.s32 v14, v1  }
0x38d: {  	v12 =	vadd.f32 v13, v12;
	_ =	sdelay $0x1  }
0x38e: {  	v11 =	vmul.f32 v12, v11;
	_ =	sdelay $0x1  }
0x38f: {  	s3 =	sand.u32 $0x1800, s13;
	s7 =	sand.u32 $0x380, s0;
	[tilespmem:s16+$0x30] =	vst v11;
	s16 =	smov.u32 s19  }
0x390: {  	s22 =	sor.u32 s7, s3;
	[tilespmem:v9+s28+$0x0] =	vst.idx.add.f32.msk vm1, v10  }
0x391: {  	v12 =	vld [tilespmem:s22+$0x2B80]  }
0x392: {  	v13 =	vld [tilespmem:s17+$0xFFFFFFC0];
	_ =	sdelay $0x3  }
0x393: {  	v11 =	vperm.xlane v10, v14  }
0x394: {  	v12 =	vadd.f32 v13, v12;
	_ =	sdelay $0x1  }
0x395: {  	v12 =	vmul.f32 v12, v11;
	_ =	sdelay $0x1  }
0x396: {  	[tilespmem:s19+$0xFFFFFFC0] =	vst v12  }
0x397: {  	v12 =	vld [tilespmem:s22+$0x2B90]  }
0x398: {  	v13 =	vld [tilespmem:s17+$0xFFFFFFD0];
	_ =	sdelay $0x4  }
0x399: {  	v12 =	vadd.f32 v13, v12;
	_ =	sdelay $0x1  }
0x39a: {  	v12 =	vmul.f32 v12, v11;
	_ =	sdelay $0x1  }
0x39b: {  	[tilespmem:s19+$0xFFFFFFD0] =	vst v12  }
0x39c: {  	v12 =	vld [tilespmem:s22+$0x2BA0]  }
0x39d: {  	v13 =	vld [tilespmem:s17+$0xFFFFFFE0];
	_ =	sdelay $0x4  }
0x39e: {  	v12 =	vadd.f32 v13, v12;
	_ =	sdelay $0x1  }
0x39f: {  	v12 =	vmul.f32 v12, v11;
	_ =	sdelay $0x1  }
0x3a0: {  	[tilespmem:s19+$0xFFFFFFE0] =	vst v12  }
0x3a1: {  	v12 =	vld [tilespmem:s22+$0x2BB0]  }
0x3a2: {  	v13 =	vld [tilespmem:s17+$0xFFFFFFF0];
	_ =	sdelay $0x4  }
0x3a3: {  	v12 =	vadd.f32 v13, v12;
	_ =	sdelay $0x1  }
0x3a4: {  	v12 =	vmul.f32 v12, v11;
	_ =	sdelay $0x1  }
0x3a5: {  	[tilespmem:s19+$0xFFFFFFF0] =	vst v12  }
0x3a6: {  	v12 =	vld [tilespmem:s22+$0x2BC0]  }
0x3a7: {  	v13 =	vld [tilespmem:s17+$0x0];
	_ =	sdelay $0x4  }
0x3a8: {  	v12 =	vadd.f32 v13, v12;
	_ =	sdelay $0x1  }
0x3a9: {  	v12 =	vmul.f32 v12, v11;
	_ =	sdelay $0x1  }
0x3aa: {  	[tilespmem:s19+$0x0] =	vst v12  }
0x3ab: {  	v12 =	vld [tilespmem:s22+$0x2BD0]  }
0x3ac: {  	v13 =	vld [tilespmem:s17+$0x10];
	_ =	sdelay $0x4  }
0x3ad: {  	v12 =	vadd.f32 v13, v12;
	_ =	sdelay $0x1  }
0x3ae: {  	v12 =	vmul.f32 v12, v11;
	_ =	sdelay $0x1  }
0x3af: {  	[tilespmem:s19+$0x10] =	vst v12  }
0x3b0: {  	v12 =	vld [tilespmem:s22+$0x2BE0]  }
0x3b1: {  	v13 =	vld [tilespmem:s17+$0x20];
	_ =	sdelay $0x4  }
0x3b2: {  	v12 =	vadd.f32 v13, v12;
	_ =	sdelay $0x1  }
.Ltmp10:
0x3b3: {  	v12 =	vmul.f32 v12, v11;
	(pc) =	sbr.rel @p4 .LBB2_23-.Ltmp10, $4  }
0x3b4: {  	_ = 	snop  }
0x3b5: {  	[tilespmem:s19+$0x20] =	vst v12  }
0x3b6: {  	v12 =	vld [tilespmem:s22+$0x2BF0]  }
0x3b7: {  	s19 =	sadd.s32 $0x80, s19;
	v13 =	vld [tilespmem:s17+$0x30]  }
0x3b8: {  	_ =	sdelay $0x3  }
.Ltmp11:
0x3b9: {  	v9 =	vadd.f32 v13, v12;
	(pc) =	sbr.rel @p3 .LBB2_20-.Ltmp11, $3  }
0x3ba: {  	_ = 	snop  }
0x3bb: {  	v9 =	vmul.f32 v9, v11;
	_ =	sdelay $0x1  }
0x3bc: {  	s19 =	simm.s32 $0x10;
	p4 =	por $0x0, $0x0;
	[tilespmem:s16+$0x30] =	vst v9  }
0x3bd: {  	v9 =	vld [tilespmem:$0x80]  }
0x3be: {  	v10 =	vld [tilespmem:$0x90];
	_ =	sdelay $0x3  }
0x3bf: {  	[tilespmem:$0x600] =	vst v9  }
0x3c0: {  	s0 =	rddreg [dreg:$0x4];
	s3 =	simm.s32 $0x600;
	s23 =	simm.s32 $0x4;
	[tilespmem:$0x610] =	vst v10  }
0x3c1: {  	[spmem:s0] =	stream.indirect.scatter.add.f32 [tilespmem:s18], [sflag:$0x4], $0x80, s3, s8, $0xb8;
	[tilespmem:$0x1EAC0] =	vst v63  }
0x3c2: {  	_ =	swait.ge [sflag:s23], $0x1000  }
0x3c3: {  	[sflag:s23] =	ssyncset.done $0x0  }
0x3c4: {  	[sflag:s23] =	ssyncadd.s32 $0xFFFFF000  }
0x3c5: {  	s24 =	simm.s32 $0x50;
	s4 =	simm.s32 $0x700;
	s0 =	rddreg [dreg:$0x5]  }
0x3c6: {  	[spmem:s0] =	stream.indirect.scatter.add.f32 [tilespmem:s28], [sflag:$0x7], $0x80, s4, s24, $0xb8;
	[tilespmem:$0x1EAC0] =	vst v63  }
0x3c7: {  	_ =	swait.ge [sflag:s26], $0x2800  }
0x3c8: {  	[sflag:s26] =	ssyncset.done $0x0  }
0x3c9: {  	[sflag:s26] =	ssyncadd.s32 $0xFFFFD800  }
0x3ca: {  	[bflag:$0x0] =	sbarrier.arrive $0xFFFF  }
0x3cb: {  	s25 =	sld [smem:$0x7FD];
	_ =	sdelay $0x1  }
0x3cc: {  	s31 =	simm.s32 $0x9F80  }
0x3cd: {  	[tilespmem:s31], [sflag:$0x7] =	stream.linear.gather [spmem:s25], $0x800, $0x38;
	[tilespmem:$0x1EAC0] =	vst v63  }
0x3ce: {  	_ =	swait.ge [sflag:s26], $0x800  }
0x3cf: {  	s22 =	rddreg [dreg:$0x8]  }
0x3d0: {  	s23 =	rddreg [dreg:$0x9]  }
0x3d1: {  	s24 =	rddreg [dreg:$0xb]  }
0x3d2: {  	s17 =	simm.s32 $0x300;
	s10 =	rddreg [dreg:$0x13]  }
0x3d3: {  	s30 =	simm.s32 $0x2780;
	s3 =	simm.s32 $0x0;
	s19 =	rddreg [dreg:$0x18]  }
0x3d4: {  	s18 =	simm.s32 $0xA780;
	[sflag:s26] =	ssyncset.done $0x0;
	s25 =	rddreg [dreg:$0x1c]  }
0x3d5: {  	s0 =	simm.s32 $0x0;
	s29 =	rddreg [dreg:$0x1f];
	[sflag:s26] =	ssyncadd.s32 $0xFFFFF800  }
.LBB2_26:
0x3d6: {  	s4 =	sshll.u32 s3, $0x4  }
0x3d7: {  	s4 =	sadd.s32 s25, s4  }
0x3d8: {  	s5 =	ssub.s32 s4, s29  }
0x3d9: {  	s7 =	sand.u32 $0x70, s4;
	s5 =	sand.u32 $0xFFFFFF80, s5  }
0x3da: {  	s5 =	sor.u32 s7, s5  }
0x3db: {  	v9 =	vld [tilespmem:s5+$0x9F80];
	_ =	sdelay $0x4  }
0x3dc: {  	v9 =	vadd.f32 $1.000000020e-16, v9;
	_ =	sdelay $0x1  }
0x3dd: {  	(erf) = vrcp.f32 v9;
	_ =	sdelay $0x5  }
0x3de: {  	s20 =	sshll.u32 s4, $0x9  }
0x3df: {  	s31 =	rddreg [dreg:$0x4];
	s5 =	sshra.s32 s20, $0x2  }
0x3e0: {  	s5 =	sadd.s32 s5, s31  }
0x3e1: {  	[tilespmem:s18], [sflag:$0x7] =	stream.linear.gather [spmem:s5], $0x800, $0x38;
	v9 =	vpop (erf);
	[tilespmem:$0x1EAC0] =	vst v63  }
0x3e2: {  	_ =	swait.ge [sflag:s26], $0x800  }
0x3e3: {  	[sflag:s26] =	ssyncset.done $0x0  }
0x3e4: {  	s5 =	simm.s32 $0xA7C0;
	[sflag:s26] =	ssyncadd.s32 $0xFFFFF800  }
0x3e5: {  	v14 =	vld [tilespmem:s5+$0xFFFFFFC0]  }
0x3e6: {  	v16 =	vld [tilespmem:s5+$0xFFFFFFD0]  }
0x3e7: {  	v10 =	vmov s0;
	v15 =	vld [tilespmem:s5+$0xFFFFFFE0]  }
0x3e8: {  	v10 =	vperm.xlane v9, v10;
	v12 =	vld [tilespmem:s5+$0x0]  }
0x3e9: {  	v13 =	vld [tilespmem:s5+$0x10]  }
0x3ea: {  	v11 =	vld [tilespmem:s5+$0x20];
	v17 =	vmul.f32 v14, v10  }
0x3eb: {  	s13 =	simm.s32 $0x1;
	s16 =	simm.s32 $0xA7C0;
	v16 =	vmul.f32 v16, v10;
	v14 =	vld [tilespmem:s5+$0x30]  }
.LBB2_27:
0x3ec: {  	p3 =	sne.s32 s13, $0xF;
	[tilespmem:s5+$0xFFFFFFC0] =	vst v17;
	v15 =	vmul.f32 v15, v10;
	v17 =	vld [tilespmem:s5+$0xFFFFFFF0];
	s16 =	sadd.s32 $0x80, s16  }
0x3ed: {  	v18 =	vld [tilespmem:s16+$0xFFFFFFC0];
	[tilespmem:s5+$0xFFFFFFD0] =	vst v16;
	v12 =	vmul.f32 v12, v10  }
0x3ee: {  	v16 =	vld [tilespmem:s16+$0xFFFFFFD0];
	[tilespmem:s5+$0xFFFFFFE0] =	vst v15;
	v13 =	vmul.f32 v13, v10  }
.Ltmp12:
0x3ef: {  	v19 =	vmov s13;
	v15 =	vld [tilespmem:s16+$0xFFFFFFE0];
	[tilespmem:s5+$0x0] =	vst v12;
	v11 =	vmul.f32 v11, v10;
	(pc) =	sbr.rel @p3 .LBB2_27-.Ltmp12, $4  }
0x3f0: {  	v19 =	vperm.xlane v9, v19;
	v12 =	vld [tilespmem:s16+$0x0];
	[tilespmem:s5+$0x10] =	vst v13;
	v14 =	vmul.f32 v14, v10  }
0x3f1: {  	v13 =	vld [tilespmem:s16+$0x10];
	v20 =	vmul.f32 v17, v10;
	[tilespmem:s5+$0x20] =	vst v11  }
0x3f2: {  	v10 =	vmov v19;
	v17 =	vmul.f32 v18, v19;
	v11 =	vld [tilespmem:s16+$0x20];
	[tilespmem:s5+$0x30] =	vst v14  }
0x3f3: {  	s13 =	sadd.s32 $0x1, s13;
	v16 =	vmul.f32 v16, v10;
	v14 =	vld [tilespmem:s16+$0x30];
	[tilespmem:s5+$0xFFFFFFF0] =	vst v20;
	s5 =	smov.u32 s16  }
0x3f4: {  	[tilespmem:s5+$0xFFFFFFC0] =	vst v17;
	v9 =	vmul.f32 v15, v10;
	v63 =	vld [tilespmem:s5+$0xFFFFFFF0]  }
0x3f5: {  	[tilespmem:s5+$0xFFFFFFD0] =	vst v16;
	v12 =	vmul.f32 v12, v10  }
0x3f6: {  	[tilespmem:s5+$0xFFFFFFE0] =	vst v9;
	v9 =	vmul.f32 v13, v10  }
0x3f7: {  	[tilespmem:s5+$0x0] =	vst v12;
	v11 =	vmul.f32 v11, v10  }
0x3f8: {  	[tilespmem:s5+$0x10] =	vst v9;
	v9 =	vmul.f32 v14, v10  }
0x3f9: {  	s4 =	sadd.s32 s23, s4;
	s3 =	sadd.s32 $0x1, s3;
	v10 =	vmul.f32 v63, v10;
	[tilespmem:s5+$0x20] =	vst v11  }
0x3fa: {  	s4 =	sshll.u32 s4, $0x4;
	p3 =	sne.s32 s3, s19;
	[tilespmem:s5+$0x30] =	vst v9  }
.Ltmp13:
0x3fb: {  	s4 =	sadd.s32 s10, s4;
	[tilespmem:s5+$0xFFFFFFF0] =	vst v10;
	(pc) =	sbr.rel @p3 .LBB2_26-.Ltmp13, $4  }
0x3fc: {  	[hbm4b:s4+s6] =	stream.linear.scatter [tilespmem:s18], [sflag:$0x7], $0x800, $0x38;
	[tilespmem:$0x1EAC0] =	vst v63  }
0x3fd: {  	_ =	swait.ge [sflag:s26], $0x800  }
0x3fe: {  	[sflag:s26] =	ssyncset.done $0x0  }
0x3ff: {  	[sflag:s26] =	ssyncadd.s32 $0xFFFFF800  }
0x400: {  	s3 =	sld [smem:$0x7F9];
	_ =	sdelay $0x2  }
0x401: {  	s0 =	rddreg [dreg:$0x1b];
	s3 =	sadd.s32 $0x1, s3  }
0x402: {  	p3 =	sne.s32 s3, s0  }
.Ltmp14:
0x403: {  	_ = 	snop;
	(pc) =	sbr.rel @p3 .LBB2_1-.Ltmp14, $3  }
0x404: {  	_ =	sdelay $0x1  }
0x405: {  	s13 =	rddreg [dreg:$0x1d]  }
0x406: {  	s16 =	simm.s32 $0x18;
	s5 =	simm.s32 $0x3780;
	s7 =	simm.s32 $0x4780  }
0x407: {  	_ =	sfence.sel $0x180000  }
0x408: {  	[bflag:$0x0] =	sbarrier.arrive $0xFFFF  }
0x409: {  	_ =	strace $0x90000047  }
0x40a: {  	s0 =	stileid.u32;
	[bflag:$0x2] =	sbarrier.arrive $0xFFFF  }
0x40b: {  	p0 =	sne.s32 s0, $0x0;
	s0 =	rddreg [dreg:$0x6]  }
0x40c: {  	s0 =	sadd.s32 @!p0 $0x100000, s0  }
0x40d: {  	[sflag:s0] =	ssyncadd.tile.s32 @!p0 $0x1;
	_ =	shalt  }
.Lfunc_end2:
_tile_overlayer_lowered:
.L_overlay_start_2:
0x40e: {  	(tag) =	ssettag $0x2  }
0x40f: {  	s0 =	rddreg [dreg:$0x0];
	s2 =	stileid.u32  }
0x410: {  	s1 =	rddreg [dreg:$0x1];
	p0 =	sne.s32 s2, $0x0  }
0x411: {  	s3 =	rddreg [dreg:$0x2];
	[bflag:$0x3] =	sbarrier.arrive $0xFFFF;
	s2 =	simm.s32 @!p0 $0x1C07  }
0x412: {  	[timem:s3], [sflag:s2] =	dma.local @!p0 [hbm:s0], s1  }
0x413: {  	s0 =	simm.s32 @!p0 $0x7  }
0x414: {  	_ =	swait.ge @!p0 [sflag:s0], s1  }
0x415: {  	s1 =	ssub.s32 @!p0 $0x0, s1;
	[sflag:s0] =	ssyncset.done @!p0 $0x0  }
0x416: {  	[sflag:s0] =	ssyncadd.s32 @!p0 s1  }
0x417: {  	[bflag:$0x3] =	sbarrier.arrive $0xFFFF  }
0x418: {  	_ =	shalt  }

</sc_bundles>
